<compile_context>
chip_gen: v7x
topology: tpu7x:2x2x1
jax: 0.10.2.dev20260603
libtpu: 0.0.44.dev20260713+nightly
codegen_flags: <defaults>
</compile_context>

<pallas_src>
import jax
import jax.numpy as jnp
from jax import lax
from jax.experimental import pallas as pl
from jax.experimental.pallas import tpu as pltpu
from jax.experimental.pallas import tpu_sc as plsc

B, S, D, N_DEC = 1024, 50, 128, 8
NC, NS = 2, 16
NW = NC * NS
RPW = B // NW
NBUF = 8
LOOK = 4


def _select_body(o0, o1, o2, o3, o4, o5, o6, o7, cid_hbm, out_hbm,
                 cid_v, buf, gsem, ssem):
    srcs = [o0, o1, o2, o3, o4, o5, o6, o7]
    wid = lax.axis_index("s") * NC + lax.axis_index("c")
    base = wid * RPW
    pltpu.sync_copy(cid_hbm.at[pl.ds(base, RPW)], cid_v.at[pl.ds(0, RPW)])

    def gather(j, slot):
        c = cid_v[pl.ds(j, 16)][0]
        for i in range(N_DEC):
            @pl.when(c == i)
            def _():
                pltpu.make_async_copy(
                    srcs[i].at[:, base + j], buf.at[:, slot],
                    gsem.at[slot]).start()

    for k in range(LOOK):
        gather(k, k)

    def step(j, carry):
        slot = lax.rem(j, NBUF)
        nslot = lax.rem(j + LOOK, NBUF)

        @pl.when(jnp.logical_and(j >= LOOK, j + LOOK < RPW))
        def _():
            pltpu.make_async_copy(o0.at[:, 0], out_hbm.at[:, 0],
                                  ssem.at[nslot]).wait()

        pltpu.make_async_copy(o0.at[:, 0], buf.at[:, 0],
                              gsem.at[slot]).wait()
        pltpu.make_async_copy(buf.at[:, slot], out_hbm.at[:, base + j],
                              ssem.at[slot]).start()

        @pl.when(j + LOOK < RPW)
        def _():
            gather(j + LOOK, nslot)

        return carry

    lax.fori_loop(0, RPW, step, 0)

    for k in range(NBUF):
        pltpu.make_async_copy(o0.at[:, 0], out_hbm.at[:, 0],
                              ssem.at[k]).wait()


@jax.jit
def _select(outs, cid):
    mesh = plsc.VectorSubcoreMesh(core_axis_name="c", subcore_axis_name="s")
    return pl.kernel(
        _select_body,
        out_type=jax.ShapeDtypeStruct((S, B, D), jnp.float32),
        mesh=mesh,
        scratch_types=[
            pltpu.VMEM((RPW + 32,), jnp.int32),
            pltpu.VMEM((S, NBUF, D), jnp.float32),
            pltpu.SemaphoreType.DMA((NBUF,)),
            pltpu.SemaphoreType.DMA((NBUF,)),
        ],
        compiler_params=pltpu.CompilerParams(use_tc_tiling_on_sc=True),
    )(*outs, cid)


def kernel(out0, out1, out2, out3, out4, out5, out6, out7, comp_id):
    outs = [jnp.transpose(o, (1, 0, 2)) for o in
            (out0, out1, out2, out3, out4, out5, out6, out7)]
    cid = comp_id.reshape(B)
    res = _select(outs, cid)
    return jnp.transpose(res, (1, 0, 2))

# --- scband reference (transcript-rebuilt; emitter-appended) ---
"""Pipeline reference for scband-select-decoder-output-32332513804568 (READ-ONLY COPY).

The authoritative reference and input builder live on the scoring server;
editing this copy changes nothing except your own understanding.
"""

import jax, jax.numpy as jnp
import numpy as np

B, S, D, N_DEC = 1024, 50, 128, 8

def setup_inputs(seed: int = 0) -> dict:
    key = jax.random.key(seed)
    keys = jax.random.split(key, N_DEC + 1)
    inp = {}
    for i in range(N_DEC):
        inp[f"out{i}"] = jax.random.normal(keys[i], (B, S, D), dtype=jnp.float32)
    inp["comp_id"] = jax.random.randint(keys[N_DEC], (B, 1), 0, N_DEC, dtype=jnp.int32)
    return inp

def reference(out0, out1, out2, out3, out4, out5, out6, out7, comp_id):
    # Faithful translation of SelectDecoderOutput.call:
    # outputs = inputs[:-1]; comp_id = inputs[-1]
    outputs = [out0, out1, out2, out3, out4, out5, out6, out7]
    stacked = jnp.stack(outputs, axis=1)          # [B, N_DEC, S, D]
    cid = jnp.squeeze(comp_id, axis=-1)            # [B]
    batch_indices = jnp.arange(stacked.shape[0])   # [B]
    # tf.gather_nd(stacked, stack([batch_idx, comp_id], axis=1))
    selected = stacked[batch_indices, cid]         # [B, S, D]
    return selected

if __name__ == "__main__":
    import jax
    _d = setup_inputs()
    print(jax.jit(kernel)(*tuple(_d.values())))

</pallas_src>

<mosaic_0001>
#map = affine_map<(d0, d1) -> (0, 0, 0)>
#map1 = affine_map<(d0, d1) -> (0)>
module attributes {stable_mosaic.version = 14 : i64} {
  func.func @_select_body(%arg0: i32, %arg1: i32, %arg2: memref<50x1024x128xf32, #tpu.memory_space<hbm>>, %arg3: memref<50x1024x128xf32, #tpu.memory_space<hbm>>, %arg4: memref<50x1024x128xf32, #tpu.memory_space<hbm>>, %arg5: memref<50x1024x128xf32, #tpu.memory_space<hbm>>, %arg6: memref<50x1024x128xf32, #tpu.memory_space<hbm>>, %arg7: memref<50x1024x128xf32, #tpu.memory_space<hbm>>, %arg8: memref<50x1024x128xf32, #tpu.memory_space<hbm>>, %arg9: memref<50x1024x128xf32, #tpu.memory_space<hbm>>, %arg10: memref<1024xi32, #tpu.memory_space<hbm>>, %arg11: memref<50x1024x128xf32, #tpu.memory_space<hbm>>, %arg12: memref<64xi32, #tpu.memory_space<vmem>>, %arg13: memref<50x8x128xf32, #tpu.memory_space<vmem>>, %arg14: memref<8x!tpu.dma_semaphore, #tpu.memory_space<semaphore_mem>>, %arg15: memref<8x!tpu.dma_semaphore, #tpu.memory_space<semaphore_mem>>) attributes {dimension_semantics = [#tpu.dimension_semantics<core_parallel>, #tpu.dimension_semantics<subcore_parallel>], iteration_bounds = array<i64: 2, 16>, scalar_prefetch = 0 : i64, scratch_operands = 4 : i64, tpu.core_type = #tpu.core_type<sc_vector_subcore>, window_params = [{transform_indices = #map}, {transform_indices = #map}, {transform_indices = #map}, {transform_indices = #map}, {transform_indices = #map}, {transform_indices = #map}, {transform_indices = #map}, {transform_indices = #map}, {transform_indices = #map1}, {transform_indices = #map}]} {
    %mul3A = arith.constant 2 : i32
    %mul3A_0 = arith.muli %arg1, %mul3A : i32
    %add3A = arith.addi %mul3A_0, %arg0 : i32
    %mul3A_1 = arith.constant 32 : i32
    %mul3A_2 = arith.muli %add3A, %mul3A_1 : i32
    "tpu.region"() ({
      %run_scoped3A = tpu.sem_alloc : memref<!tpu.dma_semaphore, #tpu.memory_space<semaphore_mem>>
      %dma_start3A = arith.constant 0 : i32
      %dma_start3A_285 = tpu.memref_slice %arg12[%dma_start3A] : memref<64xi32, #tpu.memory_space<vmem>> -> memref<32xi32, #tpu.memory_space<vmem>>
      %dma_start3A_286 = tpu.memref_slice %arg10[%mul3A_2] : memref<1024xi32, #tpu.memory_space<hbm>> -> memref<32xi32, #tpu.memory_space<hbm>>
      %dma_start3A_287 = arith.constant 0 : i32
      %dma_start3A_288 = tpu.memref_slice %arg12[%dma_start3A_287] : memref<64xi32, #tpu.memory_space<vmem>> -> memref<32xi32, #tpu.memory_space<vmem>>
      %dma_start3A_289 = tpu.memref_slice %arg10[%mul3A_2] : memref<1024xi32, #tpu.memory_space<hbm>> -> memref<32xi32, #tpu.memory_space<hbm>>
      tpu.enqueue_dma source(%dma_start3A_289 : memref<32xi32, #tpu.memory_space<hbm>>) target(%dma_start3A_288 : memref<32xi32, #tpu.memory_space<vmem>>) target_semaphore(%run_scoped3A : memref<!tpu.dma_semaphore, #tpu.memory_space<semaphore_mem>>)
      %dma_wait3A_290 = arith.constant 0 : i32
      %dma_wait3A_291 = tpu.memref_slice %arg12[%dma_wait3A_290] : memref<64xi32, #tpu.memory_space<vmem>> -> memref<32xi32, #tpu.memory_space<vmem>>
      %dma_wait3A_292 = tpu.memref_slice %arg10[%mul3A_2] : memref<1024xi32, #tpu.memory_space<hbm>> -> memref<32xi32, #tpu.memory_space<hbm>>
      %dma_wait3A_293 = arith.constant 0 : i32
      %dma_wait3A_294 = tpu.memref_slice %arg12[%dma_wait3A_293] : memref<64xi32, #tpu.memory_space<vmem>> -> memref<32xi32, #tpu.memory_space<vmem>>
      %dma_wait3A_295 = tpu.memref_slice %arg10[%mul3A_2] : memref<1024xi32, #tpu.memory_space<hbm>> -> memref<32xi32, #tpu.memory_space<hbm>>
      tpu.wait_dma2 semaphore(%run_scoped3A : memref<!tpu.dma_semaphore, #tpu.memory_space<semaphore_mem>>) src(%dma_wait3A_295 : memref<32xi32, #tpu.memory_space<hbm>>) dst(%dma_wait3A_294 : memref<32xi32, #tpu.memory_space<vmem>>)
      tpu.yield
    }) : () -> ()
    %get3A = arith.constant 0 : index
    %get3A_3 = tpu.vector_load %arg12[%get3A] {strides = array<i32>} : memref<64xi32, #tpu.memory_space<vmem>>, vector<16xi32>,
    %get3A_4 = vector.shape_cast %get3A_3 : vector<16xi32> to vector<16xi32>
    %slice3A = vector.extract_strided_slice %get3A_4 {offsets = [0], sizes = [1], strides = [1]} : vector<16xi32> to vector<1xi32>
    %squeeze3A = vector.extract %slice3A[0] : i32 from vector<1xi32>
    %eq3A = arith.constant 0 : i32
    %eq3A_5 = arith.cmpi eq, %squeeze3A, %eq3A : i32
    %convert_element_type3A = arith.extui %eq3A_5 : i1 to i32
    %cond3A = arith.constant 0 : i32
    %cond3A_6 = arith.cmpi ne, %convert_element_type3A, %cond3A : i32
    scf.if %cond3A_6 {
      %add3A_285 = arith.constant 0 : i32
      %add3A_286 = arith.addi %mul3A_2, %add3A_285 : i32
      %dma_start3A = arith.constant 0 : i32
      %dma_start3A_287 = arith.constant 0 : i32
      %dma_start3A_288 = arith.constant 0 : i32
      %dma_start3A_289 = arith.constant 0 : i32
      %dma_start3A_290 = tpu.memref_slice %arg13[%dma_start3A_288, %dma_start3A, %dma_start3A_289] : memref<50x8x128xf32, #tpu.memory_space<vmem>> -> memref<50x1x128xf32, #tpu.memory_space<vmem>>
      %dma_start3A_291 = tpu.memref_squeeze %dma_start3A_290 : memref<50x1x128xf32, #tpu.memory_space<vmem>> -> memref<50x128xf32, #tpu.memory_space<vmem>>
      %dma_start3A_292 = arith.constant 0 : i32
      %dma_start3A_293 = arith.constant 0 : i32
      %dma_start3A_294 = tpu.memref_slice %arg2[%dma_start3A_292, %add3A_286, %dma_start3A_293] : memref<50x1024x128xf32, #tpu.memory_space<hbm>> -> memref<50x1x128xf32, #tpu.memory_space<hbm>>
      %dma_start3A_295 = tpu.memref_squeeze %dma_start3A_294 : memref<50x1x128xf32, #tpu.memory_space<hbm>> -> memref<50x128xf32, #tpu.memory_space<hbm>>
      %dma_start3A_296 = tpu.memref_slice %arg14[%dma_start3A_287] : memref<8x!tpu.dma_semaphore, #tpu.memory_space<semaphore_mem>> -> memref<1x!tpu.dma_semaphore, #tpu.memory_space<semaphore_mem>>
      %dma_start3A_297 = tpu.memref_squeeze %dma_start3A_296 : memref<1x!tpu.dma_semaphore, #tpu.memory_space<semaphore_mem>> -> memref<!tpu.dma_semaphore, #tpu.memory_space<semaphore_mem>>
      %dma_start3A_298 = arith.constant 0 : i32
      %dma_start3A_299 = arith.constant 0 : i32
      %dma_start3A_300 = tpu.memref_slice %arg13[%dma_start3A_298, %dma_start3A, %dma_start3A_299] : memref<50x8x128xf32, #tpu.memory_space<vmem>> -> memref<50x1x128xf32, #tpu.memory_space<vmem>>
      %dma_start3A_301 = tpu.memref_squeeze %dma_start3A_300 : memref<50x1x128xf32, #tpu.memory_space<vmem>> -> memref<50x128xf32, #tpu.memory_space<vmem>>
      %dma_start3A_302 = arith.constant 0 : i32
      %dma_start3A_303 = arith.constant 0 : i32
      %dma_start3A_304 = tpu.memref_slice %arg2[%dma_start3A_302, %add3A_286, %dma_start3A_303] : memref<50x1024x128xf32, #tpu.memory_space<hbm>> -> memref<50x1x128xf32, #tpu.memory_space<hbm>>
      %dma_start3A_305 = tpu.memref_squeeze %dma_start3A_304 : memref<50x1x128xf32, #tpu.memory_space<hbm>> -> memref<50x128xf32, #tpu.memory_space<hbm>>
      tpu.enqueue_dma source(%dma_start3A_305 : memref<50x128xf32, #tpu.memory_space<hbm>>) target(%dma_start3A_301 : memref<50x128xf32, #tpu.memory_space<vmem>>) target_semaphore(%dma_start3A_297 : memref<!tpu.dma_semaphore, #tpu.memory_space<semaphore_mem>>)
    } else {
    }
    %eq3A_7 = arith.constant 1 : i32
    %eq3A_8 = arith.cmpi eq, %squeeze3A, %eq3A_7 : i32
    %convert_element_type3A_9 = arith.extui %eq3A_8 : i1 to i32
    %cond3A_10 = arith.constant 0 : i32
    %cond3A_11 = arith.cmpi ne, %convert_element_type3A_9, %cond3A_10 : i32
    scf.if %cond3A_11 {
      %add3A_285 = arith.constant 0 : i32
      %add3A_286 = arith.addi %mul3A_2, %add3A_285 : i32
      %dma_start3A = arith.constant 0 : i32
      %dma_start3A_287 = arith.constant 0 : i32
      %dma_start3A_288 = arith.constant 0 : i32
      %dma_start3A_289 = arith.constant 0 : i32
      %dma_start3A_290 = tpu.memref_slice %arg13[%dma_start3A_288, %dma_start3A, %dma_start3A_289] : memref<50x8x128xf32, #tpu.memory_space<vmem>> -> memref<50x1x128xf32, #tpu.memory_space<vmem>>
      %dma_start3A_291 = tpu.memref_squeeze %dma_start3A_290 : memref<50x1x128xf32, #tpu.memory_space<vmem>> -> memref<50x128xf32, #tpu.memory_space<vmem>>
      %dma_start3A_292 = arith.constant 0 : i32
      %dma_start3A_293 = arith.constant 0 : i32
      %dma_start3A_294 = tpu.memref_slice %arg3[%dma_start3A_292, %add3A_286, %dma_start3A_293] : memref<50x1024x128xf32, #tpu.memory_space<hbm>> -> memref<50x1x128xf32, #tpu.memory_space<hbm>>
      %dma_start3A_295 = tpu.memref_squeeze %dma_start3A_294 : memref<50x1x128xf32, #tpu.memory_space<hbm>> -> memref<50x128xf32, #tpu.memory_space<hbm>>
      %dma_start3A_296 = tpu.memref_slice %arg14[%dma_start3A_287] : memref<8x!tpu.dma_semaphore, #tpu.memory_space<semaphore_mem>> -> memref<1x!tpu.dma_semaphore, #tpu.memory_space<semaphore_mem>>
      %dma_start3A_297 = tpu.memref_squeeze %dma_start3A_296 : memref<1x!tpu.dma_semaphore, #tpu.memory_space<semaphore_mem>> -> memref<!tpu.dma_semaphore, #tpu.memory_space<semaphore_mem>>
      %dma_start3A_298 = arith.constant 0 : i32
      %dma_start3A_299 = arith.constant 0 : i32
      %dma_start3A_300 = tpu.memref_slice %arg13[%dma_start3A_298, %dma_start3A, %dma_start3A_299] : memref<50x8x128xf32, #tpu.memory_space<vmem>> -> memref<50x1x128xf32, #tpu.memory_space<vmem>>
      %dma_start3A_301 = tpu.memref_squeeze %dma_start3A_300 : memref<50x1x128xf32, #tpu.memory_space<vmem>> -> memref<50x128xf32, #tpu.memory_space<vmem>>
      %dma_start3A_302 = arith.constant 0 : i32
      %dma_start3A_303 = arith.constant 0 : i32
      %dma_start3A_304 = tpu.memref_slice %arg3[%dma_start3A_302, %add3A_286, %dma_start3A_303] : memref<50x1024x128xf32, #tpu.memory_space<hbm>> -> memref<50x1x128xf32, #tpu.memory_space<hbm>>
      %dma_start3A_305 = tpu.memref_squeeze %dma_start3A_304 : memref<50x1x128xf32, #tpu.memory_space<hbm>> -> memref<50x128xf32, #tpu.memory_space<hbm>>
      tpu.enqueue_dma source(%dma_start3A_305 : memref<50x128xf32, #tpu.memory_space<hbm>>) target(%dma_start3A_301 : memref<50x128xf32, #tpu.memory_space<vmem>>) target_semaphore(%dma_start3A_297 : memref<!tpu.dma_semaphore, #tpu.memory_space<semaphore_mem>>)
    } else {
    }
    %eq3A_12 = arith.constant 2 : i32
    %eq3A_13 = arith.cmpi eq, %squeeze3A, %eq3A_12 : i32
    %convert_element_type3A_14 = arith.extui %eq3A_13 : i1 to i32
    %cond3A_15 = arith.constant 0 : i32
    %cond3A_16 = arith.cmpi ne, %convert_element_type3A_14, %cond3A_15 : i32
    scf.if %cond3A_16 {
      %add3A_285 = arith.constant 0 : i32
      %add3A_286 = arith.addi %mul3A_2, %add3A_285 : i32
      %dma_start3A = arith.constant 0 : i32
      %dma_start3A_287 = arith.constant 0 : i32
      %dma_start3A_288 = arith.constant 0 : i32
      %dma_start3A_289 = arith.constant 0 : i32
      %dma_start3A_290 = tpu.memref_slice %arg13[%dma_start3A_288, %dma_start3A, %dma_start3A_289] : memref<50x8x128xf32, #tpu.memory_space<vmem>> -> memref<50x1x128xf32, #tpu.memory_space<vmem>>
      %dma_start3A_291 = tpu.memref_squeeze %dma_start3A_290 : memref<50x1x128xf32, #tpu.memory_space<vmem>> -> memref<50x128xf32, #tpu.memory_space<vmem>>
      %dma_start3A_292 = arith.constant 0 : i32
      %dma_start3A_293 = arith.constant 0 : i32
      %dma_start3A_294 = tpu.memref_slice %arg4[%dma_start3A_292, %add3A_286, %dma_start3A_293] : memref<50x1024x128xf32, #tpu.memory_space<hbm>> -> memref<50x1x128xf32, #tpu.memory_space<hbm>>
      %dma_start3A_295 = tpu.memref_squeeze %dma_start3A_294 : memref<50x1x128xf32, #tpu.memory_space<hbm>> -> memref<50x128xf32, #tpu.memory_space<hbm>>
      %dma_start3A_296 = tpu.memref_slice %arg14[%dma_start3A_287] : memref<8x!tpu.dma_semaphore, #tpu.memory_space<semaphore_mem>> -> memref<1x!tpu.dma_semaphore, #tpu.memory_space<semaphore_mem>>
      %dma_start3A_297 = tpu.memref_squeeze %dma_start3A_296 : memref<1x!tpu.dma_semaphore, #tpu.memory_space<semaphore_mem>> -> memref<!tpu.dma_semaphore, #tpu.memory_space<semaphore_mem>>
      %dma_start3A_298 = arith.constant 0 : i32
      %dma_start3A_299 = arith.constant 0 : i32
      %dma_start3A_300 = tpu.memref_slice %arg13[%dma_start3A_298, %dma_start3A, %dma_start3A_299] : memref<50x8x128xf32, #tpu.memory_space<vmem>> -> memref<50x1x128xf32, #tpu.memory_space<vmem>>
      %dma_start3A_301 = tpu.memref_squeeze %dma_start3A_300 : memref<50x1x128xf32, #tpu.memory_space<vmem>> -> memref<50x128xf32, #tpu.memory_space<vmem>>
      %dma_start3A_302 = arith.constant 0 : i32
      %dma_start3A_303 = arith.constant 0 : i32
      %dma_start3A_304 = tpu.memref_slice %arg4[%dma_start3A_302, %add3A_286, %dma_start3A_303] : memref<50x1024x128xf32, #tpu.memory_space<hbm>> -> memref<50x1x128xf32, #tpu.memory_space<hbm>>
      %dma_start3A_305 = tpu.memref_squeeze %dma_start3A_304 : memref<50x1x128xf32, #tpu.memory_space<hbm>> -> memref<50x128xf32, #tpu.memory_space<hbm>>
      tpu.enqueue_dma source(%dma_start3A_305 : memref<50x128xf32, #tpu.memory_space<hbm>>) target(%dma_start3A_301 : memref<50x128xf32, #tpu.memory_space<vmem>>) target_semaphore(%dma_start3A_297 : memref<!tpu.dma_semaphore, #tpu.memory_space<semaphore_mem>>)
    } else {
    }
    %eq3A_17 = arith.constant 3 : i32
    %eq3A_18 = arith.cmpi eq, %squeeze3A, %eq3A_17 : i32
    %convert_element_type3A_19 = arith.extui %eq3A_18 : i1 to i32
    %cond3A_20 = arith.constant 0 : i32
    %cond3A_21 = arith.cmpi ne, %convert_element_type3A_19, %cond3A_20 : i32
    scf.if %cond3A_21 {
      %add3A_285 = arith.constant 0 : i32
      %add3A_286 = arith.addi %mul3A_2, %add3A_285 : i32
      %dma_start3A = arith.constant 0 : i32
      %dma_start3A_287 = arith.constant 0 : i32
      %dma_start3A_288 = arith.constant 0 : i32
      %dma_start3A_289 = arith.constant 0 : i32
      %dma_start3A_290 = tpu.memref_slice %arg13[%dma_start3A_288, %dma_start3A, %dma_start3A_289] : memref<50x8x128xf32, #tpu.memory_space<vmem>> -> memref<50x1x128xf32, #tpu.memory_space<vmem>>
      %dma_start3A_291 = tpu.memref_squeeze %dma_start3A_290 : memref<50x1x128xf32, #tpu.memory_space<vmem>> -> memref<50x128xf32, #tpu.memory_space<vmem>>
      %dma_start3A_292 = arith.constant 0 : i32
      %dma_start3A_293 = arith.constant 0 : i32
      %dma_start3A_294 = tpu.memref_slice %arg5[%dma_start3A_292, %add3A_286, %dma_start3A_293] : memref<50x1024x128xf32, #tpu.memory_space<hbm>> -> memref<50x1x128xf32, #tpu.memory_space<hbm>>
      %dma_start3A_295 = tpu.memref_squeeze %dma_start3A_294 : memref<50x1x128xf32, #tpu.memory_space<hbm>> -> memref<50x128xf32, #tpu.memory_space<hbm>>
      %dma_start3A_296 = tpu.memref_slice %arg14[%dma_start3A_287] : memref<8x!tpu.dma_semaphore, #tpu.memory_space<semaphore_mem>> -> memref<1x!tpu.dma_semaphore, #tpu.memory_space<semaphore_mem>>
      %dma_start3A_297 = tpu.memref_squeeze %dma_start3A_296 : memref<1x!tpu.dma_semaphore, #tpu.memory_space<semaphore_mem>> -> memref<!tpu.dma_semaphore, #tpu.memory_space<semaphore_mem>>
      %dma_start3A_298 = arith.constant 0 : i32
      %dma_start3A_299 = arith.constant 0 : i32
      %dma_start3A_300 = tpu.memref_slice %arg13[%dma_start3A_298, %dma_start3A, %dma_start3A_299] : memref<50x8x128xf32, #tpu.memory_space<vmem>> -> memref<50x1x128xf32, #tpu.memory_space<vmem>>
      %dma_start3A_301 = tpu.memref_squeeze %dma_start3A_300 : memref<50x1x128xf32, #tpu.memory_space<vmem>> -> memref<50x128xf32, #tpu.memory_space<vmem>>
      %dma_start3A_302 = arith.constant 0 : i32
      %dma_start3A_303 = arith.constant 0 : i32
      %dma_start3A_304 = tpu.memref_slice %arg5[%dma_start3A_302, %add3A_286, %dma_start3A_303] : memref<50x1024x128xf32, #tpu.memory_space<hbm>> -> memref<50x1x128xf32, #tpu.memory_space<hbm>>
      %dma_start3A_305 = tpu.memref_squeeze %dma_start3A_304 : memref<50x1x128xf32, #tpu.memory_space<hbm>> -> memref<50x128xf32, #tpu.memory_space<hbm>>
      tpu.enqueue_dma source(%dma_start3A_305 : memref<50x128xf32, #tpu.memory_space<hbm>>) target(%dma_start3A_301 : memref<50x128xf32, #tpu.memory_space<vmem>>) target_semaphore(%dma_start3A_297 : memref<!tpu.dma_semaphore, #tpu.memory_space<semaphore_mem>>)
    } else {
    }
    %eq3A_22 = arith.constant 4 : i32
    %eq3A_23 = arith.cmpi eq, %squeeze3A, %eq3A_22 : i32
    %convert_element_type3A_24 = arith.extui %eq3A_23 : i1 to i32
    %cond3A_25 = arith.constant 0 : i32
    %cond3A_26 = arith.cmpi ne, %convert_element_type3A_24, %cond3A_25 : i32
    scf.if %cond3A_26 {
      %add3A_285 = arith.constant 0 : i32
      %add3A_286 = arith.addi %mul3A_2, %add3A_285 : i32
      %dma_start3A = arith.constant 0 : i32
      %dma_start3A_287 = arith.constant 0 : i32
      %dma_start3A_288 = arith.constant 0 : i32
      %dma_start3A_289 = arith.constant 0 : i32
      %dma_start3A_290 = tpu.memref_slice %arg13[%dma_start3A_288, %dma_start3A, %dma_start3A_289] : memref<50x8x128xf32, #tpu.memory_space<vmem>> -> memref<50x1x128xf32, #tpu.memory_space<vmem>>
      %dma_start3A_291 = tpu.memref_squeeze %dma_start3A_290 : memref<50x1x128xf32, #tpu.memory_space<vmem>> -> memref<50x128xf32, #tpu.memory_space<vmem>>
      %dma_start3A_292 = arith.constant 0 : i32
      %dma_start3A_293 = arith.constant 0 : i32
      %dma_start3A_294 = tpu.memref_slice %arg6[%dma_start3A_292, %add3A_286, %dma_start3A_293] : memref<50x1024x128xf32, #tpu.memory_space<hbm>> -> memref<50x1x128xf32, #tpu.memory_space<hbm>>
      %dma_start3A_295 = tpu.memref_squeeze %dma_start3A_294 : memref<50x1x128xf32, #tpu.memory_space<hbm>> -> memref<50x128xf32, #tpu.memory_space<hbm>>
      %dma_start3A_296 = tpu.memref_slice %arg14[%dma_start3A_287] : memref<8x!tpu.dma_semaphore, #tpu.memory_space<semaphore_mem>> -> memref<1x!tpu.dma_semaphore, #tpu.memory_space<semaphore_mem>>
      %dma_start3A_297 = tpu.memref_squeeze %dma_start3A_296 : memref<1x!tpu.dma_semaphore, #tpu.memory_space<semaphore_mem>> -> memref<!tpu.dma_semaphore, #tpu.memory_space<semaphore_mem>>
      %dma_start3A_298 = arith.constant 0 : i32
      %dma_start3A_299 = arith.constant 0 : i32
      %dma_start3A_300 = tpu.memref_slice %arg13[%dma_start3A_298, %dma_start3A, %dma_start3A_299] : memref<50x8x128xf32, #tpu.memory_space<vmem>> -> memref<50x1x128xf32, #tpu.memory_space<vmem>>
      %dma_start3A_301 = tpu.memref_squeeze %dma_start3A_300 : memref<50x1x128xf32, #tpu.memory_space<vmem>> -> memref<50x128xf32, #tpu.memory_space<vmem>>
      %dma_start3A_302 = arith.constant 0 : i32
      %dma_start3A_303 = arith.constant 0 : i32
      %dma_start3A_304 = tpu.memref_slice %arg6[%dma_start3A_302, %add3A_286, %dma_start3A_303] : memref<50x1024x128xf32, #tpu.memory_space<hbm>> -> memref<50x1x128xf32, #tpu.memory_space<hbm>>
      %dma_start3A_305 = tpu.memref_squeeze %dma_start3A_304 : memref<50x1x128xf32, #tpu.memory_space<hbm>> -> memref<50x128xf32, #tpu.memory_space<hbm>>
      tpu.enqueue_dma source(%dma_start3A_305 : memref<50x128xf32, #tpu.memory_space<hbm>>) target(%dma_start3A_301 : memref<50x128xf32, #tpu.memory_space<vmem>>) target_semaphore(%dma_start3A_297 : memref<!tpu.dma_semaphore, #tpu.memory_space<semaphore_mem>>)
    } else {
    }
    %eq3A_27 = arith.constant 5 : i32
    %eq3A_28 = arith.cmpi eq, %squeeze3A, %eq3A_27 : i32
    %convert_element_type3A_29 = arith.extui %eq3A_28 : i1 to i32
    %cond3A_30 = arith.constant 0 : i32
    %cond3A_31 = arith.cmpi ne, %convert_element_type3A_29, %cond3A_30 : i32
    scf.if %cond3A_31 {
      %add3A_285 = arith.constant 0 : i32
      %add3A_286 = arith.addi %mul3A_2, %add3A_285 : i32
      %dma_start3A = arith.constant 0 : i32
      %dma_start3A_287 = arith.constant 0 : i32
      %dma_start3A_288 = arith.constant 0 : i32
      %dma_start3A_289 = arith.constant 0 : i32
      %dma_start3A_290 = tpu.memref_slice %arg13[%dma_start3A_288, %dma_start3A, %dma_start3A_289] : memref<50x8x128xf32, #tpu.memory_space<vmem>> -> memref<50x1x128xf32, #tpu.memory_space<vmem>>
      %dma_start3A_291 = tpu.memref_squeeze %dma_start3A_290 : memref<50x1x128xf32, #tpu.memory_space<vmem>> -> memref<50x128xf32, #tpu.memory_space<vmem>>
      %dma_start3A_292 = arith.constant 0 : i32
      %dma_start3A_293 = arith.constant 0 : i32
      %dma_start3A_294 = tpu.memref_slice %arg7[%dma_start3A_292, %add3A_286, %dma_start3A_293] : memref<50x1024x128xf32, #tpu.memory_space<hbm>> -> memref<50x1x128xf32, #tpu.memory_space<hbm>>
      %dma_start3A_295 = tpu.memref_squeeze %dma_start3A_294 : memref<50x1x128xf32, #tpu.memory_space<hbm>> -> memref<50x128xf32, #tpu.memory_space<hbm>>
      %dma_start3A_296 = tpu.memref_slice %arg14[%dma_start3A_287] : memref<8x!tpu.dma_semaphore, #tpu.memory_space<semaphore_mem>> -> memref<1x!tpu.dma_semaphore, #tpu.memory_space<semaphore_mem>>
      %dma_start3A_297 = tpu.memref_squeeze %dma_start3A_296 : memref<1x!tpu.dma_semaphore, #tpu.memory_space<semaphore_mem>> -> memref<!tpu.dma_semaphore, #tpu.memory_space<semaphore_mem>>
      %dma_start3A_298 = arith.constant 0 : i32
      %dma_start3A_299 = arith.constant 0 : i32
      %dma_start3A_300 = tpu.memref_slice %arg13[%dma_start3A_298, %dma_start3A, %dma_start3A_299] : memref<50x8x128xf32, #tpu.memory_space<vmem>> -> memref<50x1x128xf32, #tpu.memory_space<vmem>>
      %dma_start3A_301 = tpu.memref_squeeze %dma_start3A_300 : memref<50x1x128xf32, #tpu.memory_space<vmem>> -> memref<50x128xf32, #tpu.memory_space<vmem>>
      %dma_start3A_302 = arith.constant 0 : i32
      %dma_start3A_303 = arith.constant 0 : i32
      %dma_start3A_304 = tpu.memref_slice %arg7[%dma_start3A_302, %add3A_286, %dma_start3A_303] : memref<50x1024x128xf32, #tpu.memory_space<hbm>> -> memref<50x1x128xf32, #tpu.memory_space<hbm>>
      %dma_start3A_305 = tpu.memref_squeeze %dma_start3A_304 : memref<50x1x128xf32, #tpu.memory_space<hbm>> -> memref<50x128xf32, #tpu.memory_space<hbm>>
      tpu.enqueue_dma source(%dma_start3A_305 : memref<50x128xf32, #tpu.memory_space<hbm>>) target(%dma_start3A_301 : memref<50x128xf32, #tpu.memory_space<vmem>>) target_semaphore(%dma_start3A_297 : memref<!tpu.dma_semaphore, #tpu.memory_space<semaphore_mem>>)
    } else {
    }
    %eq3A_32 = arith.constant 6 : i32
    %eq3A_33 = arith.cmpi eq, %squeeze3A, %eq3A_32 : i32
    %convert_element_type3A_34 = arith.extui %eq3A_33 : i1 to i32
    %cond3A_35 = arith.constant 0 : i32
    %cond3A_36 = arith.cmpi ne, %convert_element_type3A_34, %cond3A_35 : i32
    scf.if %cond3A_36 {
      %add3A_285 = arith.constant 0 : i32
      %add3A_286 = arith.addi %mul3A_2, %add3A_285 : i32
      %dma_start3A = arith.constant 0 : i32
      %dma_start3A_287 = arith.constant 0 : i32
      %dma_start3A_288 = arith.constant 0 : i32
      %dma_start3A_289 = arith.constant 0 : i32
      %dma_start3A_290 = tpu.memref_slice %arg13[%dma_start3A_288, %dma_start3A, %dma_start3A_289] : memref<50x8x128xf32, #tpu.memory_space<vmem>> -> memref<50x1x128xf32, #tpu.memory_space<vmem>>
      %dma_start3A_291 = tpu.memref_squeeze %dma_start3A_290 : memref<50x1x128xf32, #tpu.memory_space<vmem>> -> memref<50x128xf32, #tpu.memory_space<vmem>>
      %dma_start3A_292 = arith.constant 0 : i32
      %dma_start3A_293 = arith.constant 0 : i32
      %dma_start3A_294 = tpu.memref_slice %arg8[%dma_start3A_292, %add3A_286, %dma_start3A_293] : memref<50x1024x128xf32, #tpu.memory_space<hbm>> -> memref<50x1x128xf32, #tpu.memory_space<hbm>>
      %dma_start3A_295 = tpu.memref_squeeze %dma_start3A_294 : memref<50x1x128xf32, #tpu.memory_space<hbm>> -> memref<50x128xf32, #tpu.memory_space<hbm>>
      %dma_start3A_296 = tpu.memref_slice %arg14[%dma_start3A_287] : memref<8x!tpu.dma_semaphore, #tpu.memory_space<semaphore_mem>> -> memref<1x!tpu.dma_semaphore, #tpu.memory_space<semaphore_mem>>
      %dma_start3A_297 = tpu.memref_squeeze %dma_start3A_296 : memref<1x!tpu.dma_semaphore, #tpu.memory_space<semaphore_mem>> -> memref<!tpu.dma_semaphore, #tpu.memory_space<semaphore_mem>>
      %dma_start3A_298 = arith.constant 0 : i32
      %dma_start3A_299 = arith.constant 0 : i32
      %dma_start3A_300 = tpu.memref_slice %arg13[%dma_start3A_298, %dma_start3A, %dma_start3A_299] : memref<50x8x128xf32, #tpu.memory_space<vmem>> -> memref<50x1x128xf32, #tpu.memory_space<vmem>>
      %dma_start3A_301 = tpu.memref_squeeze %dma_start3A_300 : memref<50x1x128xf32, #tpu.memory_space<vmem>> -> memref<50x128xf32, #tpu.memory_space<vmem>>
      %dma_start3A_302 = arith.constant 0 : i32
      %dma_start3A_303 = arith.constant 0 : i32
      %dma_start3A_304 = tpu.memref_slice %arg8[%dma_start3A_302, %add3A_286, %dma_start3A_303] : memref<50x1024x128xf32, #tpu.memory_space<hbm>> -> memref<50x1x128xf32, #tpu.memory_space<hbm>>
      %dma_start3A_305 = tpu.memref_squeeze %dma_start3A_304 : memref<50x1x128xf32, #tpu.memory_space<hbm>> -> memref<50x128xf32, #tpu.memory_space<hbm>>
      tpu.enqueue_dma source(%dma_start3A_305 : memref<50x128xf32, #tpu.memory_space<hbm>>) target(%dma_start3A_301 : memref<50x128xf32, #tpu.memory_space<vmem>>) target_semaphore(%dma_start3A_297 : memref<!tpu.dma_semaphore, #tpu.memory_space<semaphore_mem>>)
    } else {
    }
    %eq3A_37 = arith.constant 7 : i32
    %eq3A_38 = arith.cmpi eq, %squeeze3A, %eq3A_37 : i32
    %convert_element_type3A_39 = arith.extui %eq3A_38 : i1 to i32
    %cond3A_40 = arith.constant 0 : i32
    %cond3A_41 = arith.cmpi ne, %convert_element_type3A_39, %cond3A_40 : i32
    scf.if %cond3A_41 {
      %add3A_285 = arith.constant 0 : i32
      %add3A_286 = arith.addi %mul3A_2, %add3A_285 : i32
      %dma_start3A = arith.constant 0 : i32
      %dma_start3A_287 = arith.constant 0 : i32
      %dma_start3A_288 = arith.constant 0 : i32
      %dma_start3A_289 = arith.constant 0 : i32
      %dma_start3A_290 = tpu.memref_slice %arg13[%dma_start3A_288, %dma_start3A, %dma_start3A_289] : memref<50x8x128xf32, #tpu.memory_space<vmem>> -> memref<50x1x128xf32, #tpu.memory_space<vmem>>
      %dma_start3A_291 = tpu.memref_squeeze %dma_start3A_290 : memref<50x1x128xf32, #tpu.memory_space<vmem>> -> memref<50x128xf32, #tpu.memory_space<vmem>>
      %dma_start3A_292 = arith.constant 0 : i32
      %dma_start3A_293 = arith.constant 0 : i32
      %dma_start3A_294 = tpu.memref_slice %arg9[%dma_start3A_292, %add3A_286, %dma_start3A_293] : memref<50x1024x128xf32, #tpu.memory_space<hbm>> -> memref<50x1x128xf32, #tpu.memory_space<hbm>>
      %dma_start3A_295 = tpu.memref_squeeze %dma_start3A_294 : memref<50x1x128xf32, #tpu.memory_space<hbm>> -> memref<50x128xf32, #tpu.memory_space<hbm>>
      %dma_start3A_296 = tpu.memref_slice %arg14[%dma_start3A_287] : memref<8x!tpu.dma_semaphore, #tpu.memory_space<semaphore_mem>> -> memref<1x!tpu.dma_semaphore, #tpu.memory_space<semaphore_mem>>
      %dma_start3A_297 = tpu.memref_squeeze %dma_start3A_296 : memref<1x!tpu.dma_semaphore, #tpu.memory_space<semaphore_mem>> -> memref<!tpu.dma_semaphore, #tpu.memory_space<semaphore_mem>>
      %dma_start3A_298 = arith.constant 0 : i32
      %dma_start3A_299 = arith.constant 0 : i32
      %dma_start3A_300 = tpu.memref_slice %arg13[%dma_start3A_298, %dma_start3A, %dma_start3A_299] : memref<50x8x128xf32, #tpu.memory_space<vmem>> -> memref<50x1x128xf32, #tpu.memory_space<vmem>>
      %dma_start3A_301 = tpu.memref_squeeze %dma_start3A_300 : memref<50x1x128xf32, #tpu.memory_space<vmem>> -> memref<50x128xf32, #tpu.memory_space<vmem>>
      %dma_start3A_302 = arith.constant 0 : i32
      %dma_start3A_303 = arith.constant 0 : i32
      %dma_start3A_304 = tpu.memref_slice %arg9[%dma_start3A_302, %add3A_286, %dma_start3A_303] : memref<50x1024x128xf32, #tpu.memory_space<hbm>> -> memref<50x1x128xf32, #tpu.memory_space<hbm>>
      %dma_start3A_305 = tpu.memref_squeeze %dma_start3A_304 : memref<50x1x128xf32, #tpu.memory_space<hbm>> -> memref<50x128xf32, #tpu.memory_space<hbm>>
      tpu.enqueue_dma source(%dma_start3A_305 : memref<50x128xf32, #tpu.memory_space<hbm>>) target(%dma_start3A_301 : memref<50x128xf32, #tpu.memory_space<vmem>>) target_semaphore(%dma_start3A_297 : memref<!tpu.dma_semaphore, #tpu.memory_space<semaphore_mem>>)
    } else {
    }
    %get3A_42 = arith.constant 1 : index
    %get3A_43 = tpu.vector_load %arg12[%get3A_42] {strides = array<i32>} : memref<64xi32, #tpu.memory_space<vmem>>, vector<16xi32>,
    %get3A_44 = vector.shape_cast %get3A_43 : vector<16xi32> to vector<16xi32>
    %slice3A_45 = vector.extract_strided_slice %get3A_44 {offsets = [0], sizes = [1], strides = [1]} : vector<16xi32> to vector<1xi32>
    %squeeze3A_46 = vector.extract %slice3A_45[0] : i32 from vector<1xi32>
    %eq3A_47 = arith.constant 0 : i32
    %eq3A_48 = arith.cmpi eq, %squeeze3A_46, %eq3A_47 : i32
    %convert_element_type3A_49 = arith.extui %eq3A_48 : i1 to i32
    %cond3A_50 = arith.constant 0 : i32
    %cond3A_51 = arith.cmpi ne, %convert_element_type3A_49, %cond3A_50 : i32
    scf.if %cond3A_51 {
      %add3A_285 = arith.constant 1 : i32
      %add3A_286 = arith.addi %mul3A_2, %add3A_285 : i32
      %dma_start3A = arith.constant 1 : i32
      %dma_start3A_287 = arith.constant 1 : i32
      %dma_start3A_288 = arith.constant 0 : i32
      %dma_start3A_289 = arith.constant 0 : i32
      %dma_start3A_290 = tpu.memref_slice %arg13[%dma_start3A_288, %dma_start3A, %dma_start3A_289] : memref<50x8x128xf32, #tpu.memory_space<vmem>> -> memref<50x1x128xf32, #tpu.memory_space<vmem>>
      %dma_start3A_291 = tpu.memref_squeeze %dma_start3A_290 : memref<50x1x128xf32, #tpu.memory_space<vmem>> -> memref<50x128xf32, #tpu.memory_space<vmem>>
      %dma_start3A_292 = arith.constant 0 : i32
      %dma_start3A_293 = arith.constant 0 : i32
      %dma_start3A_294 = tpu.memref_slice %arg2[%dma_start3A_292, %add3A_286, %dma_start3A_293] : memref<50x1024x128xf32, #tpu.memory_space<hbm>> -> memref<50x1x128xf32, #tpu.memory_space<hbm>>
      %dma_start3A_295 = tpu.memref_squeeze %dma_start3A_294 : memref<50x1x128xf32, #tpu.memory_space<hbm>> -> memref<50x128xf32, #tpu.memory_space<hbm>>
      %dma_start3A_296 = tpu.memref_slice %arg14[%dma_start3A_287] : memref<8x!tpu.dma_semaphore, #tpu.memory_space<semaphore_mem>> -> memref<1x!tpu.dma_semaphore, #tpu.memory_space<semaphore_mem>>
      %dma_start3A_297 = tpu.memref_squeeze %dma_start3A_296 : memref<1x!tpu.dma_semaphore, #tpu.memory_space<semaphore_mem>> -> memref<!tpu.dma_semaphore, #tpu.memory_space<semaphore_mem>>
      %dma_start3A_298 = arith.constant 0 : i32
      %dma_start3A_299 = arith.constant 0 : i32
      %dma_start3A_300 = tpu.memref_slice %arg13[%dma_start3A_298, %dma_start3A, %dma_start3A_299] : memref<50x8x128xf32, #tpu.memory_space<vmem>> -> memref<50x1x128xf32, #tpu.memory_space<vmem>>
      %dma_start3A_301 = tpu.memref_squeeze %dma_start3A_300 : memref<50x1x128xf32, #tpu.memory_space<vmem>> -> memref<50x128xf32, #tpu.memory_space<vmem>>
      %dma_start3A_302 = arith.constant 0 : i32
      %dma_start3A_303 = arith.constant 0 : i32
      %dma_start3A_304 = tpu.memref_slice %arg2[%dma_start3A_302, %add3A_286, %dma_start3A_303] : memref<50x1024x128xf32, #tpu.memory_space<hbm>> -> memref<50x1x128xf32, #tpu.memory_space<hbm>>
      %dma_start3A_305 = tpu.memref_squeeze %dma_start3A_304 : memref<50x1x128xf32, #tpu.memory_space<hbm>> -> memref<50x128xf32, #tpu.memory_space<hbm>>
      tpu.enqueue_dma source(%dma_start3A_305 : memref<50x128xf32, #tpu.memory_space<hbm>>) target(%dma_start3A_301 : memref<50x128xf32, #tpu.memory_space<vmem>>) target_semaphore(%dma_start3A_297 : memref<!tpu.dma_semaphore, #tpu.memory_space<semaphore_mem>>)
    } else {
    }
    %eq3A_52 = arith.constant 1 : i32
    %eq3A_53 = arith.cmpi eq, %squeeze3A_46, %eq3A_52 : i32
    %convert_element_type3A_54 = arith.extui %eq3A_53 : i1 to i32
    %cond3A_55 = arith.constant 0 : i32
    %cond3A_56 = arith.cmpi ne, %convert_element_type3A_54, %cond3A_55 : i32
    scf.if %cond3A_56 {
      %add3A_285 = arith.constant 1 : i32
      %add3A_286 = arith.addi %mul3A_2, %add3A_285 : i32
      %dma_start3A = arith.constant 1 : i32
      %dma_start3A_287 = arith.constant 1 : i32
      %dma_start3A_288 = arith.constant 0 : i32
      %dma_start3A_289 = arith.constant 0 : i32
      %dma_start3A_290 = tpu.memref_slice %arg13[%dma_start3A_288, %dma_start3A, %dma_start3A_289] : memref<50x8x128xf32, #tpu.memory_space<vmem>> -> memref<50x1x128xf32, #tpu.memory_space<vmem>>
      %dma_start3A_291 = tpu.memref_squeeze %dma_start3A_290 : memref<50x1x128xf32, #tpu.memory_space<vmem>> -> memref<50x128xf32, #tpu.memory_space<vmem>>
      %dma_start3A_292 = arith.constant 0 : i32
      %dma_start3A_293 = arith.constant 0 : i32
      %dma_start3A_294 = tpu.memref_slice %arg3[%dma_start3A_292, %add3A_286, %dma_start3A_293] : memref<50x1024x128xf32, #tpu.memory_space<hbm>> -> memref<50x1x128xf32, #tpu.memory_space<hbm>>
      %dma_start3A_295 = tpu.memref_squeeze %dma_start3A_294 : memref<50x1x128xf32, #tpu.memory_space<hbm>> -> memref<50x128xf32, #tpu.memory_space<hbm>>
      %dma_start3A_296 = tpu.memref_slice %arg14[%dma_start3A_287] : memref<8x!tpu.dma_semaphore, #tpu.memory_space<semaphore_mem>> -> memref<1x!tpu.dma_semaphore, #tpu.memory_space<semaphore_mem>>
      %dma_start3A_297 = tpu.memref_squeeze %dma_start3A_296 : memref<1x!tpu.dma_semaphore, #tpu.memory_space<semaphore_mem>> -> memref<!tpu.dma_semaphore, #tpu.memory_space<semaphore_mem>>
      %dma_start3A_298 = arith.constant 0 : i32
      %dma_start3A_299 = arith.constant 0 : i32
      %dma_start3A_300 = tpu.memref_slice %arg13[%dma_start3A_298, %dma_start3A, %dma_start3A_299] : memref<50x8x128xf32, #tpu.memory_space<vmem>> -> memref<50x1x128xf32, #tpu.memory_space<vmem>>
      %dma_start3A_301 = tpu.memref_squeeze %dma_start3A_300 : memref<50x1x128xf32, #tpu.memory_space<vmem>> -> memref<50x128xf32, #tpu.memory_space<vmem>>
      %dma_start3A_302 = arith.constant 0 : i32
      %dma_start3A_303 = arith.constant 0 : i32
      %dma_start3A_304 = tpu.memref_slice %arg3[%dma_start3A_302, %add3A_286, %dma_start3A_303] : memref<50x1024x128xf32, #tpu.memory_space<hbm>> -> memref<50x1x128xf32, #tpu.memory_space<hbm>>
      %dma_start3A_305 = tpu.memref_squeeze %dma_start3A_304 : memref<50x1x128xf32, #tpu.memory_space<hbm>> -> memref<50x128xf32, #tpu.memory_space<hbm>>
      tpu.enqueue_dma source(%dma_start3A_305 : memref<50x128xf32, #tpu.memory_space<hbm>>) target(%dma_start3A_301 : memref<50x128xf32, #tpu.memory_space<vmem>>) target_semaphore(%dma_start3A_297 : memref<!tpu.dma_semaphore, #tpu.memory_space<semaphore_mem>>)
    } else {
    }
    %eq3A_57 = arith.constant 2 : i32
    %eq3A_58 = arith.cmpi eq, %squeeze3A_46, %eq3A_57 : i32
    %convert_element_type3A_59 = arith.extui %eq3A_58 : i1 to i32
    %cond3A_60 = arith.constant 0 : i32
    %cond3A_61 = arith.cmpi ne, %convert_element_type3A_59, %cond3A_60 : i32
    scf.if %cond3A_61 {
      %add3A_285 = arith.constant 1 : i32
      %add3A_286 = arith.addi %mul3A_2, %add3A_285 : i32
      %dma_start3A = arith.constant 1 : i32
      %dma_start3A_287 = arith.constant 1 : i32
      %dma_start3A_288 = arith.constant 0 : i32
      %dma_start3A_289 = arith.constant 0 : i32
      %dma_start3A_290 = tpu.memref_slice %arg13[%dma_start3A_288, %dma_start3A, %dma_start3A_289] : memref<50x8x128xf32, #tpu.memory_space<vmem>> -> memref<50x1x128xf32, #tpu.memory_space<vmem>>
      %dma_start3A_291 = tpu.memref_squeeze %dma_start3A_290 : memref<50x1x128xf32, #tpu.memory_space<vmem>> -> memref<50x128xf32, #tpu.memory_space<vmem>>
      %dma_start3A_292 = arith.constant 0 : i32
      %dma_start3A_293 = arith.constant 0 : i32
      %dma_start3A_294 = tpu.memref_slice %arg4[%dma_start3A_292, %add3A_286, %dma_start3A_293] : memref<50x1024x128xf32, #tpu.memory_space<hbm>> -> memref<50x1x128xf32, #tpu.memory_space<hbm>>
      %dma_start3A_295 = tpu.memref_squeeze %dma_start3A_294 : memref<50x1x128xf32, #tpu.memory_space<hbm>> -> memref<50x128xf32, #tpu.memory_space<hbm>>
      %dma_start3A_296 = tpu.memref_slice %arg14[%dma_start3A_287] : memref<8x!tpu.dma_semaphore, #tpu.memory_space<semaphore_mem>> -> memref<1x!tpu.dma_semaphore, #tpu.memory_space<semaphore_mem>>
      %dma_start3A_297 = tpu.memref_squeeze %dma_start3A_296 : memref<1x!tpu.dma_semaphore, #tpu.memory_space<semaphore_mem>> -> memref<!tpu.dma_semaphore, #tpu.memory_space<semaphore_mem>>
      %dma_start3A_298 = arith.constant 0 : i32
      %dma_start3A_299 = arith.constant 0 : i32
      %dma_start3A_300 = tpu.memref_slice %arg13[%dma_start3A_298, %dma_start3A, %dma_start3A_299] : memref<50x8x128xf32, #tpu.memory_space<vmem>> -> memref<50x1x128xf32, #tpu.memory_space<vmem>>
      %dma_start3A_301 = tpu.memref_squeeze %dma_start3A_300 : memref<50x1x128xf32, #tpu.memory_space<vmem>> -> memref<50x128xf32, #tpu.memory_space<vmem>>
      %dma_start3A_302 = arith.constant 0 : i32
      %dma_start3A_303 = arith.constant 0 : i32
      %dma_start3A_304 = tpu.memref_slice %arg4[%dma_start3A_302, %add3A_286, %dma_start3A_303] : memref<50x1024x128xf32, #tpu.memory_space<hbm>> -> memref<50x1x128xf32, #tpu.memory_space<hbm>>
      %dma_start3A_305 = tpu.memref_squeeze %dma_start3A_304 : memref<50x1x128xf32, #tpu.memory_space<hbm>> -> memref<50x128xf32, #tpu.memory_space<hbm>>
      tpu.enqueue_dma source(%dma_start3A_305 : memref<50x128xf32, #tpu.memory_space<hbm>>) target(%dma_start3A_301 : memref<50x128xf32, #tpu.memory_space<vmem>>) target_semaphore(%dma_start3A_297 : memref<!tpu.dma_semaphore, #tpu.memory_space<semaphore_mem>>)
    } else {
    }
    %eq3A_62 = arith.constant 3 : i32
    %eq3A_63 = arith.cmpi eq, %squeeze3A_46, %eq3A_62 : i32
    %convert_element_type3A_64 = arith.extui %eq3A_63 : i1 to i32
    %cond3A_65 = arith.constant 0 : i32
    %cond3A_66 = arith.cmpi ne, %convert_element_type3A_64, %cond3A_65 : i32
    scf.if %cond3A_66 {
      %add3A_285 = arith.constant 1 : i32
      %add3A_286 = arith.addi %mul3A_2, %add3A_285 : i32
      %dma_start3A = arith.constant 1 : i32
      %dma_start3A_287 = arith.constant 1 : i32
      %dma_start3A_288 = arith.constant 0 : i32
      %dma_start3A_289 = arith.constant 0 : i32
      %dma_start3A_290 = tpu.memref_slice %arg13[%dma_start3A_288, %dma_start3A, %dma_start3A_289] : memref<50x8x128xf32, #tpu.memory_space<vmem>> -> memref<50x1x128xf32, #tpu.memory_space<vmem>>
      %dma_start3A_291 = tpu.memref_squeeze %dma_start3A_290 : memref<50x1x128xf32, #tpu.memory_space<vmem>> -> memref<50x128xf32, #tpu.memory_space<vmem>>
      %dma_start3A_292 = arith.constant 0 : i32
      %dma_start3A_293 = arith.constant 0 : i32
      %dma_start3A_294 = tpu.memref_slice %arg5[%dma_start3A_292, %add3A_286, %dma_start3A_293] : memref<50x1024x128xf32, #tpu.memory_space<hbm>> -> memref<50x1x128xf32, #tpu.memory_space<hbm>>
      %dma_start3A_295 = tpu.memref_squeeze %dma_start3A_294 : memref<50x1x128xf32, #tpu.memory_space<hbm>> -> memref<50x128xf32, #tpu.memory_space<hbm>>
      %dma_start3A_296 = tpu.memref_slice %arg14[%dma_start3A_287] : memref<8x!tpu.dma_semaphore, #tpu.memory_space<semaphore_mem>> -> memref<1x!tpu.dma_semaphore, #tpu.memory_space<semaphore_mem>>
      %dma_start3A_297 = tpu.memref_squeeze %dma_start3A_296 : memref<1x!tpu.dma_semaphore, #tpu.memory_space<semaphore_mem>> -> memref<!tpu.dma_semaphore, #tpu.memory_space<semaphore_mem>>
      %dma_start3A_298 = arith.constant 0 : i32
      %dma_start3A_299 = arith.constant 0 : i32
      %dma_start3A_300 = tpu.memref_slice %arg13[%dma_start3A_298, %dma_start3A, %dma_start3A_299] : memref<50x8x128xf32, #tpu.memory_space<vmem>> -> memref<50x1x128xf32, #tpu.memory_space<vmem>>
      %dma_start3A_301 = tpu.memref_squeeze %dma_start3A_300 : memref<50x1x128xf32, #tpu.memory_space<vmem>> -> memref<50x128xf32, #tpu.memory_space<vmem>>
      %dma_start3A_302 = arith.constant 0 : i32
      %dma_start3A_303 = arith.constant 0 : i32
      %dma_start3A_304 = tpu.memref_slice %arg5[%dma_start3A_302, %add3A_286, %dma_start3A_303] : memref<50x1024x128xf32, #tpu.memory_space<hbm>> -> memref<50x1x128xf32, #tpu.memory_space<hbm>>
      %dma_start3A_305 = tpu.memref_squeeze %dma_start3A_304 : memref<50x1x128xf32, #tpu.memory_space<hbm>> -> memref<50x128xf32, #tpu.memory_space<hbm>>
      tpu.enqueue_dma source(%dma_start3A_305 : memref<50x128xf32, #tpu.memory_space<hbm>>) target(%dma_start3A_301 : memref<50x128xf32, #tpu.memory_space<vmem>>) target_semaphore(%dma_start3A_297 : memref<!tpu.dma_semaphore, #tpu.memory_space<semaphore_mem>>)
    } else {
    }
    %eq3A_67 = arith.constant 4 : i32
    %eq3A_68 = arith.cmpi eq, %squeeze3A_46, %eq3A_67 : i32
    %convert_element_type3A_69 = arith.extui %eq3A_68 : i1 to i32
    %cond3A_70 = arith.constant 0 : i32
    %cond3A_71 = arith.cmpi ne, %convert_element_type3A_69, %cond3A_70 : i32
    scf.if %cond3A_71 {
      %add3A_285 = arith.constant 1 : i32
      %add3A_286 = arith.addi %mul3A_2, %add3A_285 : i32
      %dma_start3A = arith.constant 1 : i32
      %dma_start3A_287 = arith.constant 1 : i32
      %dma_start3A_288 = arith.constant 0 : i32
      %dma_start3A_289 = arith.constant 0 : i32
      %dma_start3A_290 = tpu.memref_slice %arg13[%dma_start3A_288, %dma_start3A, %dma_start3A_289] : memref<50x8x128xf32, #tpu.memory_space<vmem>> -> memref<50x1x128xf32, #tpu.memory_space<vmem>>
      %dma_start3A_291 = tpu.memref_squeeze %dma_start3A_290 : memref<50x1x128xf32, #tpu.memory_space<vmem>> -> memref<50x128xf32, #tpu.memory_space<vmem>>
      %dma_start3A_292 = arith.constant 0 : i32
      %dma_start3A_293 = arith.constant 0 : i32
      %dma_start3A_294 = tpu.memref_slice %arg6[%dma_start3A_292, %add3A_286, %dma_start3A_293] : memref<50x1024x128xf32, #tpu.memory_space<hbm>> -> memref<50x1x128xf32, #tpu.memory_space<hbm>>
      %dma_start3A_295 = tpu.memref_squeeze %dma_start3A_294 : memref<50x1x128xf32, #tpu.memory_space<hbm>> -> memref<50x128xf32, #tpu.memory_space<hbm>>
      %dma_start3A_296 = tpu.memref_slice %arg14[%dma_start3A_287] : memref<8x!tpu.dma_semaphore, #tpu.memory_space<semaphore_mem>> -> memref<1x!tpu.dma_semaphore, #tpu.memory_space<semaphore_mem>>
      %dma_start3A_297 = tpu.memref_squeeze %dma_start3A_296 : memref<1x!tpu.dma_semaphore, #tpu.memory_space<semaphore_mem>> -> memref<!tpu.dma_semaphore, #tpu.memory_space<semaphore_mem>>
      %dma_start3A_298 = arith.constant 0 : i32
      %dma_start3A_299 = arith.constant 0 : i32
      %dma_start3A_300 = tpu.memref_slice %arg13[%dma_start3A_298, %dma_start3A, %dma_start3A_299] : memref<50x8x128xf32, #tpu.memory_space<vmem>> -> memref<50x1x128xf32, #tpu.memory_space<vmem>>
      %dma_start3A_301 = tpu.memref_squeeze %dma_start3A_300 : memref<50x1x128xf32, #tpu.memory_space<vmem>> -> memref<50x128xf32, #tpu.memory_space<vmem>>
      %dma_start3A_302 = arith.constant 0 : i32
      %dma_start3A_303 = arith.constant 0 : i32
      %dma_start3A_304 = tpu.memref_slice %arg6[%dma_start3A_302, %add3A_286, %dma_start3A_303] : memref<50x1024x128xf32, #tpu.memory_space<hbm>> -> memref<50x1x128xf32, #tpu.memory_space<hbm>>
      %dma_start3A_305 = tpu.memref_squeeze %dma_start3A_304 : memref<50x1x128xf32, #tpu.memory_space<hbm>> -> memref<50x128xf32, #tpu.memory_space<hbm>>
      tpu.enqueue_dma source(%dma_start3A_305 : memref<50x128xf32, #tpu.memory_space<hbm>>) target(%dma_start3A_301 : memref<50x128xf32, #tpu.memory_space<vmem>>) target_semaphore(%dma_start3A_297 : memref<!tpu.dma_semaphore, #tpu.memory_space<semaphore_mem>>)
    } else {
    }
    %eq3A_72 = arith.constant 5 : i32
    %eq3A_73 = arith.cmpi eq, %squeeze3A_46, %eq3A_72 : i32
    %convert_element_type3A_74 = arith.extui %eq3A_73 : i1 to i32
    %cond3A_75 = arith.constant 0 : i32
    %cond3A_76 = arith.cmpi ne, %convert_element_type3A_74, %cond3A_75 : i32
    scf.if %cond3A_76 {
      %add3A_285 = arith.constant 1 : i32
      %add3A_286 = arith.addi %mul3A_2, %add3A_285 : i32
      %dma_start3A = arith.constant 1 : i32
      %dma_start3A_287 = arith.constant 1 : i32
      %dma_start3A_288 = arith.constant 0 : i32
      %dma_start3A_289 = arith.constant 0 : i32
      %dma_start3A_290 = tpu.memref_slice %arg13[%dma_start3A_288, %dma_start3A, %dma_start3A_289] : memref<50x8x128xf32, #tpu.memory_space<vmem>> -> memref<50x1x128xf32, #tpu.memory_space<vmem>>
      %dma_start3A_291 = tpu.memref_squeeze %dma_start3A_290 : memref<50x1x128xf32, #tpu.memory_space<vmem>> -> memref<50x128xf32, #tpu.memory_space<vmem>>
      %dma_start3A_292 = arith.constant 0 : i32
      %dma_start3A_293 = arith.constant 0 : i32
      %dma_start3A_294 = tpu.memref_slice %arg7[%dma_start3A_292, %add3A_286, %dma_start3A_293] : memref<50x1024x128xf32, #tpu.memory_space<hbm>> -> memref<50x1x128xf32, #tpu.memory_space<hbm>>
      %dma_start3A_295 = tpu.memref_squeeze %dma_start3A_294 : memref<50x1x128xf32, #tpu.memory_space<hbm>> -> memref<50x128xf32, #tpu.memory_space<hbm>>
      %dma_start3A_296 = tpu.memref_slice %arg14[%dma_start3A_287] : memref<8x!tpu.dma_semaphore, #tpu.memory_space<semaphore_mem>> -> memref<1x!tpu.dma_semaphore, #tpu.memory_space<semaphore_mem>>
      %dma_start3A_297 = tpu.memref_squeeze %dma_start3A_296 : memref<1x!tpu.dma_semaphore, #tpu.memory_space<semaphore_mem>> -> memref<!tpu.dma_semaphore, #tpu.memory_space<semaphore_mem>>
      %dma_start3A_298 = arith.constant 0 : i32
      %dma_start3A_299 = arith.constant 0 : i32
      %dma_start3A_300 = tpu.memref_slice %arg13[%dma_start3A_298, %dma_start3A, %dma_start3A_299] : memref<50x8x128xf32, #tpu.memory_space<vmem>> -> memref<50x1x128xf32, #tpu.memory_space<vmem>>
      %dma_start3A_301 = tpu.memref_squeeze %dma_start3A_300 : memref<50x1x128xf32, #tpu.memory_space<vmem>> -> memref<50x128xf32, #tpu.memory_space<vmem>>
      %dma_start3A_302 = arith.constant 0 : i32
      %dma_start3A_303 = arith.constant 0 : i32
      %dma_start3A_304 = tpu.memref_slice %arg7[%dma_start3A_302, %add3A_286, %dma_start3A_303] : memref<50x1024x128xf32, #tpu.memory_space<hbm>> -> memref<50x1x128xf32, #tpu.memory_space<hbm>>
      %dma_start3A_305 = tpu.memref_squeeze %dma_start3A_304 : memref<50x1x128xf32, #tpu.memory_space<hbm>> -> memref<50x128xf32, #tpu.memory_space<hbm>>
      tpu.enqueue_dma source(%dma_start3A_305 : memref<50x128xf32, #tpu.memory_space<hbm>>) target(%dma_start3A_301 : memref<50x128xf32, #tpu.memory_space<vmem>>) target_semaphore(%dma_start3A_297 : memref<!tpu.dma_semaphore, #tpu.memory_space<semaphore_mem>>)
    } else {
    }
    %eq3A_77 = arith.constant 6 : i32
    %eq3A_78 = arith.cmpi eq, %squeeze3A_46, %eq3A_77 : i32
    %convert_element_type3A_79 = arith.extui %eq3A_78 : i1 to i32
    %cond3A_80 = arith.constant 0 : i32
    %cond3A_81 = arith.cmpi ne, %convert_element_type3A_79, %cond3A_80 : i32
    scf.if %cond3A_81 {
      %add3A_285 = arith.constant 1 : i32
      %add3A_286 = arith.addi %mul3A_2, %add3A_285 : i32
      %dma_start3A = arith.constant 1 : i32
      %dma_start3A_287 = arith.constant 1 : i32
      %dma_start3A_288 = arith.constant 0 : i32
      %dma_start3A_289 = arith.constant 0 : i32
      %dma_start3A_290 = tpu.memref_slice %arg13[%dma_start3A_288, %dma_start3A, %dma_start3A_289] : memref<50x8x128xf32, #tpu.memory_space<vmem>> -> memref<50x1x128xf32, #tpu.memory_space<vmem>>
      %dma_start3A_291 = tpu.memref_squeeze %dma_start3A_290 : memref<50x1x128xf32, #tpu.memory_space<vmem>> -> memref<50x128xf32, #tpu.memory_space<vmem>>
      %dma_start3A_292 = arith.constant 0 : i32
      %dma_start3A_293 = arith.constant 0 : i32
      %dma_start3A_294 = tpu.memref_slice %arg8[%dma_start3A_292, %add3A_286, %dma_start3A_293] : memref<50x1024x128xf32, #tpu.memory_space<hbm>> -> memref<50x1x128xf32, #tpu.memory_space<hbm>>
      %dma_start3A_295 = tpu.memref_squeeze %dma_start3A_294 : memref<50x1x128xf32, #tpu.memory_space<hbm>> -> memref<50x128xf32, #tpu.memory_space<hbm>>
      %dma_start3A_296 = tpu.memref_slice %arg14[%dma_start3A_287] : memref<8x!tpu.dma_semaphore, #tpu.memory_space<semaphore_mem>> -> memref<1x!tpu.dma_semaphore, #tpu.memory_space<semaphore_mem>>
      %dma_start3A_297 = tpu.memref_squeeze %dma_start3A_296 : memref<1x!tpu.dma_semaphore, #tpu.memory_space<semaphore_mem>> -> memref<!tpu.dma_semaphore, #tpu.memory_space<semaphore_mem>>
      %dma_start3A_298 = arith.constant 0 : i32
      %dma_start3A_299 = arith.constant 0 : i32
      %dma_start3A_300 = tpu.memref_slice %arg13[%dma_start3A_298, %dma_start3A, %dma_start3A_299] : memref<50x8x128xf32, #tpu.memory_space<vmem>> -> memref<50x1x128xf32, #tpu.memory_space<vmem>>
      %dma_start3A_301 = tpu.memref_squeeze %dma_start3A_300 : memref<50x1x128xf32, #tpu.memory_space<vmem>> -> memref<50x128xf32, #tpu.memory_space<vmem>>
      %dma_start3A_302 = arith.constant 0 : i32
      %dma_start3A_303 = arith.constant 0 : i32
      %dma_start3A_304 = tpu.memref_slice %arg8[%dma_start3A_302, %add3A_286, %dma_start3A_303] : memref<50x1024x128xf32, #tpu.memory_space<hbm>> -> memref<50x1x128xf32, #tpu.memory_space<hbm>>
      %dma_start3A_305 = tpu.memref_squeeze %dma_start3A_304 : memref<50x1x128xf32, #tpu.memory_space<hbm>> -> memref<50x128xf32, #tpu.memory_space<hbm>>
      tpu.enqueue_dma source(%dma_start3A_305 : memref<50x128xf32, #tpu.memory_space<hbm>>) target(%dma_start3A_301 : memref<50x128xf32, #tpu.memory_space<vmem>>) target_semaphore(%dma_start3A_297 : memref<!tpu.dma_semaphore, #tpu.memory_space<semaphore_mem>>)
    } else {
    }
    %eq3A_82 = arith.constant 7 : i32
    %eq3A_83 = arith.cmpi eq, %squeeze3A_46, %eq3A_82 : i32
    %convert_element_type3A_84 = arith.extui %eq3A_83 : i1 to i32
    %cond3A_85 = arith.constant 0 : i32
    %cond3A_86 = arith.cmpi ne, %convert_element_type3A_84, %cond3A_85 : i32
    scf.if %cond3A_86 {
      %add3A_285 = arith.constant 1 : i32
      %add3A_286 = arith.addi %mul3A_2, %add3A_285 : i32
      %dma_start3A = arith.constant 1 : i32
      %dma_start3A_287 = arith.constant 1 : i32
      %dma_start3A_288 = arith.constant 0 : i32
      %dma_start3A_289 = arith.constant 0 : i32
      %dma_start3A_290 = tpu.memref_slice %arg13[%dma_start3A_288, %dma_start3A, %dma_start3A_289] : memref<50x8x128xf32, #tpu.memory_space<vmem>> -> memref<50x1x128xf32, #tpu.memory_space<vmem>>
      %dma_start3A_291 = tpu.memref_squeeze %dma_start3A_290 : memref<50x1x128xf32, #tpu.memory_space<vmem>> -> memref<50x128xf32, #tpu.memory_space<vmem>>
      %dma_start3A_292 = arith.constant 0 : i32
      %dma_start3A_293 = arith.constant 0 : i32
      %dma_start3A_294 = tpu.memref_slice %arg9[%dma_start3A_292, %add3A_286, %dma_start3A_293] : memref<50x1024x128xf32, #tpu.memory_space<hbm>> -> memref<50x1x128xf32, #tpu.memory_space<hbm>>
      %dma_start3A_295 = tpu.memref_squeeze %dma_start3A_294 : memref<50x1x128xf32, #tpu.memory_space<hbm>> -> memref<50x128xf32, #tpu.memory_space<hbm>>
      %dma_start3A_296 = tpu.memref_slice %arg14[%dma_start3A_287] : memref<8x!tpu.dma_semaphore, #tpu.memory_space<semaphore_mem>> -> memref<1x!tpu.dma_semaphore, #tpu.memory_space<semaphore_mem>>
      %dma_start3A_297 = tpu.memref_squeeze %dma_start3A_296 : memref<1x!tpu.dma_semaphore, #tpu.memory_space<semaphore_mem>> -> memref<!tpu.dma_semaphore, #tpu.memory_space<semaphore_mem>>
      %dma_start3A_298 = arith.constant 0 : i32
      %dma_start3A_299 = arith.constant 0 : i32
      %dma_start3A_300 = tpu.memref_slice %arg13[%dma_start3A_298, %dma_start3A, %dma_start3A_299] : memref<50x8x128xf32, #tpu.memory_space<vmem>> -> memref<50x1x128xf32, #tpu.memory_space<vmem>>
      %dma_start3A_301 = tpu.memref_squeeze %dma_start3A_300 : memref<50x1x128xf32, #tpu.memory_space<vmem>> -> memref<50x128xf32, #tpu.memory_space<vmem>>
      %dma_start3A_302 = arith.constant 0 : i32
      %dma_start3A_303 = arith.constant 0 : i32
      %dma_start3A_304 = tpu.memref_slice %arg9[%dma_start3A_302, %add3A_286, %dma_start3A_303] : memref<50x1024x128xf32, #tpu.memory_space<hbm>> -> memref<50x1x128xf32, #tpu.memory_space<hbm>>
      %dma_start3A_305 = tpu.memref_squeeze %dma_start3A_304 : memref<50x1x128xf32, #tpu.memory_space<hbm>> -> memref<50x128xf32, #tpu.memory_space<hbm>>
      tpu.enqueue_dma source(%dma_start3A_305 : memref<50x128xf32, #tpu.memory_space<hbm>>) target(%dma_start3A_301 : memref<50x128xf32, #tpu.memory_space<vmem>>) target_semaphore(%dma_start3A_297 : memref<!tpu.dma_semaphore, #tpu.memory_space<semaphore_mem>>)
    } else {
    }
    %get3A_87 = arith.constant 2 : index
    %get3A_88 = tpu.vector_load %arg12[%get3A_87] {strides = array<i32>} : memref<64xi32, #tpu.memory_space<vmem>>, vector<16xi32>,
    %get3A_89 = vector.shape_cast %get3A_88 : vector<16xi32> to vector<16xi32>
    %slice3A_90 = vector.extract_strided_slice %get3A_89 {offsets = [0], sizes = [1], strides = [1]} : vector<16xi32> to vector<1xi32>
    %squeeze3A_91 = vector.extract %slice3A_90[0] : i32 from vector<1xi32>
    %eq3A_92 = arith.constant 0 : i32
    %eq3A_93 = arith.cmpi eq, %squeeze3A_91, %eq3A_92 : i32
    %convert_element_type3A_94 = arith.extui %eq3A_93 : i1 to i32
    %cond3A_95 = arith.constant 0 : i32
    %cond3A_96 = arith.cmpi ne, %convert_element_type3A_94, %cond3A_95 : i32
    scf.if %cond3A_96 {
      %add3A_285 = arith.constant 2 : i32
      %add3A_286 = arith.addi %mul3A_2, %add3A_285 : i32
      %dma_start3A = arith.constant 2 : i32
      %dma_start3A_287 = arith.constant 2 : i32
      %dma_start3A_288 = arith.constant 0 : i32
      %dma_start3A_289 = arith.constant 0 : i32
      %dma_start3A_290 = tpu.memref_slice %arg13[%dma_start3A_288, %dma_start3A, %dma_start3A_289] : memref<50x8x128xf32, #tpu.memory_space<vmem>> -> memref<50x1x128xf32, #tpu.memory_space<vmem>>
      %dma_start3A_291 = tpu.memref_squeeze %dma_start3A_290 : memref<50x1x128xf32, #tpu.memory_space<vmem>> -> memref<50x128xf32, #tpu.memory_space<vmem>>
      %dma_start3A_292 = arith.constant 0 : i32
      %dma_start3A_293 = arith.constant 0 : i32
      %dma_start3A_294 = tpu.memref_slice %arg2[%dma_start3A_292, %add3A_286, %dma_start3A_293] : memref<50x1024x128xf32, #tpu.memory_space<hbm>> -> memref<50x1x128xf32, #tpu.memory_space<hbm>>
      %dma_start3A_295 = tpu.memref_squeeze %dma_start3A_294 : memref<50x1x128xf32, #tpu.memory_space<hbm>> -> memref<50x128xf32, #tpu.memory_space<hbm>>
      %dma_start3A_296 = tpu.memref_slice %arg14[%dma_start3A_287] : memref<8x!tpu.dma_semaphore, #tpu.memory_space<semaphore_mem>> -> memref<1x!tpu.dma_semaphore, #tpu.memory_space<semaphore_mem>>
      %dma_start3A_297 = tpu.memref_squeeze %dma_start3A_296 : memref<1x!tpu.dma_semaphore, #tpu.memory_space<semaphore_mem>> -> memref<!tpu.dma_semaphore, #tpu.memory_space<semaphore_mem>>
      %dma_start3A_298 = arith.constant 0 : i32
      %dma_start3A_299 = arith.constant 0 : i32
      %dma_start3A_300 = tpu.memref_slice %arg13[%dma_start3A_298, %dma_start3A, %dma_start3A_299] : memref<50x8x128xf32, #tpu.memory_space<vmem>> -> memref<50x1x128xf32, #tpu.memory_space<vmem>>
      %dma_start3A_301 = tpu.memref_squeeze %dma_start3A_300 : memref<50x1x128xf32, #tpu.memory_space<vmem>> -> memref<50x128xf32, #tpu.memory_space<vmem>>
      %dma_start3A_302 = arith.constant 0 : i32
      %dma_start3A_303 = arith.constant 0 : i32
      %dma_start3A_304 = tpu.memref_slice %arg2[%dma_start3A_302, %add3A_286, %dma_start3A_303] : memref<50x1024x128xf32, #tpu.memory_space<hbm>> -> memref<50x1x128xf32, #tpu.memory_space<hbm>>
      %dma_start3A_305 = tpu.memref_squeeze %dma_start3A_304 : memref<50x1x128xf32, #tpu.memory_space<hbm>> -> memref<50x128xf32, #tpu.memory_space<hbm>>
      tpu.enqueue_dma source(%dma_start3A_305 : memref<50x128xf32, #tpu.memory_space<hbm>>) target(%dma_start3A_301 : memref<50x128xf32, #tpu.memory_space<vmem>>) target_semaphore(%dma_start3A_297 : memref<!tpu.dma_semaphore, #tpu.memory_space<semaphore_mem>>)
    } else {
    }
    %eq3A_97 = arith.constant 1 : i32
    %eq3A_98 = arith.cmpi eq, %squeeze3A_91, %eq3A_97 : i32
    %convert_element_type3A_99 = arith.extui %eq3A_98 : i1 to i32
    %cond3A_100 = arith.constant 0 : i32
    %cond3A_101 = arith.cmpi ne, %convert_element_type3A_99, %cond3A_100 : i32
    scf.if %cond3A_101 {
      %add3A_285 = arith.constant 2 : i32
      %add3A_286 = arith.addi %mul3A_2, %add3A_285 : i32
      %dma_start3A = arith.constant 2 : i32
      %dma_start3A_287 = arith.constant 2 : i32
      %dma_start3A_288 = arith.constant 0 : i32
      %dma_start3A_289 = arith.constant 0 : i32
      %dma_start3A_290 = tpu.memref_slice %arg13[%dma_start3A_288, %dma_start3A, %dma_start3A_289] : memref<50x8x128xf32, #tpu.memory_space<vmem>> -> memref<50x1x128xf32, #tpu.memory_space<vmem>>
      %dma_start3A_291 = tpu.memref_squeeze %dma_start3A_290 : memref<50x1x128xf32, #tpu.memory_space<vmem>> -> memref<50x128xf32, #tpu.memory_space<vmem>>
      %dma_start3A_292 = arith.constant 0 : i32
      %dma_start3A_293 = arith.constant 0 : i32
      %dma_start3A_294 = tpu.memref_slice %arg3[%dma_start3A_292, %add3A_286, %dma_start3A_293] : memref<50x1024x128xf32, #tpu.memory_space<hbm>> -> memref<50x1x128xf32, #tpu.memory_space<hbm>>
      %dma_start3A_295 = tpu.memref_squeeze %dma_start3A_294 : memref<50x1x128xf32, #tpu.memory_space<hbm>> -> memref<50x128xf32, #tpu.memory_space<hbm>>
      %dma_start3A_296 = tpu.memref_slice %arg14[%dma_start3A_287] : memref<8x!tpu.dma_semaphore, #tpu.memory_space<semaphore_mem>> -> memref<1x!tpu.dma_semaphore, #tpu.memory_space<semaphore_mem>>
      %dma_start3A_297 = tpu.memref_squeeze %dma_start3A_296 : memref<1x!tpu.dma_semaphore, #tpu.memory_space<semaphore_mem>> -> memref<!tpu.dma_semaphore, #tpu.memory_space<semaphore_mem>>
      %dma_start3A_298 = arith.constant 0 : i32
      %dma_start3A_299 = arith.constant 0 : i32
      %dma_start3A_300 = tpu.memref_slice %arg13[%dma_start3A_298, %dma_start3A, %dma_start3A_299] : memref<50x8x128xf32, #tpu.memory_space<vmem>> -> memref<50x1x128xf32, #tpu.memory_space<vmem>>
      %dma_start3A_301 = tpu.memref_squeeze %dma_start3A_300 : memref<50x1x128xf32, #tpu.memory_space<vmem>> -> memref<50x128xf32, #tpu.memory_space<vmem>>
      %dma_start3A_302 = arith.constant 0 : i32
      %dma_start3A_303 = arith.constant 0 : i32
      %dma_start3A_304 = tpu.memref_slice %arg3[%dma_start3A_302, %add3A_286, %dma_start3A_303] : memref<50x1024x128xf32, #tpu.memory_space<hbm>> -> memref<50x1x128xf32, #tpu.memory_space<hbm>>
      %dma_start3A_305 = tpu.memref_squeeze %dma_start3A_304 : memref<50x1x128xf32, #tpu.memory_space<hbm>> -> memref<50x128xf32, #tpu.memory_space<hbm>>
      tpu.enqueue_dma source(%dma_start3A_305 : memref<50x128xf32, #tpu.memory_space<hbm>>) target(%dma_start3A_301 : memref<50x128xf32, #tpu.memory_space<vmem>>) target_semaphore(%dma_start3A_297 : memref<!tpu.dma_semaphore, #tpu.memory_space<semaphore_mem>>)
    } else {
    }
    %eq3A_102 = arith.constant 2 : i32
    %eq3A_103 = arith.cmpi eq, %squeeze3A_91, %eq3A_102 : i32
    %convert_element_type3A_104 = arith.extui %eq3A_103 : i1 to i32
    %cond3A_105 = arith.constant 0 : i32
    %cond3A_106 = arith.cmpi ne, %convert_element_type3A_104, %cond3A_105 : i32
    scf.if %cond3A_106 {
      %add3A_285 = arith.constant 2 : i32
      %add3A_286 = arith.addi %mul3A_2, %add3A_285 : i32
      %dma_start3A = arith.constant 2 : i32
      %dma_start3A_287 = arith.constant 2 : i32
      %dma_start3A_288 = arith.constant 0 : i32
      %dma_start3A_289 = arith.constant 0 : i32
      %dma_start3A_290 = tpu.memref_slice %arg13[%dma_start3A_288, %dma_start3A, %dma_start3A_289] : memref<50x8x128xf32, #tpu.memory_space<vmem>> -> memref<50x1x128xf32, #tpu.memory_space<vmem>>
      %dma_start3A_291 = tpu.memref_squeeze %dma_start3A_290 : memref<50x1x128xf32, #tpu.memory_space<vmem>> -> memref<50x128xf32, #tpu.memory_space<vmem>>
      %dma_start3A_292 = arith.constant 0 : i32
      %dma_start3A_293 = arith.constant 0 : i32
      %dma_start3A_294 = tpu.memref_slice %arg4[%dma_start3A_292, %add3A_286, %dma_start3A_293] : memref<50x1024x128xf32, #tpu.memory_space<hbm>> -> memref<50x1x128xf32, #tpu.memory_space<hbm>>
      %dma_start3A_295 = tpu.memref_squeeze %dma_start3A_294 : memref<50x1x128xf32, #tpu.memory_space<hbm>> -> memref<50x128xf32, #tpu.memory_space<hbm>>
      %dma_start3A_296 = tpu.memref_slice %arg14[%dma_start3A_287] : memref<8x!tpu.dma_semaphore, #tpu.memory_space<semaphore_mem>> -> memref<1x!tpu.dma_semaphore, #tpu.memory_space<semaphore_mem>>
      %dma_start3A_297 = tpu.memref_squeeze %dma_start3A_296 : memref<1x!tpu.dma_semaphore, #tpu.memory_space<semaphore_mem>> -> memref<!tpu.dma_semaphore, #tpu.memory_space<semaphore_mem>>
      %dma_start3A_298 = arith.constant 0 : i32
      %dma_start3A_299 = arith.constant 0 : i32
      %dma_start3A_300 = tpu.memref_slice %arg13[%dma_start3A_298, %dma_start3A, %dma_start3A_299] : memref<50x8x128xf32, #tpu.memory_space<vmem>> -> memref<50x1x128xf32, #tpu.memory_space<vmem>>
      %dma_start3A_301 = tpu.memref_squeeze %dma_start3A_300 : memref<50x1x128xf32, #tpu.memory_space<vmem>> -> memref<50x128xf32, #tpu.memory_space<vmem>>
      %dma_start3A_302 = arith.constant 0 : i32
      %dma_start3A_303 = arith.constant 0 : i32
      %dma_start3A_304 = tpu.memref_slice %arg4[%dma_start3A_302, %add3A_286, %dma_start3A_303] : memref<50x1024x128xf32, #tpu.memory_space<hbm>> -> memref<50x1x128xf32, #tpu.memory_space<hbm>>
      %dma_start3A_305 = tpu.memref_squeeze %dma_start3A_304 : memref<50x1x128xf32, #tpu.memory_space<hbm>> -> memref<50x128xf32, #tpu.memory_space<hbm>>
      tpu.enqueue_dma source(%dma_start3A_305 : memref<50x128xf32, #tpu.memory_space<hbm>>) target(%dma_start3A_301 : memref<50x128xf32, #tpu.memory_space<vmem>>) target_semaphore(%dma_start3A_297 : memref<!tpu.dma_semaphore, #tpu.memory_space<semaphore_mem>>)
    } else {
    }
    %eq3A_107 = arith.constant 3 : i32
    %eq3A_108 = arith.cmpi eq, %squeeze3A_91, %eq3A_107 : i32
    %convert_element_type3A_109 = arith.extui %eq3A_108 : i1 to i32
    %cond3A_110 = arith.constant 0 : i32
    %cond3A_111 = arith.cmpi ne, %convert_element_type3A_109, %cond3A_110 : i32
    scf.if %cond3A_111 {
      %add3A_285 = arith.constant 2 : i32
      %add3A_286 = arith.addi %mul3A_2, %add3A_285 : i32
      %dma_start3A = arith.constant 2 : i32
      %dma_start3A_287 = arith.constant 2 : i32
      %dma_start3A_288 = arith.constant 0 : i32
      %dma_start3A_289 = arith.constant 0 : i32
      %dma_start3A_290 = tpu.memref_slice %arg13[%dma_start3A_288, %dma_start3A, %dma_start3A_289] : memref<50x8x128xf32, #tpu.memory_space<vmem>> -> memref<50x1x128xf32, #tpu.memory_space<vmem>>
      %dma_start3A_291 = tpu.memref_squeeze %dma_start3A_290 : memref<50x1x128xf32, #tpu.memory_space<vmem>> -> memref<50x128xf32, #tpu.memory_space<vmem>>
      %dma_start3A_292 = arith.constant 0 : i32
      %dma_start3A_293 = arith.constant 0 : i32
      %dma_start3A_294 = tpu.memref_slice %arg5[%dma_start3A_292, %add3A_286, %dma_start3A_293] : memref<50x1024x128xf32, #tpu.memory_space<hbm>> -> memref<50x1x128xf32, #tpu.memory_space<hbm>>
      %dma_start3A_295 = tpu.memref_squeeze %dma_start3A_294 : memref<50x1x128xf32, #tpu.memory_space<hbm>> -> memref<50x128xf32, #tpu.memory_space<hbm>>
      %dma_start3A_296 = tpu.memref_slice %arg14[%dma_start3A_287] : memref<8x!tpu.dma_semaphore, #tpu.memory_space<semaphore_mem>> -> memref<1x!tpu.dma_semaphore, #tpu.memory_space<semaphore_mem>>
      %dma_start3A_297 = tpu.memref_squeeze %dma_start3A_296 : memref<1x!tpu.dma_semaphore, #tpu.memory_space<semaphore_mem>> -> memref<!tpu.dma_semaphore, #tpu.memory_space<semaphore_mem>>
      %dma_start3A_298 = arith.constant 0 : i32
      %dma_start3A_299 = arith.constant 0 : i32
      %dma_start3A_300 = tpu.memref_slice %arg13[%dma_start3A_298, %dma_start3A, %dma_start3A_299] : memref<50x8x128xf32, #tpu.memory_space<vmem>> -> memref<50x1x128xf32, #tpu.memory_space<vmem>>
      %dma_start3A_301 = tpu.memref_squeeze %dma_start3A_300 : memref<50x1x128xf32, #tpu.memory_space<vmem>> -> memref<50x128xf32, #tpu.memory_space<vmem>>
      %dma_start3A_302 = arith.constant 0 : i32
      %dma_start3A_303 = arith.constant 0 : i32
      %dma_start3A_304 = tpu.memref_slice %arg5[%dma_start3A_302, %add3A_286, %dma_start3A_303] : memref<50x1024x128xf32, #tpu.memory_space<hbm>> -> memref<50x1x128xf32, #tpu.memory_space<hbm>>
      %dma_start3A_305 = tpu.memref_squeeze %dma_start3A_304 : memref<50x1x128xf32, #tpu.memory_space<hbm>> -> memref<50x128xf32, #tpu.memory_space<hbm>>
      tpu.enqueue_dma source(%dma_start3A_305 : memref<50x128xf32, #tpu.memory_space<hbm>>) target(%dma_start3A_301 : memref<50x128xf32, #tpu.memory_space<vmem>>) target_semaphore(%dma_start3A_297 : memref<!tpu.dma_semaphore, #tpu.memory_space<semaphore_mem>>)
    } else {
    }
    %eq3A_112 = arith.constant 4 : i32
    %eq3A_113 = arith.cmpi eq, %squeeze3A_91, %eq3A_112 : i32
    %convert_element_type3A_114 = arith.extui %eq3A_113 : i1 to i32
    %cond3A_115 = arith.constant 0 : i32
    %cond3A_116 = arith.cmpi ne, %convert_element_type3A_114, %cond3A_115 : i32
    scf.if %cond3A_116 {
      %add3A_285 = arith.constant 2 : i32
      %add3A_286 = arith.addi %mul3A_2, %add3A_285 : i32
      %dma_start3A = arith.constant 2 : i32
      %dma_start3A_287 = arith.constant 2 : i32
      %dma_start3A_288 = arith.constant 0 : i32
      %dma_start3A_289 = arith.constant 0 : i32
      %dma_start3A_290 = tpu.memref_slice %arg13[%dma_start3A_288, %dma_start3A, %dma_start3A_289] : memref<50x8x128xf32, #tpu.memory_space<vmem>> -> memref<50x1x128xf32, #tpu.memory_space<vmem>>
      %dma_start3A_291 = tpu.memref_squeeze %dma_start3A_290 : memref<50x1x128xf32, #tpu.memory_space<vmem>> -> memref<50x128xf32, #tpu.memory_space<vmem>>
      %dma_start3A_292 = arith.constant 0 : i32
      %dma_start3A_293 = arith.constant 0 : i32
      %dma_start3A_294 = tpu.memref_slice %arg6[%dma_start3A_292, %add3A_286, %dma_start3A_293] : memref<50x1024x128xf32, #tpu.memory_space<hbm>> -> memref<50x1x128xf32, #tpu.memory_space<hbm>>
      %dma_start3A_295 = tpu.memref_squeeze %dma_start3A_294 : memref<50x1x128xf32, #tpu.memory_space<hbm>> -> memref<50x128xf32, #tpu.memory_space<hbm>>
      %dma_start3A_296 = tpu.memref_slice %arg14[%dma_start3A_287] : memref<8x!tpu.dma_semaphore, #tpu.memory_space<semaphore_mem>> -> memref<1x!tpu.dma_semaphore, #tpu.memory_space<semaphore_mem>>
      %dma_start3A_297 = tpu.memref_squeeze %dma_start3A_296 : memref<1x!tpu.dma_semaphore, #tpu.memory_space<semaphore_mem>> -> memref<!tpu.dma_semaphore, #tpu.memory_space<semaphore_mem>>
      %dma_start3A_298 = arith.constant 0 : i32
      %dma_start3A_299 = arith.constant 0 : i32
      %dma_start3A_300 = tpu.memref_slice %arg13[%dma_start3A_298, %dma_start3A, %dma_start3A_299] : memref<50x8x128xf32, #tpu.memory_space<vmem>> -> memref<50x1x128xf32, #tpu.memory_space<vmem>>
      %dma_start3A_301 = tpu.memref_squeeze %dma_start3A_300 : memref<50x1x128xf32, #tpu.memory_space<vmem>> -> memref<50x128xf32, #tpu.memory_space<vmem>>
      %dma_start3A_302 = arith.constant 0 : i32
      %dma_start3A_303 = arith.constant 0 : i32
      %dma_start3A_304 = tpu.memref_slice %arg6[%dma_start3A_302, %add3A_286, %dma_start3A_303] : memref<50x1024x128xf32, #tpu.memory_space<hbm>> -> memref<50x1x128xf32, #tpu.memory_space<hbm>>
      %dma_start3A_305 = tpu.memref_squeeze %dma_start3A_304 : memref<50x1x128xf32, #tpu.memory_space<hbm>> -> memref<50x128xf32, #tpu.memory_space<hbm>>
      tpu.enqueue_dma source(%dma_start3A_305 : memref<50x128xf32, #tpu.memory_space<hbm>>) target(%dma_start3A_301 : memref<50x128xf32, #tpu.memory_space<vmem>>) target_semaphore(%dma_start3A_297 : memref<!tpu.dma_semaphore, #tpu.memory_space<semaphore_mem>>)
    } else {
    }
    %eq3A_117 = arith.constant 5 : i32
    %eq3A_118 = arith.cmpi eq, %squeeze3A_91, %eq3A_117 : i32
    %convert_element_type3A_119 = arith.extui %eq3A_118 : i1 to i32
    %cond3A_120 = arith.constant 0 : i32
    %cond3A_121 = arith.cmpi ne, %convert_element_type3A_119, %cond3A_120 : i32
    scf.if %cond3A_121 {
      %add3A_285 = arith.constant 2 : i32
      %add3A_286 = arith.addi %mul3A_2, %add3A_285 : i32
      %dma_start3A = arith.constant 2 : i32
      %dma_start3A_287 = arith.constant 2 : i32
      %dma_start3A_288 = arith.constant 0 : i32
      %dma_start3A_289 = arith.constant 0 : i32
      %dma_start3A_290 = tpu.memref_slice %arg13[%dma_start3A_288, %dma_start3A, %dma_start3A_289] : memref<50x8x128xf32, #tpu.memory_space<vmem>> -> memref<50x1x128xf32, #tpu.memory_space<vmem>>
      %dma_start3A_291 = tpu.memref_squeeze %dma_start3A_290 : memref<50x1x128xf32, #tpu.memory_space<vmem>> -> memref<50x128xf32, #tpu.memory_space<vmem>>
      %dma_start3A_292 = arith.constant 0 : i32
      %dma_start3A_293 = arith.constant 0 : i32
      %dma_start3A_294 = tpu.memref_slice %arg7[%dma_start3A_292, %add3A_286, %dma_start3A_293] : memref<50x1024x128xf32, #tpu.memory_space<hbm>> -> memref<50x1x128xf32, #tpu.memory_space<hbm>>
      %dma_start3A_295 = tpu.memref_squeeze %dma_start3A_294 : memref<50x1x128xf32, #tpu.memory_space<hbm>> -> memref<50x128xf32, #tpu.memory_space<hbm>>
      %dma_start3A_296 = tpu.memref_slice %arg14[%dma_start3A_287] : memref<8x!tpu.dma_semaphore, #tpu.memory_space<semaphore_mem>> -> memref<1x!tpu.dma_semaphore, #tpu.memory_space<semaphore_mem>>
      %dma_start3A_297 = tpu.memref_squeeze %dma_start3A_296 : memref<1x!tpu.dma_semaphore, #tpu.memory_space<semaphore_mem>> -> memref<!tpu.dma_semaphore, #tpu.memory_space<semaphore_mem>>
      %dma_start3A_298 = arith.constant 0 : i32
      %dma_start3A_299 = arith.constant 0 : i32
      %dma_start3A_300 = tpu.memref_slice %arg13[%dma_start3A_298, %dma_start3A, %dma_start3A_299] : memref<50x8x128xf32, #tpu.memory_space<vmem>> -> memref<50x1x128xf32, #tpu.memory_space<vmem>>
      %dma_start3A_301 = tpu.memref_squeeze %dma_start3A_300 : memref<50x1x128xf32, #tpu.memory_space<vmem>> -> memref<50x128xf32, #tpu.memory_space<vmem>>
      %dma_start3A_302 = arith.constant 0 : i32
      %dma_start3A_303 = arith.constant 0 : i32
      %dma_start3A_304 = tpu.memref_slice %arg7[%dma_start3A_302, %add3A_286, %dma_start3A_303] : memref<50x1024x128xf32, #tpu.memory_space<hbm>> -> memref<50x1x128xf32, #tpu.memory_space<hbm>>
      %dma_start3A_305 = tpu.memref_squeeze %dma_start3A_304 : memref<50x1x128xf32, #tpu.memory_space<hbm>> -> memref<50x128xf32, #tpu.memory_space<hbm>>
      tpu.enqueue_dma source(%dma_start3A_305 : memref<50x128xf32, #tpu.memory_space<hbm>>) target(%dma_start3A_301 : memref<50x128xf32, #tpu.memory_space<vmem>>) target_semaphore(%dma_start3A_297 : memref<!tpu.dma_semaphore, #tpu.memory_space<semaphore_mem>>)
    } else {
    }
    %eq3A_122 = arith.constant 6 : i32
    %eq3A_123 = arith.cmpi eq, %squeeze3A_91, %eq3A_122 : i32
    %convert_element_type3A_124 = arith.extui %eq3A_123 : i1 to i32
    %cond3A_125 = arith.constant 0 : i32
    %cond3A_126 = arith.cmpi ne, %convert_element_type3A_124, %cond3A_125 : i32
    scf.if %cond3A_126 {
      %add3A_285 = arith.constant 2 : i32
      %add3A_286 = arith.addi %mul3A_2, %add3A_285 : i32
      %dma_start3A = arith.constant 2 : i32
      %dma_start3A_287 = arith.constant 2 : i32
      %dma_start3A_288 = arith.constant 0 : i32
      %dma_start3A_289 = arith.constant 0 : i32
      %dma_start3A_290 = tpu.memref_slice %arg13[%dma_start3A_288, %dma_start3A, %dma_start3A_289] : memref<50x8x128xf32, #tpu.memory_space<vmem>> -> memref<50x1x128xf32, #tpu.memory_space<vmem>>
      %dma_start3A_291 = tpu.memref_squeeze %dma_start3A_290 : memref<50x1x128xf32, #tpu.memory_space<vmem>> -> memref<50x128xf32, #tpu.memory_space<vmem>>
      %dma_start3A_292 = arith.constant 0 : i32
      %dma_start3A_293 = arith.constant 0 : i32
      %dma_start3A_294 = tpu.memref_slice %arg8[%dma_start3A_292, %add3A_286, %dma_start3A_293] : memref<50x1024x128xf32, #tpu.memory_space<hbm>> -> memref<50x1x128xf32, #tpu.memory_space<hbm>>
      %dma_start3A_295 = tpu.memref_squeeze %dma_start3A_294 : memref<50x1x128xf32, #tpu.memory_space<hbm>> -> memref<50x128xf32, #tpu.memory_space<hbm>>
      %dma_start3A_296 = tpu.memref_slice %arg14[%dma_start3A_287] : memref<8x!tpu.dma_semaphore, #tpu.memory_space<semaphore_mem>> -> memref<1x!tpu.dma_semaphore, #tpu.memory_space<semaphore_mem>>
      %dma_start3A_297 = tpu.memref_squeeze %dma_start3A_296 : memref<1x!tpu.dma_semaphore, #tpu.memory_space<semaphore_mem>> -> memref<!tpu.dma_semaphore, #tpu.memory_space<semaphore_mem>>
      %dma_start3A_298 = arith.constant 0 : i32
      %dma_start3A_299 = arith.constant 0 : i32
      %dma_start3A_300 = tpu.memref_slice %arg13[%dma_start3A_298, %dma_start3A, %dma_start3A_299] : memref<50x8x128xf32, #tpu.memory_space<vmem>> -> memref<50x1x128xf32, #tpu.memory_space<vmem>>
      %dma_start3A_301 = tpu.memref_squeeze %dma_start3A_300 : memref<50x1x128xf32, #tpu.memory_space<vmem>> -> memref<50x128xf32, #tpu.memory_space<vmem>>
      %dma_start3A_302 = arith.constant 0 : i32
      %dma_start3A_303 = arith.constant 0 : i32
      %dma_start3A_304 = tpu.memref_slice %arg8[%dma_start3A_302, %add3A_286, %dma_start3A_303] : memref<50x1024x128xf32, #tpu.memory_space<hbm>> -> memref<50x1x128xf32, #tpu.memory_space<hbm>>
      %dma_start3A_305 = tpu.memref_squeeze %dma_start3A_304 : memref<50x1x128xf32, #tpu.memory_space<hbm>> -> memref<50x128xf32, #tpu.memory_space<hbm>>
      tpu.enqueue_dma source(%dma_start3A_305 : memref<50x128xf32, #tpu.memory_space<hbm>>) target(%dma_start3A_301 : memref<50x128xf32, #tpu.memory_space<vmem>>) target_semaphore(%dma_start3A_297 : memref<!tpu.dma_semaphore, #tpu.memory_space<semaphore_mem>>)
    } else {
    }
    %eq3A_127 = arith.constant 7 : i32
    %eq3A_128 = arith.cmpi eq, %squeeze3A_91, %eq3A_127 : i32
    %convert_element_type3A_129 = arith.extui %eq3A_128 : i1 to i32
    %cond3A_130 = arith.constant 0 : i32
    %cond3A_131 = arith.cmpi ne, %convert_element_type3A_129, %cond3A_130 : i32
    scf.if %cond3A_131 {
      %add3A_285 = arith.constant 2 : i32
      %add3A_286 = arith.addi %mul3A_2, %add3A_285 : i32
      %dma_start3A = arith.constant 2 : i32
      %dma_start3A_287 = arith.constant 2 : i32
      %dma_start3A_288 = arith.constant 0 : i32
      %dma_start3A_289 = arith.constant 0 : i32
      %dma_start3A_290 = tpu.memref_slice %arg13[%dma_start3A_288, %dma_start3A, %dma_start3A_289] : memref<50x8x128xf32, #tpu.memory_space<vmem>> -> memref<50x1x128xf32, #tpu.memory_space<vmem>>
      %dma_start3A_291 = tpu.memref_squeeze %dma_start3A_290 : memref<50x1x128xf32, #tpu.memory_space<vmem>> -> memref<50x128xf32, #tpu.memory_space<vmem>>
      %dma_start3A_292 = arith.constant 0 : i32
      %dma_start3A_293 = arith.constant 0 : i32
      %dma_start3A_294 = tpu.memref_slice %arg9[%dma_start3A_292, %add3A_286, %dma_start3A_293] : memref<50x1024x128xf32, #tpu.memory_space<hbm>> -> memref<50x1x128xf32, #tpu.memory_space<hbm>>
      %dma_start3A_295 = tpu.memref_squeeze %dma_start3A_294 : memref<50x1x128xf32, #tpu.memory_space<hbm>> -> memref<50x128xf32, #tpu.memory_space<hbm>>
      %dma_start3A_296 = tpu.memref_slice %arg14[%dma_start3A_287] : memref<8x!tpu.dma_semaphore, #tpu.memory_space<semaphore_mem>> -> memref<1x!tpu.dma_semaphore, #tpu.memory_space<semaphore_mem>>
      %dma_start3A_297 = tpu.memref_squeeze %dma_start3A_296 : memref<1x!tpu.dma_semaphore, #tpu.memory_space<semaphore_mem>> -> memref<!tpu.dma_semaphore, #tpu.memory_space<semaphore_mem>>
      %dma_start3A_298 = arith.constant 0 : i32
      %dma_start3A_299 = arith.constant 0 : i32
      %dma_start3A_300 = tpu.memref_slice %arg13[%dma_start3A_298, %dma_start3A, %dma_start3A_299] : memref<50x8x128xf32, #tpu.memory_space<vmem>> -> memref<50x1x128xf32, #tpu.memory_space<vmem>>
      %dma_start3A_301 = tpu.memref_squeeze %dma_start3A_300 : memref<50x1x128xf32, #tpu.memory_space<vmem>> -> memref<50x128xf32, #tpu.memory_space<vmem>>
      %dma_start3A_302 = arith.constant 0 : i32
      %dma_start3A_303 = arith.constant 0 : i32
      %dma_start3A_304 = tpu.memref_slice %arg9[%dma_start3A_302, %add3A_286, %dma_start3A_303] : memref<50x1024x128xf32, #tpu.memory_space<hbm>> -> memref<50x1x128xf32, #tpu.memory_space<hbm>>
      %dma_start3A_305 = tpu.memref_squeeze %dma_start3A_304 : memref<50x1x128xf32, #tpu.memory_space<hbm>> -> memref<50x128xf32, #tpu.memory_space<hbm>>
      tpu.enqueue_dma source(%dma_start3A_305 : memref<50x128xf32, #tpu.memory_space<hbm>>) target(%dma_start3A_301 : memref<50x128xf32, #tpu.memory_space<vmem>>) target_semaphore(%dma_start3A_297 : memref<!tpu.dma_semaphore, #tpu.memory_space<semaphore_mem>>)
    } else {
    }
    %get3A_132 = arith.constant 3 : index
    %get3A_133 = tpu.vector_load %arg12[%get3A_132] {strides = array<i32>} : memref<64xi32, #tpu.memory_space<vmem>>, vector<16xi32>,
    %get3A_134 = vector.shape_cast %get3A_133 : vector<16xi32> to vector<16xi32>
    %slice3A_135 = vector.extract_strided_slice %get3A_134 {offsets = [0], sizes = [1], strides = [1]} : vector<16xi32> to vector<1xi32>
    %squeeze3A_136 = vector.extract %slice3A_135[0] : i32 from vector<1xi32>
    %eq3A_137 = arith.constant 0 : i32
    %eq3A_138 = arith.cmpi eq, %squeeze3A_136, %eq3A_137 : i32
    %convert_element_type3A_139 = arith.extui %eq3A_138 : i1 to i32
    %cond3A_140 = arith.constant 0 : i32
    %cond3A_141 = arith.cmpi ne, %convert_element_type3A_139, %cond3A_140 : i32
    scf.if %cond3A_141 {
      %add3A_285 = arith.constant 3 : i32
      %add3A_286 = arith.addi %mul3A_2, %add3A_285 : i32
      %dma_start3A = arith.constant 3 : i32
      %dma_start3A_287 = arith.constant 3 : i32
      %dma_start3A_288 = arith.constant 0 : i32
      %dma_start3A_289 = arith.constant 0 : i32
      %dma_start3A_290 = tpu.memref_slice %arg13[%dma_start3A_288, %dma_start3A, %dma_start3A_289] : memref<50x8x128xf32, #tpu.memory_space<vmem>> -> memref<50x1x128xf32, #tpu.memory_space<vmem>>
      %dma_start3A_291 = tpu.memref_squeeze %dma_start3A_290 : memref<50x1x128xf32, #tpu.memory_space<vmem>> -> memref<50x128xf32, #tpu.memory_space<vmem>>
      %dma_start3A_292 = arith.constant 0 : i32
      %dma_start3A_293 = arith.constant 0 : i32
      %dma_start3A_294 = tpu.memref_slice %arg2[%dma_start3A_292, %add3A_286, %dma_start3A_293] : memref<50x1024x128xf32, #tpu.memory_space<hbm>> -> memref<50x1x128xf32, #tpu.memory_space<hbm>>
      %dma_start3A_295 = tpu.memref_squeeze %dma_start3A_294 : memref<50x1x128xf32, #tpu.memory_space<hbm>> -> memref<50x128xf32, #tpu.memory_space<hbm>>
      %dma_start3A_296 = tpu.memref_slice %arg14[%dma_start3A_287] : memref<8x!tpu.dma_semaphore, #tpu.memory_space<semaphore_mem>> -> memref<1x!tpu.dma_semaphore, #tpu.memory_space<semaphore_mem>>
      %dma_start3A_297 = tpu.memref_squeeze %dma_start3A_296 : memref<1x!tpu.dma_semaphore, #tpu.memory_space<semaphore_mem>> -> memref<!tpu.dma_semaphore, #tpu.memory_space<semaphore_mem>>
      %dma_start3A_298 = arith.constant 0 : i32
      %dma_start3A_299 = arith.constant 0 : i32
      %dma_start3A_300 = tpu.memref_slice %arg13[%dma_start3A_298, %dma_start3A, %dma_start3A_299] : memref<50x8x128xf32, #tpu.memory_space<vmem>> -> memref<50x1x128xf32, #tpu.memory_space<vmem>>
      %dma_start3A_301 = tpu.memref_squeeze %dma_start3A_300 : memref<50x1x128xf32, #tpu.memory_space<vmem>> -> memref<50x128xf32, #tpu.memory_space<vmem>>
      %dma_start3A_302 = arith.constant 0 : i32
      %dma_start3A_303 = arith.constant 0 : i32
      %dma_start3A_304 = tpu.memref_slice %arg2[%dma_start3A_302, %add3A_286, %dma_start3A_303] : memref<50x1024x128xf32, #tpu.memory_space<hbm>> -> memref<50x1x128xf32, #tpu.memory_space<hbm>>
      %dma_start3A_305 = tpu.memref_squeeze %dma_start3A_304 : memref<50x1x128xf32, #tpu.memory_space<hbm>> -> memref<50x128xf32, #tpu.memory_space<hbm>>
      tpu.enqueue_dma source(%dma_start3A_305 : memref<50x128xf32, #tpu.memory_space<hbm>>) target(%dma_start3A_301 : memref<50x128xf32, #tpu.memory_space<vmem>>) target_semaphore(%dma_start3A_297 : memref<!tpu.dma_semaphore, #tpu.memory_space<semaphore_mem>>)
    } else {
    }
    %eq3A_142 = arith.constant 1 : i32
    %eq3A_143 = arith.cmpi eq, %squeeze3A_136, %eq3A_142 : i32
    %convert_element_type3A_144 = arith.extui %eq3A_143 : i1 to i32
    %cond3A_145 = arith.constant 0 : i32
    %cond3A_146 = arith.cmpi ne, %convert_element_type3A_144, %cond3A_145 : i32
    scf.if %cond3A_146 {
      %add3A_285 = arith.constant 3 : i32
      %add3A_286 = arith.addi %mul3A_2, %add3A_285 : i32
      %dma_start3A = arith.constant 3 : i32
      %dma_start3A_287 = arith.constant 3 : i32
      %dma_start3A_288 = arith.constant 0 : i32
      %dma_start3A_289 = arith.constant 0 : i32
      %dma_start3A_290 = tpu.memref_slice %arg13[%dma_start3A_288, %dma_start3A, %dma_start3A_289] : memref<50x8x128xf32, #tpu.memory_space<vmem>> -> memref<50x1x128xf32, #tpu.memory_space<vmem>>
      %dma_start3A_291 = tpu.memref_squeeze %dma_start3A_290 : memref<50x1x128xf32, #tpu.memory_space<vmem>> -> memref<50x128xf32, #tpu.memory_space<vmem>>
      %dma_start3A_292 = arith.constant 0 : i32
      %dma_start3A_293 = arith.constant 0 : i32
      %dma_start3A_294 = tpu.memref_slice %arg3[%dma_start3A_292, %add3A_286, %dma_start3A_293] : memref<50x1024x128xf32, #tpu.memory_space<hbm>> -> memref<50x1x128xf32, #tpu.memory_space<hbm>>
      %dma_start3A_295 = tpu.memref_squeeze %dma_start3A_294 : memref<50x1x128xf32, #tpu.memory_space<hbm>> -> memref<50x128xf32, #tpu.memory_space<hbm>>
      %dma_start3A_296 = tpu.memref_slice %arg14[%dma_start3A_287] : memref<8x!tpu.dma_semaphore, #tpu.memory_space<semaphore_mem>> -> memref<1x!tpu.dma_semaphore, #tpu.memory_space<semaphore_mem>>
      %dma_start3A_297 = tpu.memref_squeeze %dma_start3A_296 : memref<1x!tpu.dma_semaphore, #tpu.memory_space<semaphore_mem>> -> memref<!tpu.dma_semaphore, #tpu.memory_space<semaphore_mem>>
      %dma_start3A_298 = arith.constant 0 : i32
      %dma_start3A_299 = arith.constant 0 : i32
      %dma_start3A_300 = tpu.memref_slice %arg13[%dma_start3A_298, %dma_start3A, %dma_start3A_299] : memref<50x8x128xf32, #tpu.memory_space<vmem>> -> memref<50x1x128xf32, #tpu.memory_space<vmem>>
      %dma_start3A_301 = tpu.memref_squeeze %dma_start3A_300 : memref<50x1x128xf32, #tpu.memory_space<vmem>> -> memref<50x128xf32, #tpu.memory_space<vmem>>
      %dma_start3A_302 = arith.constant 0 : i32
      %dma_start3A_303 = arith.constant 0 : i32
      %dma_start3A_304 = tpu.memref_slice %arg3[%dma_start3A_302, %add3A_286, %dma_start3A_303] : memref<50x1024x128xf32, #tpu.memory_space<hbm>> -> memref<50x1x128xf32, #tpu.memory_space<hbm>>
      %dma_start3A_305 = tpu.memref_squeeze %dma_start3A_304 : memref<50x1x128xf32, #tpu.memory_space<hbm>> -> memref<50x128xf32, #tpu.memory_space<hbm>>
      tpu.enqueue_dma source(%dma_start3A_305 : memref<50x128xf32, #tpu.memory_space<hbm>>) target(%dma_start3A_301 : memref<50x128xf32, #tpu.memory_space<vmem>>) target_semaphore(%dma_start3A_297 : memref<!tpu.dma_semaphore, #tpu.memory_space<semaphore_mem>>)
    } else {
    }
    %eq3A_147 = arith.constant 2 : i32
    %eq3A_148 = arith.cmpi eq, %squeeze3A_136, %eq3A_147 : i32
    %convert_element_type3A_149 = arith.extui %eq3A_148 : i1 to i32
    %cond3A_150 = arith.constant 0 : i32
    %cond3A_151 = arith.cmpi ne, %convert_element_type3A_149, %cond3A_150 : i32
    scf.if %cond3A_151 {
      %add3A_285 = arith.constant 3 : i32
      %add3A_286 = arith.addi %mul3A_2, %add3A_285 : i32
      %dma_start3A = arith.constant 3 : i32
      %dma_start3A_287 = arith.constant 3 : i32
      %dma_start3A_288 = arith.constant 0 : i32
      %dma_start3A_289 = arith.constant 0 : i32
      %dma_start3A_290 = tpu.memref_slice %arg13[%dma_start3A_288, %dma_start3A, %dma_start3A_289] : memref<50x8x128xf32, #tpu.memory_space<vmem>> -> memref<50x1x128xf32, #tpu.memory_space<vmem>>
      %dma_start3A_291 = tpu.memref_squeeze %dma_start3A_290 : memref<50x1x128xf32, #tpu.memory_space<vmem>> -> memref<50x128xf32, #tpu.memory_space<vmem>>
      %dma_start3A_292 = arith.constant 0 : i32
      %dma_start3A_293 = arith.constant 0 : i32
      %dma_start3A_294 = tpu.memref_slice %arg4[%dma_start3A_292, %add3A_286, %dma_start3A_293] : memref<50x1024x128xf32, #tpu.memory_space<hbm>> -> memref<50x1x128xf32, #tpu.memory_space<hbm>>
      %dma_start3A_295 = tpu.memref_squeeze %dma_start3A_294 : memref<50x1x128xf32, #tpu.memory_space<hbm>> -> memref<50x128xf32, #tpu.memory_space<hbm>>
      %dma_start3A_296 = tpu.memref_slice %arg14[%dma_start3A_287] : memref<8x!tpu.dma_semaphore, #tpu.memory_space<semaphore_mem>> -> memref<1x!tpu.dma_semaphore, #tpu.memory_space<semaphore_mem>>
      %dma_start3A_297 = tpu.memref_squeeze %dma_start3A_296 : memref<1x!tpu.dma_semaphore, #tpu.memory_space<semaphore_mem>> -> memref<!tpu.dma_semaphore, #tpu.memory_space<semaphore_mem>>
      %dma_start3A_298 = arith.constant 0 : i32
      %dma_start3A_299 = arith.constant 0 : i32
      %dma_start3A_300 = tpu.memref_slice %arg13[%dma_start3A_298, %dma_start3A, %dma_start3A_299] : memref<50x8x128xf32, #tpu.memory_space<vmem>> -> memref<50x1x128xf32, #tpu.memory_space<vmem>>
      %dma_start3A_301 = tpu.memref_squeeze %dma_start3A_300 : memref<50x1x128xf32, #tpu.memory_space<vmem>> -> memref<50x128xf32, #tpu.memory_space<vmem>>
      %dma_start3A_302 = arith.constant 0 : i32
      %dma_start3A_303 = arith.constant 0 : i32
      %dma_start3A_304 = tpu.memref_slice %arg4[%dma_start3A_302, %add3A_286, %dma_start3A_303] : memref<50x1024x128xf32, #tpu.memory_space<hbm>> -> memref<50x1x128xf32, #tpu.memory_space<hbm>>
      %dma_start3A_305 = tpu.memref_squeeze %dma_start3A_304 : memref<50x1x128xf32, #tpu.memory_space<hbm>> -> memref<50x128xf32, #tpu.memory_space<hbm>>
      tpu.enqueue_dma source(%dma_start3A_305 : memref<50x128xf32, #tpu.memory_space<hbm>>) target(%dma_start3A_301 : memref<50x128xf32, #tpu.memory_space<vmem>>) target_semaphore(%dma_start3A_297 : memref<!tpu.dma_semaphore, #tpu.memory_space<semaphore_mem>>)
    } else {
    }
    %eq3A_152 = arith.constant 3 : i32
    %eq3A_153 = arith.cmpi eq, %squeeze3A_136, %eq3A_152 : i32
    %convert_element_type3A_154 = arith.extui %eq3A_153 : i1 to i32
    %cond3A_155 = arith.constant 0 : i32
    %cond3A_156 = arith.cmpi ne, %convert_element_type3A_154, %cond3A_155 : i32
    scf.if %cond3A_156 {
      %add3A_285 = arith.constant 3 : i32
      %add3A_286 = arith.addi %mul3A_2, %add3A_285 : i32
      %dma_start3A = arith.constant 3 : i32
      %dma_start3A_287 = arith.constant 3 : i32
      %dma_start3A_288 = arith.constant 0 : i32
      %dma_start3A_289 = arith.constant 0 : i32
      %dma_start3A_290 = tpu.memref_slice %arg13[%dma_start3A_288, %dma_start3A, %dma_start3A_289] : memref<50x8x128xf32, #tpu.memory_space<vmem>> -> memref<50x1x128xf32, #tpu.memory_space<vmem>>
      %dma_start3A_291 = tpu.memref_squeeze %dma_start3A_290 : memref<50x1x128xf32, #tpu.memory_space<vmem>> -> memref<50x128xf32, #tpu.memory_space<vmem>>
      %dma_start3A_292 = arith.constant 0 : i32
      %dma_start3A_293 = arith.constant 0 : i32
      %dma_start3A_294 = tpu.memref_slice %arg5[%dma_start3A_292, %add3A_286, %dma_start3A_293] : memref<50x1024x128xf32, #tpu.memory_space<hbm>> -> memref<50x1x128xf32, #tpu.memory_space<hbm>>
      %dma_start3A_295 = tpu.memref_squeeze %dma_start3A_294 : memref<50x1x128xf32, #tpu.memory_space<hbm>> -> memref<50x128xf32, #tpu.memory_space<hbm>>
      %dma_start3A_296 = tpu.memref_slice %arg14[%dma_start3A_287] : memref<8x!tpu.dma_semaphore, #tpu.memory_space<semaphore_mem>> -> memref<1x!tpu.dma_semaphore, #tpu.memory_space<semaphore_mem>>
      %dma_start3A_297 = tpu.memref_squeeze %dma_start3A_296 : memref<1x!tpu.dma_semaphore, #tpu.memory_space<semaphore_mem>> -> memref<!tpu.dma_semaphore, #tpu.memory_space<semaphore_mem>>
      %dma_start3A_298 = arith.constant 0 : i32
      %dma_start3A_299 = arith.constant 0 : i32
      %dma_start3A_300 = tpu.memref_slice %arg13[%dma_start3A_298, %dma_start3A, %dma_start3A_299] : memref<50x8x128xf32, #tpu.memory_space<vmem>> -> memref<50x1x128xf32, #tpu.memory_space<vmem>>
      %dma_start3A_301 = tpu.memref_squeeze %dma_start3A_300 : memref<50x1x128xf32, #tpu.memory_space<vmem>> -> memref<50x128xf32, #tpu.memory_space<vmem>>
      %dma_start3A_302 = arith.constant 0 : i32
      %dma_start3A_303 = arith.constant 0 : i32
      %dma_start3A_304 = tpu.memref_slice %arg5[%dma_start3A_302, %add3A_286, %dma_start3A_303] : memref<50x1024x128xf32, #tpu.memory_space<hbm>> -> memref<50x1x128xf32, #tpu.memory_space<hbm>>
      %dma_start3A_305 = tpu.memref_squeeze %dma_start3A_304 : memref<50x1x128xf32, #tpu.memory_space<hbm>> -> memref<50x128xf32, #tpu.memory_space<hbm>>
      tpu.enqueue_dma source(%dma_start3A_305 : memref<50x128xf32, #tpu.memory_space<hbm>>) target(%dma_start3A_301 : memref<50x128xf32, #tpu.memory_space<vmem>>) target_semaphore(%dma_start3A_297 : memref<!tpu.dma_semaphore, #tpu.memory_space<semaphore_mem>>)
    } else {
    }
    %eq3A_157 = arith.constant 4 : i32
    %eq3A_158 = arith.cmpi eq, %squeeze3A_136, %eq3A_157 : i32
    %convert_element_type3A_159 = arith.extui %eq3A_158 : i1 to i32
    %cond3A_160 = arith.constant 0 : i32
    %cond3A_161 = arith.cmpi ne, %convert_element_type3A_159, %cond3A_160 : i32
    scf.if %cond3A_161 {
      %add3A_285 = arith.constant 3 : i32
      %add3A_286 = arith.addi %mul3A_2, %add3A_285 : i32
      %dma_start3A = arith.constant 3 : i32
      %dma_start3A_287 = arith.constant 3 : i32
      %dma_start3A_288 = arith.constant 0 : i32
      %dma_start3A_289 = arith.constant 0 : i32
      %dma_start3A_290 = tpu.memref_slice %arg13[%dma_start3A_288, %dma_start3A, %dma_start3A_289] : memref<50x8x128xf32, #tpu.memory_space<vmem>> -> memref<50x1x128xf32, #tpu.memory_space<vmem>>
      %dma_start3A_291 = tpu.memref_squeeze %dma_start3A_290 : memref<50x1x128xf32, #tpu.memory_space<vmem>> -> memref<50x128xf32, #tpu.memory_space<vmem>>
      %dma_start3A_292 = arith.constant 0 : i32
      %dma_start3A_293 = arith.constant 0 : i32
      %dma_start3A_294 = tpu.memref_slice %arg6[%dma_start3A_292, %add3A_286, %dma_start3A_293] : memref<50x1024x128xf32, #tpu.memory_space<hbm>> -> memref<50x1x128xf32, #tpu.memory_space<hbm>>
      %dma_start3A_295 = tpu.memref_squeeze %dma_start3A_294 : memref<50x1x128xf32, #tpu.memory_space<hbm>> -> memref<50x128xf32, #tpu.memory_space<hbm>>
      %dma_start3A_296 = tpu.memref_slice %arg14[%dma_start3A_287] : memref<8x!tpu.dma_semaphore, #tpu.memory_space<semaphore_mem>> -> memref<1x!tpu.dma_semaphore, #tpu.memory_space<semaphore_mem>>
      %dma_start3A_297 = tpu.memref_squeeze %dma_start3A_296 : memref<1x!tpu.dma_semaphore, #tpu.memory_space<semaphore_mem>> -> memref<!tpu.dma_semaphore, #tpu.memory_space<semaphore_mem>>
      %dma_start3A_298 = arith.constant 0 : i32
      %dma_start3A_299 = arith.constant 0 : i32
      %dma_start3A_300 = tpu.memref_slice %arg13[%dma_start3A_298, %dma_start3A, %dma_start3A_299] : memref<50x8x128xf32, #tpu.memory_space<vmem>> -> memref<50x1x128xf32, #tpu.memory_space<vmem>>
      %dma_start3A_301 = tpu.memref_squeeze %dma_start3A_300 : memref<50x1x128xf32, #tpu.memory_space<vmem>> -> memref<50x128xf32, #tpu.memory_space<vmem>>
      %dma_start3A_302 = arith.constant 0 : i32
      %dma_start3A_303 = arith.constant 0 : i32
      %dma_start3A_304 = tpu.memref_slice %arg6[%dma_start3A_302, %add3A_286, %dma_start3A_303] : memref<50x1024x128xf32, #tpu.memory_space<hbm>> -> memref<50x1x128xf32, #tpu.memory_space<hbm>>
      %dma_start3A_305 = tpu.memref_squeeze %dma_start3A_304 : memref<50x1x128xf32, #tpu.memory_space<hbm>> -> memref<50x128xf32, #tpu.memory_space<hbm>>
      tpu.enqueue_dma source(%dma_start3A_305 : memref<50x128xf32, #tpu.memory_space<hbm>>) target(%dma_start3A_301 : memref<50x128xf32, #tpu.memory_space<vmem>>) target_semaphore(%dma_start3A_297 : memref<!tpu.dma_semaphore, #tpu.memory_space<semaphore_mem>>)
    } else {
    }
    %eq3A_162 = arith.constant 5 : i32
    %eq3A_163 = arith.cmpi eq, %squeeze3A_136, %eq3A_162 : i32
    %convert_element_type3A_164 = arith.extui %eq3A_163 : i1 to i32
    %cond3A_165 = arith.constant 0 : i32
    %cond3A_166 = arith.cmpi ne, %convert_element_type3A_164, %cond3A_165 : i32
    scf.if %cond3A_166 {
      %add3A_285 = arith.constant 3 : i32
      %add3A_286 = arith.addi %mul3A_2, %add3A_285 : i32
      %dma_start3A = arith.constant 3 : i32
      %dma_start3A_287 = arith.constant 3 : i32
      %dma_start3A_288 = arith.constant 0 : i32
      %dma_start3A_289 = arith.constant 0 : i32
      %dma_start3A_290 = tpu.memref_slice %arg13[%dma_start3A_288, %dma_start3A, %dma_start3A_289] : memref<50x8x128xf32, #tpu.memory_space<vmem>> -> memref<50x1x128xf32, #tpu.memory_space<vmem>>
      %dma_start3A_291 = tpu.memref_squeeze %dma_start3A_290 : memref<50x1x128xf32, #tpu.memory_space<vmem>> -> memref<50x128xf32, #tpu.memory_space<vmem>>
      %dma_start3A_292 = arith.constant 0 : i32
      %dma_start3A_293 = arith.constant 0 : i32
      %dma_start3A_294 = tpu.memref_slice %arg7[%dma_start3A_292, %add3A_286, %dma_start3A_293] : memref<50x1024x128xf32, #tpu.memory_space<hbm>> -> memref<50x1x128xf32, #tpu.memory_space<hbm>>
      %dma_start3A_295 = tpu.memref_squeeze %dma_start3A_294 : memref<50x1x128xf32, #tpu.memory_space<hbm>> -> memref<50x128xf32, #tpu.memory_space<hbm>>
      %dma_start3A_296 = tpu.memref_slice %arg14[%dma_start3A_287] : memref<8x!tpu.dma_semaphore, #tpu.memory_space<semaphore_mem>> -> memref<1x!tpu.dma_semaphore, #tpu.memory_space<semaphore_mem>>
      %dma_start3A_297 = tpu.memref_squeeze %dma_start3A_296 : memref<1x!tpu.dma_semaphore, #tpu.memory_space<semaphore_mem>> -> memref<!tpu.dma_semaphore, #tpu.memory_space<semaphore_mem>>
      %dma_start3A_298 = arith.constant 0 : i32
      %dma_start3A_299 = arith.constant 0 : i32
      %dma_start3A_300 = tpu.memref_slice %arg13[%dma_start3A_298, %dma_start3A, %dma_start3A_299] : memref<50x8x128xf32, #tpu.memory_space<vmem>> -> memref<50x1x128xf32, #tpu.memory_space<vmem>>
      %dma_start3A_301 = tpu.memref_squeeze %dma_start3A_300 : memref<50x1x128xf32, #tpu.memory_space<vmem>> -> memref<50x128xf32, #tpu.memory_space<vmem>>
      %dma_start3A_302 = arith.constant 0 : i32
      %dma_start3A_303 = arith.constant 0 : i32
      %dma_start3A_304 = tpu.memref_slice %arg7[%dma_start3A_302, %add3A_286, %dma_start3A_303] : memref<50x1024x128xf32, #tpu.memory_space<hbm>> -> memref<50x1x128xf32, #tpu.memory_space<hbm>>
      %dma_start3A_305 = tpu.memref_squeeze %dma_start3A_304 : memref<50x1x128xf32, #tpu.memory_space<hbm>> -> memref<50x128xf32, #tpu.memory_space<hbm>>
      tpu.enqueue_dma source(%dma_start3A_305 : memref<50x128xf32, #tpu.memory_space<hbm>>) target(%dma_start3A_301 : memref<50x128xf32, #tpu.memory_space<vmem>>) target_semaphore(%dma_start3A_297 : memref<!tpu.dma_semaphore, #tpu.memory_space<semaphore_mem>>)
    } else {
    }
    %eq3A_167 = arith.constant 6 : i32
    %eq3A_168 = arith.cmpi eq, %squeeze3A_136, %eq3A_167 : i32
    %convert_element_type3A_169 = arith.extui %eq3A_168 : i1 to i32
    %cond3A_170 = arith.constant 0 : i32
    %cond3A_171 = arith.cmpi ne, %convert_element_type3A_169, %cond3A_170 : i32
    scf.if %cond3A_171 {
      %add3A_285 = arith.constant 3 : i32
      %add3A_286 = arith.addi %mul3A_2, %add3A_285 : i32
      %dma_start3A = arith.constant 3 : i32
      %dma_start3A_287 = arith.constant 3 : i32
      %dma_start3A_288 = arith.constant 0 : i32
      %dma_start3A_289 = arith.constant 0 : i32
      %dma_start3A_290 = tpu.memref_slice %arg13[%dma_start3A_288, %dma_start3A, %dma_start3A_289] : memref<50x8x128xf32, #tpu.memory_space<vmem>> -> memref<50x1x128xf32, #tpu.memory_space<vmem>>
      %dma_start3A_291 = tpu.memref_squeeze %dma_start3A_290 : memref<50x1x128xf32, #tpu.memory_space<vmem>> -> memref<50x128xf32, #tpu.memory_space<vmem>>
      %dma_start3A_292 = arith.constant 0 : i32
      %dma_start3A_293 = arith.constant 0 : i32
      %dma_start3A_294 = tpu.memref_slice %arg8[%dma_start3A_292, %add3A_286, %dma_start3A_293] : memref<50x1024x128xf32, #tpu.memory_space<hbm>> -> memref<50x1x128xf32, #tpu.memory_space<hbm>>
      %dma_start3A_295 = tpu.memref_squeeze %dma_start3A_294 : memref<50x1x128xf32, #tpu.memory_space<hbm>> -> memref<50x128xf32, #tpu.memory_space<hbm>>
      %dma_start3A_296 = tpu.memref_slice %arg14[%dma_start3A_287] : memref<8x!tpu.dma_semaphore, #tpu.memory_space<semaphore_mem>> -> memref<1x!tpu.dma_semaphore, #tpu.memory_space<semaphore_mem>>
      %dma_start3A_297 = tpu.memref_squeeze %dma_start3A_296 : memref<1x!tpu.dma_semaphore, #tpu.memory_space<semaphore_mem>> -> memref<!tpu.dma_semaphore, #tpu.memory_space<semaphore_mem>>
      %dma_start3A_298 = arith.constant 0 : i32
      %dma_start3A_299 = arith.constant 0 : i32
      %dma_start3A_300 = tpu.memref_slice %arg13[%dma_start3A_298, %dma_start3A, %dma_start3A_299] : memref<50x8x128xf32, #tpu.memory_space<vmem>> -> memref<50x1x128xf32, #tpu.memory_space<vmem>>
      %dma_start3A_301 = tpu.memref_squeeze %dma_start3A_300 : memref<50x1x128xf32, #tpu.memory_space<vmem>> -> memref<50x128xf32, #tpu.memory_space<vmem>>
      %dma_start3A_302 = arith.constant 0 : i32
      %dma_start3A_303 = arith.constant 0 : i32
      %dma_start3A_304 = tpu.memref_slice %arg8[%dma_start3A_302, %add3A_286, %dma_start3A_303] : memref<50x1024x128xf32, #tpu.memory_space<hbm>> -> memref<50x1x128xf32, #tpu.memory_space<hbm>>
      %dma_start3A_305 = tpu.memref_squeeze %dma_start3A_304 : memref<50x1x128xf32, #tpu.memory_space<hbm>> -> memref<50x128xf32, #tpu.memory_space<hbm>>
      tpu.enqueue_dma source(%dma_start3A_305 : memref<50x128xf32, #tpu.memory_space<hbm>>) target(%dma_start3A_301 : memref<50x128xf32, #tpu.memory_space<vmem>>) target_semaphore(%dma_start3A_297 : memref<!tpu.dma_semaphore, #tpu.memory_space<semaphore_mem>>)
    } else {
    }
    %eq3A_172 = arith.constant 7 : i32
    %eq3A_173 = arith.cmpi eq, %squeeze3A_136, %eq3A_172 : i32
    %convert_element_type3A_174 = arith.extui %eq3A_173 : i1 to i32
    %cond3A_175 = arith.constant 0 : i32
    %cond3A_176 = arith.cmpi ne, %convert_element_type3A_174, %cond3A_175 : i32
    scf.if %cond3A_176 {
      %add3A_285 = arith.constant 3 : i32
      %add3A_286 = arith.addi %mul3A_2, %add3A_285 : i32
      %dma_start3A = arith.constant 3 : i32
      %dma_start3A_287 = arith.constant 3 : i32
      %dma_start3A_288 = arith.constant 0 : i32
      %dma_start3A_289 = arith.constant 0 : i32
      %dma_start3A_290 = tpu.memref_slice %arg13[%dma_start3A_288, %dma_start3A, %dma_start3A_289] : memref<50x8x128xf32, #tpu.memory_space<vmem>> -> memref<50x1x128xf32, #tpu.memory_space<vmem>>
      %dma_start3A_291 = tpu.memref_squeeze %dma_start3A_290 : memref<50x1x128xf32, #tpu.memory_space<vmem>> -> memref<50x128xf32, #tpu.memory_space<vmem>>
      %dma_start3A_292 = arith.constant 0 : i32
      %dma_start3A_293 = arith.constant 0 : i32
      %dma_start3A_294 = tpu.memref_slice %arg9[%dma_start3A_292, %add3A_286, %dma_start3A_293] : memref<50x1024x128xf32, #tpu.memory_space<hbm>> -> memref<50x1x128xf32, #tpu.memory_space<hbm>>
      %dma_start3A_295 = tpu.memref_squeeze %dma_start3A_294 : memref<50x1x128xf32, #tpu.memory_space<hbm>> -> memref<50x128xf32, #tpu.memory_space<hbm>>
      %dma_start3A_296 = tpu.memref_slice %arg14[%dma_start3A_287] : memref<8x!tpu.dma_semaphore, #tpu.memory_space<semaphore_mem>> -> memref<1x!tpu.dma_semaphore, #tpu.memory_space<semaphore_mem>>
      %dma_start3A_297 = tpu.memref_squeeze %dma_start3A_296 : memref<1x!tpu.dma_semaphore, #tpu.memory_space<semaphore_mem>> -> memref<!tpu.dma_semaphore, #tpu.memory_space<semaphore_mem>>
      %dma_start3A_298 = arith.constant 0 : i32
      %dma_start3A_299 = arith.constant 0 : i32
      %dma_start3A_300 = tpu.memref_slice %arg13[%dma_start3A_298, %dma_start3A, %dma_start3A_299] : memref<50x8x128xf32, #tpu.memory_space<vmem>> -> memref<50x1x128xf32, #tpu.memory_space<vmem>>
      %dma_start3A_301 = tpu.memref_squeeze %dma_start3A_300 : memref<50x1x128xf32, #tpu.memory_space<vmem>> -> memref<50x128xf32, #tpu.memory_space<vmem>>
      %dma_start3A_302 = arith.constant 0 : i32
      %dma_start3A_303 = arith.constant 0 : i32
      %dma_start3A_304 = tpu.memref_slice %arg9[%dma_start3A_302, %add3A_286, %dma_start3A_303] : memref<50x1024x128xf32, #tpu.memory_space<hbm>> -> memref<50x1x128xf32, #tpu.memory_space<hbm>>
      %dma_start3A_305 = tpu.memref_squeeze %dma_start3A_304 : memref<50x1x128xf32, #tpu.memory_space<hbm>> -> memref<50x128xf32, #tpu.memory_space<hbm>>
      tpu.enqueue_dma source(%dma_start3A_305 : memref<50x128xf32, #tpu.memory_space<hbm>>) target(%dma_start3A_301 : memref<50x128xf32, #tpu.memory_space<vmem>>) target_semaphore(%dma_start3A_297 : memref<!tpu.dma_semaphore, #tpu.memory_space<semaphore_mem>>)
    } else {
    }
    %scan3A = arith.constant 0 : i32
    %scan3A_177 = arith.constant 0 : i32
    %scan3A_178 = arith.constant 32 : i32
    %scan3A_179 = arith.addi %scan3A_177, %scan3A_178 : i32
    %scan3A_180 = arith.constant 1 : i32
    scf.for %scan3A_285 = %scan3A_177 to %scan3A_179 step %scan3A_180  : i32 {
      %rem3A = arith.constant 8 : i32
      %rem3A_286 = arith.remsi %scan3A_285, %rem3A : i32
      %add3A_287 = arith.constant 4 : i32
      %add3A_288 = arith.addi %scan3A_285, %add3A_287 : i32
      %rem3A_289 = arith.constant 8 : i32
      %rem3A_290 = arith.remsi %add3A_288, %rem3A_289 : i32
      %ge3A = arith.constant 4 : i32
      %ge3A_291 = arith.cmpi sge, %scan3A_285, %ge3A : i32
      %add3A_292 = arith.constant 4 : i32
      %add3A_293 = arith.addi %scan3A_285, %add3A_292 : i32
      %lt3A = arith.constant 32 : i32
      %lt3A_294 = arith.cmpi slt, %add3A_293, %lt3A : i32
      %and3A = arith.andi %ge3A_291, %lt3A_294 : i1
      %convert_element_type3A_295 = arith.extui %and3A : i1 to i32
      %cond3A_296 = arith.constant 0 : i32
      %cond3A_297 = arith.cmpi ne, %convert_element_type3A_295, %cond3A_296 : i32
      scf.if %cond3A_297 {
        %dma_wait3A_343 = arith.constant 0 : i32
        %dma_wait3A_344 = arith.constant 0 : i32
        %dma_wait3A_345 = tpu.memref_slice %arg15[%rem3A_290] : memref<8x!tpu.dma_semaphore, #tpu.memory_space<semaphore_mem>> -> memref<1x!tpu.dma_semaphore, #tpu.memory_space<semaphore_mem>>
        %dma_wait3A_346 = tpu.memref_squeeze %dma_wait3A_345 : memref<1x!tpu.dma_semaphore, #tpu.memory_space<semaphore_mem>> -> memref<!tpu.dma_semaphore, #tpu.memory_space<semaphore_mem>>
        %dma_wait3A_347 = arith.constant 0 : i32
        %dma_wait3A_348 = arith.constant 0 : i32
        %dma_wait3A_349 = tpu.memref_slice %arg11[%dma_wait3A_347, %dma_wait3A_344, %dma_wait3A_348] : memref<50x1024x128xf32, #tpu.memory_space<hbm>> -> memref<50x1x128xf32, #tpu.memory_space<hbm>>
        %dma_wait3A_350 = tpu.memref_squeeze %dma_wait3A_349 : memref<50x1x128xf32, #tpu.memory_space<hbm>> -> memref<50x128xf32, #tpu.memory_space<hbm>>
        %dma_wait3A_351 = arith.constant 0 : i32
        %dma_wait3A_352 = arith.constant 0 : i32
        %dma_wait3A_353 = tpu.memref_slice %arg2[%dma_wait3A_351, %dma_wait3A_343, %dma_wait3A_352] : memref<50x1024x128xf32, #tpu.memory_space<hbm>> -> memref<50x1x128xf32, #tpu.memory_space<hbm>>
        %dma_wait3A_354 = tpu.memref_squeeze %dma_wait3A_353 : memref<50x1x128xf32, #tpu.memory_space<hbm>> -> memref<50x128xf32, #tpu.memory_space<hbm>>
        tpu.wait_dma2 semaphore(%dma_wait3A_346 : memref<!tpu.dma_semaphore, #tpu.memory_space<semaphore_mem>>) src(%dma_wait3A_354 : memref<50x128xf32, #tpu.memory_space<hbm>>) dst(%dma_wait3A_350 : memref<50x128xf32, #tpu.memory_space<hbm>>)
      } else {
      }
      %dma_wait3A_298 = arith.constant 0 : i32
      %dma_wait3A_299 = arith.constant 0 : i32
      %dma_wait3A_300 = arith.constant 0 : i32
      %dma_wait3A_301 = arith.constant 0 : i32
      %dma_wait3A_302 = tpu.memref_slice %arg13[%dma_wait3A_300, %dma_wait3A_299, %dma_wait3A_301] : memref<50x8x128xf32, #tpu.memory_space<vmem>> -> memref<50x1x128xf32, #tpu.memory_space<vmem>>
      %dma_wait3A_303 = tpu.memref_squeeze %dma_wait3A_302 : memref<50x1x128xf32, #tpu.memory_space<vmem>> -> memref<50x128xf32, #tpu.memory_space<vmem>>
      %dma_wait3A_304 = arith.constant 0 : i32
      %dma_wait3A_305 = arith.constant 0 : i32
      %dma_wait3A_306 = tpu.memref_slice %arg2[%dma_wait3A_304, %dma_wait3A_298, %dma_wait3A_305] : memref<50x1024x128xf32, #tpu.memory_space<hbm>> -> memref<50x1x128xf32, #tpu.memory_space<hbm>>
      %dma_wait3A_307 = tpu.memref_squeeze %dma_wait3A_306 : memref<50x1x128xf32, #tpu.memory_space<hbm>> -> memref<50x128xf32, #tpu.memory_space<hbm>>
      %dma_wait3A_308 = tpu.memref_slice %arg14[%rem3A_286] : memref<8x!tpu.dma_semaphore, #tpu.memory_space<semaphore_mem>> -> memref<1x!tpu.dma_semaphore, #tpu.memory_space<semaphore_mem>>
      %dma_wait3A_309 = tpu.memref_squeeze %dma_wait3A_308 : memref<1x!tpu.dma_semaphore, #tpu.memory_space<semaphore_mem>> -> memref<!tpu.dma_semaphore, #tpu.memory_space<semaphore_mem>>
      %dma_wait3A_310 = arith.constant 0 : i32
      %dma_wait3A_311 = arith.constant 0 : i32
      %dma_wait3A_312 = tpu.memref_slice %arg13[%dma_wait3A_310, %dma_wait3A_299, %dma_wait3A_311] : memref<50x8x128xf32, #tpu.memory_space<vmem>> -> memref<50x1x128xf32, #tpu.memory_space<vmem>>
      %dma_wait3A_313 = tpu.memref_squeeze %dma_wait3A_312 : memref<50x1x128xf32, #tpu.memory_space<vmem>> -> memref<50x128xf32, #tpu.memory_space<vmem>>
      %dma_wait3A_314 = arith.constant 0 : i32
      %dma_wait3A_315 = arith.constant 0 : i32
      %dma_wait3A_316 = tpu.memref_slice %arg2[%dma_wait3A_314, %dma_wait3A_298, %dma_wait3A_315] : memref<50x1024x128xf32, #tpu.memory_space<hbm>> -> memref<50x1x128xf32, #tpu.memory_space<hbm>>
      %dma_wait3A_317 = tpu.memref_squeeze %dma_wait3A_316 : memref<50x1x128xf32, #tpu.memory_space<hbm>> -> memref<50x128xf32, #tpu.memory_space<hbm>>
      tpu.wait_dma2 semaphore(%dma_wait3A_309 : memref<!tpu.dma_semaphore, #tpu.memory_space<semaphore_mem>>) src(%dma_wait3A_317 : memref<50x128xf32, #tpu.memory_space<hbm>>) dst(%dma_wait3A_313 : memref<50x128xf32, #tpu.memory_space<vmem>>)
      %add3A_318 = arith.addi %mul3A_2, %scan3A_285 : i32
      %dma_start3A = arith.constant 0 : i32
      %dma_start3A_319 = arith.constant 0 : i32
      %dma_start3A_320 = tpu.memref_slice %arg13[%dma_start3A, %rem3A_286, %dma_start3A_319] : memref<50x8x128xf32, #tpu.memory_space<vmem>> -> memref<50x1x128xf32, #tpu.memory_space<vmem>>
      %dma_start3A_321 = tpu.memref_squeeze %dma_start3A_320 : memref<50x1x128xf32, #tpu.memory_space<vmem>> -> memref<50x128xf32, #tpu.memory_space<vmem>>
      %dma_start3A_322 = arith.constant 0 : i32
      %dma_start3A_323 = arith.constant 0 : i32
      %dma_start3A_324 = tpu.memref_slice %arg11[%dma_start3A_322, %add3A_318, %dma_start3A_323] : memref<50x1024x128xf32, #tpu.memory_space<hbm>> -> memref<50x1x128xf32, #tpu.memory_space<hbm>>
      %dma_start3A_325 = tpu.memref_squeeze %dma_start3A_324 : memref<50x1x128xf32, #tpu.memory_space<hbm>> -> memref<50x128xf32, #tpu.memory_space<hbm>>
      %dma_start3A_326 = tpu.memref_slice %arg15[%rem3A_286] : memref<8x!tpu.dma_semaphore, #tpu.memory_space<semaphore_mem>> -> memref<1x!tpu.dma_semaphore, #tpu.memory_space<semaphore_mem>>
      %dma_start3A_327 = tpu.memref_squeeze %dma_start3A_326 : memref<1x!tpu.dma_semaphore, #tpu.memory_space<semaphore_mem>> -> memref<!tpu.dma_semaphore, #tpu.memory_space<semaphore_mem>>
      %dma_start3A_328 = arith.constant 0 : i32
      %dma_start3A_329 = arith.constant 0 : i32
      %dma_start3A_330 = tpu.memref_slice %arg11[%dma_start3A_328, %add3A_318, %dma_start3A_329] : memref<50x1024x128xf32, #tpu.memory_space<hbm>> -> memref<50x1x128xf32, #tpu.memory_space<hbm>>
      %dma_start3A_331 = tpu.memref_squeeze %dma_start3A_330 : memref<50x1x128xf32, #tpu.memory_space<hbm>> -> memref<50x128xf32, #tpu.memory_space<hbm>>
      %dma_start3A_332 = arith.constant 0 : i32
      %dma_start3A_333 = arith.constant 0 : i32
      %dma_start3A_334 = tpu.memref_slice %arg13[%dma_start3A_332, %rem3A_286, %dma_start3A_333] : memref<50x8x128xf32, #tpu.memory_space<vmem>> -> memref<50x1x128xf32, #tpu.memory_space<vmem>>
      %dma_start3A_335 = tpu.memref_squeeze %dma_start3A_334 : memref<50x1x128xf32, #tpu.memory_space<vmem>> -> memref<50x128xf32, #tpu.memory_space<vmem>>
      tpu.enqueue_dma source(%dma_start3A_335 : memref<50x128xf32, #tpu.memory_space<vmem>>) target(%dma_start3A_331 : memref<50x128xf32, #tpu.memory_space<hbm>>) target_semaphore(%dma_start3A_327 : memref<!tpu.dma_semaphore, #tpu.memory_space<semaphore_mem>>)
      %add3A_336 = arith.constant 4 : i32
      %add3A_337 = arith.addi %scan3A_285, %add3A_336 : i32
      %lt3A_338 = arith.constant 32 : i32
      %lt3A_339 = arith.cmpi slt, %add3A_337, %lt3A_338 : i32
      %convert_element_type3A_340 = arith.extui %lt3A_339 : i1 to i32
      %cond3A_341 = arith.constant 0 : i32
      %cond3A_342 = arith.cmpi ne, %convert_element_type3A_340, %cond3A_341 : i32
      scf.if %cond3A_342 {
        %add3A_343 = arith.constant 4 : i32
        %add3A_344 = arith.addi %scan3A_285, %add3A_343 : i32
        %get3A_345 = arith.index_cast %add3A_344 : i32 to index
        %get3A_346 = tpu.vector_load %arg12[%get3A_345] {strides = array<i32>} : memref<64xi32, #tpu.memory_space<vmem>>, vector<16xi32>,
        %get3A_347 = vector.shape_cast %get3A_346 : vector<16xi32> to vector<16xi32>
        %slice3A_348 = vector.extract_strided_slice %get3A_347 {offsets = [0], sizes = [1], strides = [1]} : vector<16xi32> to vector<1xi32>
        %squeeze3A_349 = vector.extract %slice3A_348[0] : i32 from vector<1xi32>
        %eq3A_350 = arith.constant 0 : i32
        %eq3A_351 = arith.cmpi eq, %squeeze3A_349, %eq3A_350 : i32
        %convert_element_type3A_352 = arith.extui %eq3A_351 : i1 to i32
        %cond3A_353 = arith.constant 0 : i32
        %cond3A_354 = arith.cmpi ne, %convert_element_type3A_352, %cond3A_353 : i32
        scf.if %cond3A_354 {
          %add3A_390 = arith.addi %mul3A_2, %add3A_344 : i32
          %dma_start3A_391 = arith.constant 0 : i32
          %dma_start3A_392 = arith.constant 0 : i32
          %dma_start3A_393 = tpu.memref_slice %arg13[%dma_start3A_391, %rem3A_290, %dma_start3A_392] : memref<50x8x128xf32, #tpu.memory_space<vmem>> -> memref<50x1x128xf32, #tpu.memory_space<vmem>>
          %dma_start3A_394 = tpu.memref_squeeze %dma_start3A_393 : memref<50x1x128xf32, #tpu.memory_space<vmem>> -> memref<50x128xf32, #tpu.memory_space<vmem>>
          %dma_start3A_395 = arith.constant 0 : i32
          %dma_start3A_396 = arith.constant 0 : i32
          %dma_start3A_397 = tpu.memref_slice %arg2[%dma_start3A_395, %add3A_390, %dma_start3A_396] : memref<50x1024x128xf32, #tpu.memory_space<hbm>> -> memref<50x1x128xf32, #tpu.memory_space<hbm>>
          %dma_start3A_398 = tpu.memref_squeeze %dma_start3A_397 : memref<50x1x128xf32, #tpu.memory_space<hbm>> -> memref<50x128xf32, #tpu.memory_space<hbm>>
          %dma_start3A_399 = tpu.memref_slice %arg14[%rem3A_290] : memref<8x!tpu.dma_semaphore, #tpu.memory_space<semaphore_mem>> -> memref<1x!tpu.dma_semaphore, #tpu.memory_space<semaphore_mem>>
          %dma_start3A_400 = tpu.memref_squeeze %dma_start3A_399 : memref<1x!tpu.dma_semaphore, #tpu.memory_space<semaphore_mem>> -> memref<!tpu.dma_semaphore, #tpu.memory_space<semaphore_mem>>
          %dma_start3A_401 = arith.constant 0 : i32
          %dma_start3A_402 = arith.constant 0 : i32
          %dma_start3A_403 = tpu.memref_slice %arg13[%dma_start3A_401, %rem3A_290, %dma_start3A_402] : memref<50x8x128xf32, #tpu.memory_space<vmem>> -> memref<50x1x128xf32, #tpu.memory_space<vmem>>
          %dma_start3A_404 = tpu.memref_squeeze %dma_start3A_403 : memref<50x1x128xf32, #tpu.memory_space<vmem>> -> memref<50x128xf32, #tpu.memory_space<vmem>>
          %dma_start3A_405 = arith.constant 0 : i32
          %dma_start3A_406 = arith.constant 0 : i32
          %dma_start3A_407 = tpu.memref_slice %arg2[%dma_start3A_405, %add3A_390, %dma_start3A_406] : memref<50x1024x128xf32, #tpu.memory_space<hbm>> -> memref<50x1x128xf32, #tpu.memory_space<hbm>>
          %dma_start3A_408 = tpu.memref_squeeze %dma_start3A_407 : memref<50x1x128xf32, #tpu.memory_space<hbm>> -> memref<50x128xf32, #tpu.memory_space<hbm>>
          tpu.enqueue_dma source(%dma_start3A_408 : memref<50x128xf32, #tpu.memory_space<hbm>>) target(%dma_start3A_404 : memref<50x128xf32, #tpu.memory_space<vmem>>) target_semaphore(%dma_start3A_400 : memref<!tpu.dma_semaphore, #tpu.memory_space<semaphore_mem>>)
        } else {
        }
        %eq3A_355 = arith.constant 1 : i32
        %eq3A_356 = arith.cmpi eq, %squeeze3A_349, %eq3A_355 : i32
        %convert_element_type3A_357 = arith.extui %eq3A_356 : i1 to i32
        %cond3A_358 = arith.constant 0 : i32
        %cond3A_359 = arith.cmpi ne, %convert_element_type3A_357, %cond3A_358 : i32
        scf.if %cond3A_359 {
          %add3A_390 = arith.addi %mul3A_2, %add3A_344 : i32
          %dma_start3A_391 = arith.constant 0 : i32
          %dma_start3A_392 = arith.constant 0 : i32
          %dma_start3A_393 = tpu.memref_slice %arg13[%dma_start3A_391, %rem3A_290, %dma_start3A_392] : memref<50x8x128xf32, #tpu.memory_space<vmem>> -> memref<50x1x128xf32, #tpu.memory_space<vmem>>
          %dma_start3A_394 = tpu.memref_squeeze %dma_start3A_393 : memref<50x1x128xf32, #tpu.memory_space<vmem>> -> memref<50x128xf32, #tpu.memory_space<vmem>>
          %dma_start3A_395 = arith.constant 0 : i32
          %dma_start3A_396 = arith.constant 0 : i32
          %dma_start3A_397 = tpu.memref_slice %arg3[%dma_start3A_395, %add3A_390, %dma_start3A_396] : memref<50x1024x128xf32, #tpu.memory_space<hbm>> -> memref<50x1x128xf32, #tpu.memory_space<hbm>>
          %dma_start3A_398 = tpu.memref_squeeze %dma_start3A_397 : memref<50x1x128xf32, #tpu.memory_space<hbm>> -> memref<50x128xf32, #tpu.memory_space<hbm>>
          %dma_start3A_399 = tpu.memref_slice %arg14[%rem3A_290] : memref<8x!tpu.dma_semaphore, #tpu.memory_space<semaphore_mem>> -> memref<1x!tpu.dma_semaphore, #tpu.memory_space<semaphore_mem>>
          %dma_start3A_400 = tpu.memref_squeeze %dma_start3A_399 : memref<1x!tpu.dma_semaphore, #tpu.memory_space<semaphore_mem>> -> memref<!tpu.dma_semaphore, #tpu.memory_space<semaphore_mem>>
          %dma_start3A_401 = arith.constant 0 : i32
          %dma_start3A_402 = arith.constant 0 : i32
          %dma_start3A_403 = tpu.memref_slice %arg13[%dma_start3A_401, %rem3A_290, %dma_start3A_402] : memref<50x8x128xf32, #tpu.memory_space<vmem>> -> memref<50x1x128xf32, #tpu.memory_space<vmem>>
          %dma_start3A_404 = tpu.memref_squeeze %dma_start3A_403 : memref<50x1x128xf32, #tpu.memory_space<vmem>> -> memref<50x128xf32, #tpu.memory_space<vmem>>
          %dma_start3A_405 = arith.constant 0 : i32
          %dma_start3A_406 = arith.constant 0 : i32
          %dma_start3A_407 = tpu.memref_slice %arg3[%dma_start3A_405, %add3A_390, %dma_start3A_406] : memref<50x1024x128xf32, #tpu.memory_space<hbm>> -> memref<50x1x128xf32, #tpu.memory_space<hbm>>
          %dma_start3A_408 = tpu.memref_squeeze %dma_start3A_407 : memref<50x1x128xf32, #tpu.memory_space<hbm>> -> memref<50x128xf32, #tpu.memory_space<hbm>>
          tpu.enqueue_dma source(%dma_start3A_408 : memref<50x128xf32, #tpu.memory_space<hbm>>) target(%dma_start3A_404 : memref<50x128xf32, #tpu.memory_space<vmem>>) target_semaphore(%dma_start3A_400 : memref<!tpu.dma_semaphore, #tpu.memory_space<semaphore_mem>>)
        } else {
        }
        %eq3A_360 = arith.constant 2 : i32
        %eq3A_361 = arith.cmpi eq, %squeeze3A_349, %eq3A_360 : i32
        %convert_element_type3A_362 = arith.extui %eq3A_361 : i1 to i32
        %cond3A_363 = arith.constant 0 : i32
        %cond3A_364 = arith.cmpi ne, %convert_element_type3A_362, %cond3A_363 : i32
        scf.if %cond3A_364 {
          %add3A_390 = arith.addi %mul3A_2, %add3A_344 : i32
          %dma_start3A_391 = arith.constant 0 : i32
          %dma_start3A_392 = arith.constant 0 : i32
          %dma_start3A_393 = tpu.memref_slice %arg13[%dma_start3A_391, %rem3A_290, %dma_start3A_392] : memref<50x8x128xf32, #tpu.memory_space<vmem>> -> memref<50x1x128xf32, #tpu.memory_space<vmem>>
          %dma_start3A_394 = tpu.memref_squeeze %dma_start3A_393 : memref<50x1x128xf32, #tpu.memory_space<vmem>> -> memref<50x128xf32, #tpu.memory_space<vmem>>
          %dma_start3A_395 = arith.constant 0 : i32
          %dma_start3A_396 = arith.constant 0 : i32
          %dma_start3A_397 = tpu.memref_slice %arg4[%dma_start3A_395, %add3A_390, %dma_start3A_396] : memref<50x1024x128xf32, #tpu.memory_space<hbm>> -> memref<50x1x128xf32, #tpu.memory_space<hbm>>
          %dma_start3A_398 = tpu.memref_squeeze %dma_start3A_397 : memref<50x1x128xf32, #tpu.memory_space<hbm>> -> memref<50x128xf32, #tpu.memory_space<hbm>>
          %dma_start3A_399 = tpu.memref_slice %arg14[%rem3A_290] : memref<8x!tpu.dma_semaphore, #tpu.memory_space<semaphore_mem>> -> memref<1x!tpu.dma_semaphore, #tpu.memory_space<semaphore_mem>>
          %dma_start3A_400 = tpu.memref_squeeze %dma_start3A_399 : memref<1x!tpu.dma_semaphore, #tpu.memory_space<semaphore_mem>> -> memref<!tpu.dma_semaphore, #tpu.memory_space<semaphore_mem>>
          %dma_start3A_401 = arith.constant 0 : i32
          %dma_start3A_402 = arith.constant 0 : i32
          %dma_start3A_403 = tpu.memref_slice %arg13[%dma_start3A_401, %rem3A_290, %dma_start3A_402] : memref<50x8x128xf32, #tpu.memory_space<vmem>> -> memref<50x1x128xf32, #tpu.memory_space<vmem>>
          %dma_start3A_404 = tpu.memref_squeeze %dma_start3A_403 : memref<50x1x128xf32, #tpu.memory_space<vmem>> -> memref<50x128xf32, #tpu.memory_space<vmem>>
          %dma_start3A_405 = arith.constant 0 : i32
          %dma_start3A_406 = arith.constant 0 : i32
          %dma_start3A_407 = tpu.memref_slice %arg4[%dma_start3A_405, %add3A_390, %dma_start3A_406] : memref<50x1024x128xf32, #tpu.memory_space<hbm>> -> memref<50x1x128xf32, #tpu.memory_space<hbm>>
          %dma_start3A_408 = tpu.memref_squeeze %dma_start3A_407 : memref<50x1x128xf32, #tpu.memory_space<hbm>> -> memref<50x128xf32, #tpu.memory_space<hbm>>
          tpu.enqueue_dma source(%dma_start3A_408 : memref<50x128xf32, #tpu.memory_space<hbm>>) target(%dma_start3A_404 : memref<50x128xf32, #tpu.memory_space<vmem>>) target_semaphore(%dma_start3A_400 : memref<!tpu.dma_semaphore, #tpu.memory_space<semaphore_mem>>)
        } else {
        }
        %eq3A_365 = arith.constant 3 : i32
        %eq3A_366 = arith.cmpi eq, %squeeze3A_349, %eq3A_365 : i32
        %convert_element_type3A_367 = arith.extui %eq3A_366 : i1 to i32
        %cond3A_368 = arith.constant 0 : i32
        %cond3A_369 = arith.cmpi ne, %convert_element_type3A_367, %cond3A_368 : i32
        scf.if %cond3A_369 {
          %add3A_390 = arith.addi %mul3A_2, %add3A_344 : i32
          %dma_start3A_391 = arith.constant 0 : i32
          %dma_start3A_392 = arith.constant 0 : i32
          %dma_start3A_393 = tpu.memref_slice %arg13[%dma_start3A_391, %rem3A_290, %dma_start3A_392] : memref<50x8x128xf32, #tpu.memory_space<vmem>> -> memref<50x1x128xf32, #tpu.memory_space<vmem>>
          %dma_start3A_394 = tpu.memref_squeeze %dma_start3A_393 : memref<50x1x128xf32, #tpu.memory_space<vmem>> -> memref<50x128xf32, #tpu.memory_space<vmem>>
          %dma_start3A_395 = arith.constant 0 : i32
          %dma_start3A_396 = arith.constant 0 : i32
          %dma_start3A_397 = tpu.memref_slice %arg5[%dma_start3A_395, %add3A_390, %dma_start3A_396] : memref<50x1024x128xf32, #tpu.memory_space<hbm>> -> memref<50x1x128xf32, #tpu.memory_space<hbm>>
          %dma_start3A_398 = tpu.memref_squeeze %dma_start3A_397 : memref<50x1x128xf32, #tpu.memory_space<hbm>> -> memref<50x128xf32, #tpu.memory_space<hbm>>
          %dma_start3A_399 = tpu.memref_slice %arg14[%rem3A_290] : memref<8x!tpu.dma_semaphore, #tpu.memory_space<semaphore_mem>> -> memref<1x!tpu.dma_semaphore, #tpu.memory_space<semaphore_mem>>
          %dma_start3A_400 = tpu.memref_squeeze %dma_start3A_399 : memref<1x!tpu.dma_semaphore, #tpu.memory_space<semaphore_mem>> -> memref<!tpu.dma_semaphore, #tpu.memory_space<semaphore_mem>>
          %dma_start3A_401 = arith.constant 0 : i32
          %dma_start3A_402 = arith.constant 0 : i32
          %dma_start3A_403 = tpu.memref_slice %arg13[%dma_start3A_401, %rem3A_290, %dma_start3A_402] : memref<50x8x128xf32, #tpu.memory_space<vmem>> -> memref<50x1x128xf32, #tpu.memory_space<vmem>>
          %dma_start3A_404 = tpu.memref_squeeze %dma_start3A_403 : memref<50x1x128xf32, #tpu.memory_space<vmem>> -> memref<50x128xf32, #tpu.memory_space<vmem>>
          %dma_start3A_405 = arith.constant 0 : i32
          %dma_start3A_406 = arith.constant 0 : i32
          %dma_start3A_407 = tpu.memref_slice %arg5[%dma_start3A_405, %add3A_390, %dma_start3A_406] : memref<50x1024x128xf32, #tpu.memory_space<hbm>> -> memref<50x1x128xf32, #tpu.memory_space<hbm>>
          %dma_start3A_408 = tpu.memref_squeeze %dma_start3A_407 : memref<50x1x128xf32, #tpu.memory_space<hbm>> -> memref<50x128xf32, #tpu.memory_space<hbm>>
          tpu.enqueue_dma source(%dma_start3A_408 : memref<50x128xf32, #tpu.memory_space<hbm>>) target(%dma_start3A_404 : memref<50x128xf32, #tpu.memory_space<vmem>>) target_semaphore(%dma_start3A_400 : memref<!tpu.dma_semaphore, #tpu.memory_space<semaphore_mem>>)
        } else {
        }
        %eq3A_370 = arith.constant 4 : i32
        %eq3A_371 = arith.cmpi eq, %squeeze3A_349, %eq3A_370 : i32
        %convert_element_type3A_372 = arith.extui %eq3A_371 : i1 to i32
        %cond3A_373 = arith.constant 0 : i32
        %cond3A_374 = arith.cmpi ne, %convert_element_type3A_372, %cond3A_373 : i32
        scf.if %cond3A_374 {
          %add3A_390 = arith.addi %mul3A_2, %add3A_344 : i32
          %dma_start3A_391 = arith.constant 0 : i32
          %dma_start3A_392 = arith.constant 0 : i32
          %dma_start3A_393 = tpu.memref_slice %arg13[%dma_start3A_391, %rem3A_290, %dma_start3A_392] : memref<50x8x128xf32, #tpu.memory_space<vmem>> -> memref<50x1x128xf32, #tpu.memory_space<vmem>>
          %dma_start3A_394 = tpu.memref_squeeze %dma_start3A_393 : memref<50x1x128xf32, #tpu.memory_space<vmem>> -> memref<50x128xf32, #tpu.memory_space<vmem>>
          %dma_start3A_395 = arith.constant 0 : i32
          %dma_start3A_396 = arith.constant 0 : i32
          %dma_start3A_397 = tpu.memref_slice %arg6[%dma_start3A_395, %add3A_390, %dma_start3A_396] : memref<50x1024x128xf32, #tpu.memory_space<hbm>> -> memref<50x1x128xf32, #tpu.memory_space<hbm>>
          %dma_start3A_398 = tpu.memref_squeeze %dma_start3A_397 : memref<50x1x128xf32, #tpu.memory_space<hbm>> -> memref<50x128xf32, #tpu.memory_space<hbm>>
          %dma_start3A_399 = tpu.memref_slice %arg14[%rem3A_290] : memref<8x!tpu.dma_semaphore, #tpu.memory_space<semaphore_mem>> -> memref<1x!tpu.dma_semaphore, #tpu.memory_space<semaphore_mem>>
          %dma_start3A_400 = tpu.memref_squeeze %dma_start3A_399 : memref<1x!tpu.dma_semaphore, #tpu.memory_space<semaphore_mem>> -> memref<!tpu.dma_semaphore, #tpu.memory_space<semaphore_mem>>
          %dma_start3A_401 = arith.constant 0 : i32
          %dma_start3A_402 = arith.constant 0 : i32
          %dma_start3A_403 = tpu.memref_slice %arg13[%dma_start3A_401, %rem3A_290, %dma_start3A_402] : memref<50x8x128xf32, #tpu.memory_space<vmem>> -> memref<50x1x128xf32, #tpu.memory_space<vmem>>
          %dma_start3A_404 = tpu.memref_squeeze %dma_start3A_403 : memref<50x1x128xf32, #tpu.memory_space<vmem>> -> memref<50x128xf32, #tpu.memory_space<vmem>>
          %dma_start3A_405 = arith.constant 0 : i32
          %dma_start3A_406 = arith.constant 0 : i32
          %dma_start3A_407 = tpu.memref_slice %arg6[%dma_start3A_405, %add3A_390, %dma_start3A_406] : memref<50x1024x128xf32, #tpu.memory_space<hbm>> -> memref<50x1x128xf32, #tpu.memory_space<hbm>>
          %dma_start3A_408 = tpu.memref_squeeze %dma_start3A_407 : memref<50x1x128xf32, #tpu.memory_space<hbm>> -> memref<50x128xf32, #tpu.memory_space<hbm>>
          tpu.enqueue_dma source(%dma_start3A_408 : memref<50x128xf32, #tpu.memory_space<hbm>>) target(%dma_start3A_404 : memref<50x128xf32, #tpu.memory_space<vmem>>) target_semaphore(%dma_start3A_400 : memref<!tpu.dma_semaphore, #tpu.memory_space<semaphore_mem>>)
        } else {
        }
        %eq3A_375 = arith.constant 5 : i32
        %eq3A_376 = arith.cmpi eq, %squeeze3A_349, %eq3A_375 : i32
        %convert_element_type3A_377 = arith.extui %eq3A_376 : i1 to i32
        %cond3A_378 = arith.constant 0 : i32
        %cond3A_379 = arith.cmpi ne, %convert_element_type3A_377, %cond3A_378 : i32
        scf.if %cond3A_379 {
          %add3A_390 = arith.addi %mul3A_2, %add3A_344 : i32
          %dma_start3A_391 = arith.constant 0 : i32
          %dma_start3A_392 = arith.constant 0 : i32
          %dma_start3A_393 = tpu.memref_slice %arg13[%dma_start3A_391, %rem3A_290, %dma_start3A_392] : memref<50x8x128xf32, #tpu.memory_space<vmem>> -> memref<50x1x128xf32, #tpu.memory_space<vmem>>
          %dma_start3A_394 = tpu.memref_squeeze %dma_start3A_393 : memref<50x1x128xf32, #tpu.memory_space<vmem>> -> memref<50x128xf32, #tpu.memory_space<vmem>>
          %dma_start3A_395 = arith.constant 0 : i32
          %dma_start3A_396 = arith.constant 0 : i32
          %dma_start3A_397 = tpu.memref_slice %arg7[%dma_start3A_395, %add3A_390, %dma_start3A_396] : memref<50x1024x128xf32, #tpu.memory_space<hbm>> -> memref<50x1x128xf32, #tpu.memory_space<hbm>>
          %dma_start3A_398 = tpu.memref_squeeze %dma_start3A_397 : memref<50x1x128xf32, #tpu.memory_space<hbm>> -> memref<50x128xf32, #tpu.memory_space<hbm>>
          %dma_start3A_399 = tpu.memref_slice %arg14[%rem3A_290] : memref<8x!tpu.dma_semaphore, #tpu.memory_space<semaphore_mem>> -> memref<1x!tpu.dma_semaphore, #tpu.memory_space<semaphore_mem>>
          %dma_start3A_400 = tpu.memref_squeeze %dma_start3A_399 : memref<1x!tpu.dma_semaphore, #tpu.memory_space<semaphore_mem>> -> memref<!tpu.dma_semaphore, #tpu.memory_space<semaphore_mem>>
          %dma_start3A_401 = arith.constant 0 : i32
          %dma_start3A_402 = arith.constant 0 : i32
          %dma_start3A_403 = tpu.memref_slice %arg13[%dma_start3A_401, %rem3A_290, %dma_start3A_402] : memref<50x8x128xf32, #tpu.memory_space<vmem>> -> memref<50x1x128xf32, #tpu.memory_space<vmem>>
          %dma_start3A_404 = tpu.memref_squeeze %dma_start3A_403 : memref<50x1x128xf32, #tpu.memory_space<vmem>> -> memref<50x128xf32, #tpu.memory_space<vmem>>
          %dma_start3A_405 = arith.constant 0 : i32
          %dma_start3A_406 = arith.constant 0 : i32
          %dma_start3A_407 = tpu.memref_slice %arg7[%dma_start3A_405, %add3A_390, %dma_start3A_406] : memref<50x1024x128xf32, #tpu.memory_space<hbm>> -> memref<50x1x128xf32, #tpu.memory_space<hbm>>
          %dma_start3A_408 = tpu.memref_squeeze %dma_start3A_407 : memref<50x1x128xf32, #tpu.memory_space<hbm>> -> memref<50x128xf32, #tpu.memory_space<hbm>>
          tpu.enqueue_dma source(%dma_start3A_408 : memref<50x128xf32, #tpu.memory_space<hbm>>) target(%dma_start3A_404 : memref<50x128xf32, #tpu.memory_space<vmem>>) target_semaphore(%dma_start3A_400 : memref<!tpu.dma_semaphore, #tpu.memory_space<semaphore_mem>>)
        } else {
        }
        %eq3A_380 = arith.constant 6 : i32
        %eq3A_381 = arith.cmpi eq, %squeeze3A_349, %eq3A_380 : i32
        %convert_element_type3A_382 = arith.extui %eq3A_381 : i1 to i32
        %cond3A_383 = arith.constant 0 : i32
        %cond3A_384 = arith.cmpi ne, %convert_element_type3A_382, %cond3A_383 : i32
        scf.if %cond3A_384 {
          %add3A_390 = arith.addi %mul3A_2, %add3A_344 : i32
          %dma_start3A_391 = arith.constant 0 : i32
          %dma_start3A_392 = arith.constant 0 : i32
          %dma_start3A_393 = tpu.memref_slice %arg13[%dma_start3A_391, %rem3A_290, %dma_start3A_392] : memref<50x8x128xf32, #tpu.memory_space<vmem>> -> memref<50x1x128xf32, #tpu.memory_space<vmem>>
          %dma_start3A_394 = tpu.memref_squeeze %dma_start3A_393 : memref<50x1x128xf32, #tpu.memory_space<vmem>> -> memref<50x128xf32, #tpu.memory_space<vmem>>
          %dma_start3A_395 = arith.constant 0 : i32
          %dma_start3A_396 = arith.constant 0 : i32
          %dma_start3A_397 = tpu.memref_slice %arg8[%dma_start3A_395, %add3A_390, %dma_start3A_396] : memref<50x1024x128xf32, #tpu.memory_space<hbm>> -> memref<50x1x128xf32, #tpu.memory_space<hbm>>
          %dma_start3A_398 = tpu.memref_squeeze %dma_start3A_397 : memref<50x1x128xf32, #tpu.memory_space<hbm>> -> memref<50x128xf32, #tpu.memory_space<hbm>>
          %dma_start3A_399 = tpu.memref_slice %arg14[%rem3A_290] : memref<8x!tpu.dma_semaphore, #tpu.memory_space<semaphore_mem>> -> memref<1x!tpu.dma_semaphore, #tpu.memory_space<semaphore_mem>>
          %dma_start3A_400 = tpu.memref_squeeze %dma_start3A_399 : memref<1x!tpu.dma_semaphore, #tpu.memory_space<semaphore_mem>> -> memref<!tpu.dma_semaphore, #tpu.memory_space<semaphore_mem>>
          %dma_start3A_401 = arith.constant 0 : i32
          %dma_start3A_402 = arith.constant 0 : i32
          %dma_start3A_403 = tpu.memref_slice %arg13[%dma_start3A_401, %rem3A_290, %dma_start3A_402] : memref<50x8x128xf32, #tpu.memory_space<vmem>> -> memref<50x1x128xf32, #tpu.memory_space<vmem>>
          %dma_start3A_404 = tpu.memref_squeeze %dma_start3A_403 : memref<50x1x128xf32, #tpu.memory_space<vmem>> -> memref<50x128xf32, #tpu.memory_space<vmem>>
          %dma_start3A_405 = arith.constant 0 : i32
          %dma_start3A_406 = arith.constant 0 : i32
          %dma_start3A_407 = tpu.memref_slice %arg8[%dma_start3A_405, %add3A_390, %dma_start3A_406] : memref<50x1024x128xf32, #tpu.memory_space<hbm>> -> memref<50x1x128xf32, #tpu.memory_space<hbm>>
          %dma_start3A_408 = tpu.memref_squeeze %dma_start3A_407 : memref<50x1x128xf32, #tpu.memory_space<hbm>> -> memref<50x128xf32, #tpu.memory_space<hbm>>
          tpu.enqueue_dma source(%dma_start3A_408 : memref<50x128xf32, #tpu.memory_space<hbm>>) target(%dma_start3A_404 : memref<50x128xf32, #tpu.memory_space<vmem>>) target_semaphore(%dma_start3A_400 : memref<!tpu.dma_semaphore, #tpu.memory_space<semaphore_mem>>)
        } else {
        }
        %eq3A_385 = arith.constant 7 : i32
        %eq3A_386 = arith.cmpi eq, %squeeze3A_349, %eq3A_385 : i32
        %convert_element_type3A_387 = arith.extui %eq3A_386 : i1 to i32
        %cond3A_388 = arith.constant 0 : i32
        %cond3A_389 = arith.cmpi ne, %convert_element_type3A_387, %cond3A_388 : i32
        scf.if %cond3A_389 {
          %add3A_390 = arith.addi %mul3A_2, %add3A_344 : i32
          %dma_start3A_391 = arith.constant 0 : i32
          %dma_start3A_392 = arith.constant 0 : i32
          %dma_start3A_393 = tpu.memref_slice %arg13[%dma_start3A_391, %rem3A_290, %dma_start3A_392] : memref<50x8x128xf32, #tpu.memory_space<vmem>> -> memref<50x1x128xf32, #tpu.memory_space<vmem>>
          %dma_start3A_394 = tpu.memref_squeeze %dma_start3A_393 : memref<50x1x128xf32, #tpu.memory_space<vmem>> -> memref<50x128xf32, #tpu.memory_space<vmem>>
          %dma_start3A_395 = arith.constant 0 : i32
          %dma_start3A_396 = arith.constant 0 : i32
          %dma_start3A_397 = tpu.memref_slice %arg9[%dma_start3A_395, %add3A_390, %dma_start3A_396] : memref<50x1024x128xf32, #tpu.memory_space<hbm>> -> memref<50x1x128xf32, #tpu.memory_space<hbm>>
          %dma_start3A_398 = tpu.memref_squeeze %dma_start3A_397 : memref<50x1x128xf32, #tpu.memory_space<hbm>> -> memref<50x128xf32, #tpu.memory_space<hbm>>
          %dma_start3A_399 = tpu.memref_slice %arg14[%rem3A_290] : memref<8x!tpu.dma_semaphore, #tpu.memory_space<semaphore_mem>> -> memref<1x!tpu.dma_semaphore, #tpu.memory_space<semaphore_mem>>
          %dma_start3A_400 = tpu.memref_squeeze %dma_start3A_399 : memref<1x!tpu.dma_semaphore, #tpu.memory_space<semaphore_mem>> -> memref<!tpu.dma_semaphore, #tpu.memory_space<semaphore_mem>>
          %dma_start3A_401 = arith.constant 0 : i32
          %dma_start3A_402 = arith.constant 0 : i32
          %dma_start3A_403 = tpu.memref_slice %arg13[%dma_start3A_401, %rem3A_290, %dma_start3A_402] : memref<50x8x128xf32, #tpu.memory_space<vmem>> -> memref<50x1x128xf32, #tpu.memory_space<vmem>>
          %dma_start3A_404 = tpu.memref_squeeze %dma_start3A_403 : memref<50x1x128xf32, #tpu.memory_space<vmem>> -> memref<50x128xf32, #tpu.memory_space<vmem>>
          %dma_start3A_405 = arith.constant 0 : i32
          %dma_start3A_406 = arith.constant 0 : i32
          %dma_start3A_407 = tpu.memref_slice %arg9[%dma_start3A_405, %add3A_390, %dma_start3A_406] : memref<50x1024x128xf32, #tpu.memory_space<hbm>> -> memref<50x1x128xf32, #tpu.memory_space<hbm>>
          %dma_start3A_408 = tpu.memref_squeeze %dma_start3A_407 : memref<50x1x128xf32, #tpu.memory_space<hbm>> -> memref<50x128xf32, #tpu.memory_space<hbm>>
          tpu.enqueue_dma source(%dma_start3A_408 : memref<50x128xf32, #tpu.memory_space<hbm>>) target(%dma_start3A_404 : memref<50x128xf32, #tpu.memory_space<vmem>>) target_semaphore(%dma_start3A_400 : memref<!tpu.dma_semaphore, #tpu.memory_space<semaphore_mem>>)
        } else {
        }
      } else {
      }
    }
    %scan3A_181 = arith.constant 32 : i32
    %dma_wait3A = arith.constant 0 : i32
    %dma_wait3A_182 = arith.constant 0 : i32
    %dma_wait3A_183 = arith.constant 0 : i32
    %dma_wait3A_184 = tpu.memref_slice %arg15[%dma_wait3A_183] : memref<8x!tpu.dma_semaphore, #tpu.memory_space<semaphore_mem>> -> memref<1x!tpu.dma_semaphore, #tpu.memory_space<semaphore_mem>>
    %dma_wait3A_185 = tpu.memref_squeeze %dma_wait3A_184 : memref<1x!tpu.dma_semaphore, #tpu.memory_space<semaphore_mem>> -> memref<!tpu.dma_semaphore, #tpu.memory_space<semaphore_mem>>
    %dma_wait3A_186 = arith.constant 0 : i32
    %dma_wait3A_187 = arith.constant 0 : i32
    %dma_wait3A_188 = tpu.memref_slice %arg11[%dma_wait3A_186, %dma_wait3A_182, %dma_wait3A_187] : memref<50x1024x128xf32, #tpu.memory_space<hbm>> -> memref<50x1x128xf32, #tpu.memory_space<hbm>>
    %dma_wait3A_189 = tpu.memref_squeeze %dma_wait3A_188 : memref<50x1x128xf32, #tpu.memory_space<hbm>> -> memref<50x128xf32, #tpu.memory_space<hbm>>
    %dma_wait3A_190 = arith.constant 0 : i32
    %dma_wait3A_191 = arith.constant 0 : i32
    %dma_wait3A_192 = tpu.memref_slice %arg2[%dma_wait3A_190, %dma_wait3A, %dma_wait3A_191] : memref<50x1024x128xf32, #tpu.memory_space<hbm>> -> memref<50x1x128xf32, #tpu.memory_space<hbm>>
    %dma_wait3A_193 = tpu.memref_squeeze %dma_wait3A_192 : memref<50x1x128xf32, #tpu.memory_space<hbm>> -> memref<50x128xf32, #tpu.memory_space<hbm>>
    tpu.wait_dma2 semaphore(%dma_wait3A_185 : memref<!tpu.dma_semaphore, #tpu.memory_space<semaphore_mem>>) src(%dma_wait3A_193 : memref<50x128xf32, #tpu.memory_space<hbm>>) dst(%dma_wait3A_189 : memref<50x128xf32, #tpu.memory_space<hbm>>)
    %dma_wait3A_194 = arith.constant 0 : i32
    %dma_wait3A_195 = arith.constant 0 : i32
    %dma_wait3A_196 = arith.constant 1 : i32
    %dma_wait3A_197 = tpu.memref_slice %arg15[%dma_wait3A_196] : memref<8x!tpu.dma_semaphore, #tpu.memory_space<semaphore_mem>> -> memref<1x!tpu.dma_semaphore, #tpu.memory_space<semaphore_mem>>
    %dma_wait3A_198 = tpu.memref_squeeze %dma_wait3A_197 : memref<1x!tpu.dma_semaphore, #tpu.memory_space<semaphore_mem>> -> memref<!tpu.dma_semaphore, #tpu.memory_space<semaphore_mem>>
    %dma_wait3A_199 = arith.constant 0 : i32
    %dma_wait3A_200 = arith.constant 0 : i32
    %dma_wait3A_201 = tpu.memref_slice %arg11[%dma_wait3A_199, %dma_wait3A_195, %dma_wait3A_200] : memref<50x1024x128xf32, #tpu.memory_space<hbm>> -> memref<50x1x128xf32, #tpu.memory_space<hbm>>
    %dma_wait3A_202 = tpu.memref_squeeze %dma_wait3A_201 : memref<50x1x128xf32, #tpu.memory_space<hbm>> -> memref<50x128xf32, #tpu.memory_space<hbm>>
    %dma_wait3A_203 = arith.constant 0 : i32
    %dma_wait3A_204 = arith.constant 0 : i32
    %dma_wait3A_205 = tpu.memref_slice %arg2[%dma_wait3A_203, %dma_wait3A_194, %dma_wait3A_204] : memref<50x1024x128xf32, #tpu.memory_space<hbm>> -> memref<50x1x128xf32, #tpu.memory_space<hbm>>
    %dma_wait3A_206 = tpu.memref_squeeze %dma_wait3A_205 : memref<50x1x128xf32, #tpu.memory_space<hbm>> -> memref<50x128xf32, #tpu.memory_space<hbm>>
    tpu.wait_dma2 semaphore(%dma_wait3A_198 : memref<!tpu.dma_semaphore, #tpu.memory_space<semaphore_mem>>) src(%dma_wait3A_206 : memref<50x128xf32, #tpu.memory_space<hbm>>) dst(%dma_wait3A_202 : memref<50x128xf32, #tpu.memory_space<hbm>>)
    %dma_wait3A_207 = arith.constant 0 : i32
    %dma_wait3A_208 = arith.constant 0 : i32
    %dma_wait3A_209 = arith.constant 2 : i32
    %dma_wait3A_210 = tpu.memref_slice %arg15[%dma_wait3A_209] : memref<8x!tpu.dma_semaphore, #tpu.memory_space<semaphore_mem>> -> memref<1x!tpu.dma_semaphore, #tpu.memory_space<semaphore_mem>>
    %dma_wait3A_211 = tpu.memref_squeeze %dma_wait3A_210 : memref<1x!tpu.dma_semaphore, #tpu.memory_space<semaphore_mem>> -> memref<!tpu.dma_semaphore, #tpu.memory_space<semaphore_mem>>
    %dma_wait3A_212 = arith.constant 0 : i32
    %dma_wait3A_213 = arith.constant 0 : i32
    %dma_wait3A_214 = tpu.memref_slice %arg11[%dma_wait3A_212, %dma_wait3A_208, %dma_wait3A_213] : memref<50x1024x128xf32, #tpu.memory_space<hbm>> -> memref<50x1x128xf32, #tpu.memory_space<hbm>>
    %dma_wait3A_215 = tpu.memref_squeeze %dma_wait3A_214 : memref<50x1x128xf32, #tpu.memory_space<hbm>> -> memref<50x128xf32, #tpu.memory_space<hbm>>
    %dma_wait3A_216 = arith.constant 0 : i32
    %dma_wait3A_217 = arith.constant 0 : i32
    %dma_wait3A_218 = tpu.memref_slice %arg2[%dma_wait3A_216, %dma_wait3A_207, %dma_wait3A_217] : memref<50x1024x128xf32, #tpu.memory_space<hbm>> -> memref<50x1x128xf32, #tpu.memory_space<hbm>>
    %dma_wait3A_219 = tpu.memref_squeeze %dma_wait3A_218 : memref<50x1x128xf32, #tpu.memory_space<hbm>> -> memref<50x128xf32, #tpu.memory_space<hbm>>
    tpu.wait_dma2 semaphore(%dma_wait3A_211 : memref<!tpu.dma_semaphore, #tpu.memory_space<semaphore_mem>>) src(%dma_wait3A_219 : memref<50x128xf32, #tpu.memory_space<hbm>>) dst(%dma_wait3A_215 : memref<50x128xf32, #tpu.memory_space<hbm>>)
    %dma_wait3A_220 = arith.constant 0 : i32
    %dma_wait3A_221 = arith.constant 0 : i32
    %dma_wait3A_222 = arith.constant 3 : i32
    %dma_wait3A_223 = tpu.memref_slice %arg15[%dma_wait3A_222] : memref<8x!tpu.dma_semaphore, #tpu.memory_space<semaphore_mem>> -> memref<1x!tpu.dma_semaphore, #tpu.memory_space<semaphore_mem>>
    %dma_wait3A_224 = tpu.memref_squeeze %dma_wait3A_223 : memref<1x!tpu.dma_semaphore, #tpu.memory_space<semaphore_mem>> -> memref<!tpu.dma_semaphore, #tpu.memory_space<semaphore_mem>>
    %dma_wait3A_225 = arith.constant 0 : i32
    %dma_wait3A_226 = arith.constant 0 : i32
    %dma_wait3A_227 = tpu.memref_slice %arg11[%dma_wait3A_225, %dma_wait3A_221, %dma_wait3A_226] : memref<50x1024x128xf32, #tpu.memory_space<hbm>> -> memref<50x1x128xf32, #tpu.memory_space<hbm>>
    %dma_wait3A_228 = tpu.memref_squeeze %dma_wait3A_227 : memref<50x1x128xf32, #tpu.memory_space<hbm>> -> memref<50x128xf32, #tpu.memory_space<hbm>>
    %dma_wait3A_229 = arith.constant 0 : i32
    %dma_wait3A_230 = arith.constant 0 : i32
    %dma_wait3A_231 = tpu.memref_slice %arg2[%dma_wait3A_229, %dma_wait3A_220, %dma_wait3A_230] : memref<50x1024x128xf32, #tpu.memory_space<hbm>> -> memref<50x1x128xf32, #tpu.memory_space<hbm>>
    %dma_wait3A_232 = tpu.memref_squeeze %dma_wait3A_231 : memref<50x1x128xf32, #tpu.memory_space<hbm>> -> memref<50x128xf32, #tpu.memory_space<hbm>>
    tpu.wait_dma2 semaphore(%dma_wait3A_224 : memref<!tpu.dma_semaphore, #tpu.memory_space<semaphore_mem>>) src(%dma_wait3A_232 : memref<50x128xf32, #tpu.memory_space<hbm>>) dst(%dma_wait3A_228 : memref<50x128xf32, #tpu.memory_space<hbm>>)
    %dma_wait3A_233 = arith.constant 0 : i32
    %dma_wait3A_234 = arith.constant 0 : i32
    %dma_wait3A_235 = arith.constant 4 : i32
    %dma_wait3A_236 = tpu.memref_slice %arg15[%dma_wait3A_235] : memref<8x!tpu.dma_semaphore, #tpu.memory_space<semaphore_mem>> -> memref<1x!tpu.dma_semaphore, #tpu.memory_space<semaphore_mem>>
    %dma_wait3A_237 = tpu.memref_squeeze %dma_wait3A_236 : memref<1x!tpu.dma_semaphore, #tpu.memory_space<semaphore_mem>> -> memref<!tpu.dma_semaphore, #tpu.memory_space<semaphore_mem>>
    %dma_wait3A_238 = arith.constant 0 : i32
    %dma_wait3A_239 = arith.constant 0 : i32
    %dma_wait3A_240 = tpu.memref_slice %arg11[%dma_wait3A_238, %dma_wait3A_234, %dma_wait3A_239] : memref<50x1024x128xf32, #tpu.memory_space<hbm>> -> memref<50x1x128xf32, #tpu.memory_space<hbm>>
    %dma_wait3A_241 = tpu.memref_squeeze %dma_wait3A_240 : memref<50x1x128xf32, #tpu.memory_space<hbm>> -> memref<50x128xf32, #tpu.memory_space<hbm>>
    %dma_wait3A_242 = arith.constant 0 : i32
    %dma_wait3A_243 = arith.constant 0 : i32
    %dma_wait3A_244 = tpu.memref_slice %arg2[%dma_wait3A_242, %dma_wait3A_233, %dma_wait3A_243] : memref<50x1024x128xf32, #tpu.memory_space<hbm>> -> memref<50x1x128xf32, #tpu.memory_space<hbm>>
    %dma_wait3A_245 = tpu.memref_squeeze %dma_wait3A_244 : memref<50x1x128xf32, #tpu.memory_space<hbm>> -> memref<50x128xf32, #tpu.memory_space<hbm>>
    tpu.wait_dma2 semaphore(%dma_wait3A_237 : memref<!tpu.dma_semaphore, #tpu.memory_space<semaphore_mem>>) src(%dma_wait3A_245 : memref<50x128xf32, #tpu.memory_space<hbm>>) dst(%dma_wait3A_241 : memref<50x128xf32, #tpu.memory_space<hbm>>)
    %dma_wait3A_246 = arith.constant 0 : i32
    %dma_wait3A_247 = arith.constant 0 : i32
    %dma_wait3A_248 = arith.constant 5 : i32
    %dma_wait3A_249 = tpu.memref_slice %arg15[%dma_wait3A_248] : memref<8x!tpu.dma_semaphore, #tpu.memory_space<semaphore_mem>> -> memref<1x!tpu.dma_semaphore, #tpu.memory_space<semaphore_mem>>
    %dma_wait3A_250 = tpu.memref_squeeze %dma_wait3A_249 : memref<1x!tpu.dma_semaphore, #tpu.memory_space<semaphore_mem>> -> memref<!tpu.dma_semaphore, #tpu.memory_space<semaphore_mem>>
    %dma_wait3A_251 = arith.constant 0 : i32
    %dma_wait3A_252 = arith.constant 0 : i32
    %dma_wait3A_253 = tpu.memref_slice %arg11[%dma_wait3A_251, %dma_wait3A_247, %dma_wait3A_252] : memref<50x1024x128xf32, #tpu.memory_space<hbm>> -> memref<50x1x128xf32, #tpu.memory_space<hbm>>
    %dma_wait3A_254 = tpu.memref_squeeze %dma_wait3A_253 : memref<50x1x128xf32, #tpu.memory_space<hbm>> -> memref<50x128xf32, #tpu.memory_space<hbm>>
    %dma_wait3A_255 = arith.constant 0 : i32
    %dma_wait3A_256 = arith.constant 0 : i32
    %dma_wait3A_257 = tpu.memref_slice %arg2[%dma_wait3A_255, %dma_wait3A_246, %dma_wait3A_256] : memref<50x1024x128xf32, #tpu.memory_space<hbm>> -> memref<50x1x128xf32, #tpu.memory_space<hbm>>
    %dma_wait3A_258 = tpu.memref_squeeze %dma_wait3A_257 : memref<50x1x128xf32, #tpu.memory_space<hbm>> -> memref<50x128xf32, #tpu.memory_space<hbm>>
    tpu.wait_dma2 semaphore(%dma_wait3A_250 : memref<!tpu.dma_semaphore, #tpu.memory_space<semaphore_mem>>) src(%dma_wait3A_258 : memref<50x128xf32, #tpu.memory_space<hbm>>) dst(%dma_wait3A_254 : memref<50x128xf32, #tpu.memory_space<hbm>>)
    %dma_wait3A_259 = arith.constant 0 : i32
    %dma_wait3A_260 = arith.constant 0 : i32
    %dma_wait3A_261 = arith.constant 6 : i32
    %dma_wait3A_262 = tpu.memref_slice %arg15[%dma_wait3A_261] : memref<8x!tpu.dma_semaphore, #tpu.memory_space<semaphore_mem>> -> memref<1x!tpu.dma_semaphore, #tpu.memory_space<semaphore_mem>>
    %dma_wait3A_263 = tpu.memref_squeeze %dma_wait3A_262 : memref<1x!tpu.dma_semaphore, #tpu.memory_space<semaphore_mem>> -> memref<!tpu.dma_semaphore, #tpu.memory_space<semaphore_mem>>
    %dma_wait3A_264 = arith.constant 0 : i32
    %dma_wait3A_265 = arith.constant 0 : i32
    %dma_wait3A_266 = tpu.memref_slice %arg11[%dma_wait3A_264, %dma_wait3A_260, %dma_wait3A_265] : memref<50x1024x128xf32, #tpu.memory_space<hbm>> -> memref<50x1x128xf32, #tpu.memory_space<hbm>>
    %dma_wait3A_267 = tpu.memref_squeeze %dma_wait3A_266 : memref<50x1x128xf32, #tpu.memory_space<hbm>> -> memref<50x128xf32, #tpu.memory_space<hbm>>
    %dma_wait3A_268 = arith.constant 0 : i32
    %dma_wait3A_269 = arith.constant 0 : i32
    %dma_wait3A_270 = tpu.memref_slice %arg2[%dma_wait3A_268, %dma_wait3A_259, %dma_wait3A_269] : memref<50x1024x128xf32, #tpu.memory_space<hbm>> -> memref<50x1x128xf32, #tpu.memory_space<hbm>>
    %dma_wait3A_271 = tpu.memref_squeeze %dma_wait3A_270 : memref<50x1x128xf32, #tpu.memory_space<hbm>> -> memref<50x128xf32, #tpu.memory_space<hbm>>
    tpu.wait_dma2 semaphore(%dma_wait3A_263 : memref<!tpu.dma_semaphore, #tpu.memory_space<semaphore_mem>>) src(%dma_wait3A_271 : memref<50x128xf32, #tpu.memory_space<hbm>>) dst(%dma_wait3A_267 : memref<50x128xf32, #tpu.memory_space<hbm>>)
    %dma_wait3A_272 = arith.constant 0 : i32
    %dma_wait3A_273 = arith.constant 0 : i32
    %dma_wait3A_274 = arith.constant 7 : i32
    %dma_wait3A_275 = tpu.memref_slice %arg15[%dma_wait3A_274] : memref<8x!tpu.dma_semaphore, #tpu.memory_space<semaphore_mem>> -> memref<1x!tpu.dma_semaphore, #tpu.memory_space<semaphore_mem>>
    %dma_wait3A_276 = tpu.memref_squeeze %dma_wait3A_275 : memref<1x!tpu.dma_semaphore, #tpu.memory_space<semaphore_mem>> -> memref<!tpu.dma_semaphore, #tpu.memory_space<semaphore_mem>>
    %dma_wait3A_277 = arith.constant 0 : i32
    %dma_wait3A_278 = arith.constant 0 : i32
    %dma_wait3A_279 = tpu.memref_slice %arg11[%dma_wait3A_277, %dma_wait3A_273, %dma_wait3A_278] : memref<50x1024x128xf32, #tpu.memory_space<hbm>> -> memref<50x1x128xf32, #tpu.memory_space<hbm>>
    %dma_wait3A_280 = tpu.memref_squeeze %dma_wait3A_279 : memref<50x1x128xf32, #tpu.memory_space<hbm>> -> memref<50x128xf32, #tpu.memory_space<hbm>>
    %dma_wait3A_281 = arith.constant 0 : i32
    %dma_wait3A_282 = arith.constant 0 : i32
    %dma_wait3A_283 = tpu.memref_slice %arg2[%dma_wait3A_281, %dma_wait3A_272, %dma_wait3A_282] : memref<50x1024x128xf32, #tpu.memory_space<hbm>> -> memref<50x1x128xf32, #tpu.memory_space<hbm>>
    %dma_wait3A_284 = tpu.memref_squeeze %dma_wait3A_283 : memref<50x1x128xf32, #tpu.memory_space<hbm>> -> memref<50x128xf32, #tpu.memory_space<hbm>>
    tpu.wait_dma2 semaphore(%dma_wait3A_276 : memref<!tpu.dma_semaphore, #tpu.memory_space<semaphore_mem>>) src(%dma_wait3A_284 : memref<50x128xf32, #tpu.memory_space<hbm>>) dst(%dma_wait3A_280 : memref<50x128xf32, #tpu.memory_space<hbm>>)
    return
  }
}

</mosaic_0001>

<sc_bundles>
// kernel: _select.3.cloned.1.call-start
scs
__scs_entry_jumppad:
0x0: {  	(pc) =	sbr.rel $0x88, $3  }
0x1: {  	(tag) =	ssettag $0x0;
	lr =	simm.s32 $0x1  }
0x2: {  	[smem:$0x3F98] =	sst lr;
	_ =	strace $0xD0000000  }
0x3: {  	_ = 	snop  }
0x4: {  	_ = 	snop  }
0x5: {  	_ = 	snop  }
0x6: {  	_ = 	snop  }
0x7: {  	_ = 	snop  }
__scs_overlays_trampoline_lowered:
0x8: {  	[smem:$0x3FA7] =	sst s0  }
0x9: {  	[smem:$0x3FA8] =	sst s1  }
0xa: {  	[smem:$0x3FA9] =	sst s2  }
0xb: {  	[smem:$0x3FAA] =	sst s3  }
0xc: {  	[smem:$0x3FAB] =	sst s4  }
0xd: {  	[smem:$0x3FAC] =	sst s5  }
0xe: {  	[smem:$0x3FAD] =	sst s6  }
0xf: {  	[smem:$0x3FAE] =	sst s7  }
0x10: {  	[smem:$0x3FAF] =	sst s8  }
0x11: {  	[smem:$0x3FB0] =	sst s9;
	s0 =	simm.s32 @!p0 $0x0  }
0x12: {  	s1 =	sld [smem:$0x3F96];
	s0 =	simm.s32 @p0 $0x1  }
0x13: {  	[smem:$0x3FB1] =	sst s0;
	s0 =	simm.s32 @!p1 $0x0  }
0x14: {  	s2 =	sld [smem:$0x3F95];
	s0 =	simm.s32 @p1 $0x1  }
0x15: {  	[smem:$0x3FB2] =	sst s0;
	s0 =	simm.s32 @!p2 $0x0  }
0x16: {  	s3 =	sld [smem:$0x3FDB];
	s0 =	simm.s32 @p2 $0x1  }
0x17: {  	s4 =	simm.s32 $0x1BF5;
	[smem:$0x3FB4] =	sst s0  }
0x18: {  	s0 =	sld [smem:$0x3F97];
	_ =	swait.ge [sflag:s4], $0x0  }
0x19: {  	s7 =	sld [smem:$0x3F98]  }
0x1a: {  	s8 =	sadd.s32 $0xFFFFE003, lr  }
0x1b: {  	s9 =	sadd.s32 $0xFFFFFEF7, lr;
	s5 =	simm.s32 $0xFFFFFFFF;
	p2 =	slt.u32 s8, $0xFFFFF086  }
0x1c: {  	p1 =	slt.u32 s9, $0xF7A;
	s5 =	simm.s32 @!p2 $0x0  }
0x1d: {  	s5 =	simm.s32 @p1 $0x1;
	p0 =	seq.s32 s7, s2  }
0x1e: {  	s7 =	smul.u32 @!p0 $0xF7A, s2;
	p2 =	seq.s32 @!p0 s5, $0x0  }
0x1f: {  	s9 =	smul.u32 $0xF7A, s1;
	s8 =	simm.s32 @!p0 $0x1BF5;
	p2 =	por !p2, p0  }
0x20: {  	[sflag:s8] =	ssyncset.s32 @!p0 $0xFFFFF086;
	s6 =	sadd.s32 @!p0 s3, s7;
	s7 =	simm.s32 @!p0 $0x108  }
0x21: {  	s3 =	sadd.s32 s3, s9;
	s6 =	sadd.s32 @!p0 $0x88, s6;
	s7 =	simm.s32 @p2 $0x1082  }
0x22: {  	[simem:s7], [sflag:s8] =	dma.local @!p0 [hbm:s6], $0xF7A  }
0x23: {  	s9 =	sor.u32 $0xD0000000, s2;
	s6 =	simm.s32 $0x108;
	_ =	swait.ge @!p0 [sflag:s8], $0x0  }
0x24: {  	s3 =	sadd.s32 $0x88, s3;
	s6 =	simm.s32 @!p1 $0x1082;
	[sflag:s4] =	ssyncset.s32 $0xFFFFF086  }
0x25: {  	[simem:s6], [sflag:s4] =	dma.local [hbm:s3], $0xF7A  }
0x26: {  	[smem:$0x3F98] =	sst s1;
	(tag) =	ssettag s2;
	_ =	strace s9  }
0x27: {  	s1 =	sld [smem:$0x3FA8]  }
0x28: {  	s2 =	sld [smem:$0x3FA9]  }
0x29: {  	s4 =	sld [smem:$0x3FAB]  }
0x2a: {  	p0 =	seq.s32 s5, $0x0;
	s5 =	sld [smem:$0x3FAC]  }
0x2b: {  	s6 =	sld [smem:$0x3FAD]  }
0x2c: {  	s7 =	sld [smem:$0x3FAE]  }
0x2d: {  	s3 =	simm.s32 $0x108;
	s8 =	sld [smem:$0x3FAF]  }
0x2e: {  	s3 =	simm.s32 @!p0 $0x1082;
	s9 =	sld [smem:$0x3FB0]  }
0x2f: {  	lr =	sadd.s32 s0, s3;
	s0 =	sld [smem:$0x3FA7]  }
0x30: {  	s3 =	sld [smem:$0x3FAA]  }
0x31: {  	[smem:$0x3FB3] =	sst s10  }
0x32: {  	s10 =	sld [smem:$0x3FB1];
	_ =	sdelay $0x3  }
0x33: {  	p0 =	seq.s32 s10, $0x1;
	s10 =	sld [smem:$0x3FB3];
	_ =	sdelay $0x3  }
0x34: {  	[smem:$0x3FB3] =	sst s10  }
0x35: {  	s10 =	sld [smem:$0x3FB2];
	_ =	sdelay $0x3  }
0x36: {  	p1 =	seq.s32 s10, $0x1;
	s10 =	sld [smem:$0x3FB3];
	_ =	sdelay $0x3  }
0x37: {  	[smem:$0x3FB3] =	sst s10  }
0x38: {  	s10 =	sld [smem:$0x3FB4]  }
0x39: {  	_ = 	snop;
	(pc) =	sbr.ind lr, $3  }
0x3a: {  	_ = 	snop  }
0x3b: {  	_ = 	snop  }
0x3c: {  	p2 =	seq.s32 s10, $0x1;
	s10 =	sld [smem:$0x3FB3]  }
0x3d: {  	_ =	shalt  }
0x3e: {  	_ =	shalt  }
0x3f: {  	_ =	shalt  }
0x40: {  	_ =	shalt  }
0x41: {  	_ =	shalt  }
0x42: {  	_ =	shalt  }
0x43: {  	_ =	shalt  }
0x44: {  	_ =	shalt  }
0x45: {  	_ =	shalt  }
0x46: {  	_ =	shalt  }
0x47: {  	_ =	shalt  }
0x48: {  	_ =	shalt  }
0x49: {  	_ =	shalt  }
0x4a: {  	_ =	shalt  }
0x4b: {  	_ =	shalt  }
0x4c: {  	_ =	shalt  }
0x4d: {  	_ =	shalt  }
0x4e: {  	_ =	shalt  }
0x4f: {  	_ =	shalt  }
0x50: {  	_ =	shalt  }
0x51: {  	_ =	shalt  }
0x52: {  	_ =	shalt  }
0x53: {  	_ =	shalt  }
0x54: {  	_ =	shalt  }
0x55: {  	_ =	shalt  }
0x56: {  	_ =	shalt  }
0x57: {  	_ =	shalt  }
0x58: {  	_ =	shalt  }
0x59: {  	_ =	shalt  }
0x5a: {  	_ =	shalt  }
0x5b: {  	_ =	shalt  }
0x5c: {  	_ =	shalt  }
0x5d: {  	_ =	shalt  }
0x5e: {  	_ =	shalt  }
0x5f: {  	_ =	shalt  }
0x60: {  	_ =	shalt  }
0x61: {  	_ =	shalt  }
0x62: {  	_ =	shalt  }
0x63: {  	_ =	shalt  }
0x64: {  	_ =	shalt  }
0x65: {  	_ =	shalt  }
0x66: {  	_ =	shalt  }
0x67: {  	_ =	shalt  }
0x68: {  	_ =	shalt  }
0x69: {  	_ =	shalt  }
0x6a: {  	_ =	shalt  }
0x6b: {  	_ =	shalt  }
0x6c: {  	_ =	shalt  }
0x6d: {  	_ =	shalt  }
0x6e: {  	_ =	shalt  }
0x6f: {  	_ =	shalt  }
0x70: {  	_ =	shalt  }
0x71: {  	_ =	shalt  }
0x72: {  	_ =	shalt  }
0x73: {  	_ =	shalt  }
0x74: {  	_ =	shalt  }
0x75: {  	_ =	shalt  }
0x76: {  	_ =	shalt  }
0x77: {  	_ =	shalt  }
0x78: {  	_ =	shalt  }
0x79: {  	_ =	shalt  }
0x7a: {  	_ =	shalt  }
0x7b: {  	_ =	shalt  }
0x7c: {  	_ =	shalt  }
0x7d: {  	_ =	shalt  }
0x7e: {  	_ =	shalt  }
0x7f: {  	_ =	shalt  }
0x80: {  	_ =	shalt  }
0x81: {  	_ =	shalt  }
0x82: {  	_ =	shalt  }
0x83: {  	_ =	shalt  }
0x84: {  	_ =	shalt  }
0x85: {  	_ =	shalt  }
0x86: {  	_ =	shalt  }
0x87: {  	_ =	shalt  }
.Lfunc_end0:
.L_simem_size_0:
called_computation_lowered:
.L_overlay_start_0:
0x88: {  	s2 =	sld [smem:$0x3FD9]  }
0x89: {  	s3 =	sld [smem:$0x3FFE];
	_ =	sdelay $0x1  }
0x8a: {  	s1 =	srdreg.scid  }
0x8b: {  	s0 =	sand.u32 $0x1, s1  }
0x8c: {  	s18 =	sshll.u32 s0, $0xA;
	s2 =	sadd.s32 s3, s2  }
0x8d: {  	s2 =	sadd.s32 s2, s18  }
0x8e: {  	[smem:$0x3FBF] =	sst s2  }
0x8f: {  	_ = 	snop  }
0x90: {  	s2 =	sld [smem:$0x3FC9]  }
0x91: {  	s19 =	sld [smem:$0x3FC8]  }
0x92: {  	s4 =	sld [smem:$0x3FC7]  }
0x93: {  	s5 =	sld [smem:$0x3FC6]  }
0x94: {  	s6 =	sld [smem:$0x3FC5]  }
0x95: {  	s7 =	sld [smem:$0x3FC4]  }
0x96: {  	s8 =	sld [smem:$0x3FC3]  }
0x97: {  	s9 =	sld [smem:$0x3FC2]  }
0x98: {  	s10 =	sld [smem:$0x3FC1]  }
0x99: {  	s11 =	sld [smem:$0x3FD0];
	(tm) =	ssettm $0x1  }
0x9a: {  	s12 =	sld [smem:$0x3FFB];
	_ =	sdelay $0x3  }
0x9b: {  	_ =	strace s12  }
0x9c: {  	s12 =	sld [smem:$0x3FFC];
	_ =	sdelay $0x3  }
0x9d: {  	_ =	strace s12  }
0x9e: {  	s12 =	sld [smem:$0x3FFD];
	_ =	sdelay $0x3  }
0x9f: {  	_ =	strace s12  }
0xa0: {  	_ =	strace $0x8FFFFFFF  }
0xa1: {  	s20 =	sld [smem:$0x3FDB];
	_ =	sdelay $0x1  }
0xa2: {  	s13 =	simm.s32 $_scs_section_size  }
0xa3: {  	s14 =	simm.s32 $_size__tile_overlayer_lowered;
	s15 =	simm.s32 $_tile_overlayer_lowered  }
0xa4: {  	s23 =	simm.s32 $0x1BFF;
	s22 =	sshll.u32 s15, $0x1;
	s12 =	sadd.s32 s13, s20  }
0xa5: {  	s16 =	simm.s32 $0x0;
	s21 =	sshll.u32 s14, $0x1;
	s14 =	sadd.s32 s22, s12  }
0xa6: {  	[timem:s16], [sflag:s23] =	dma.local [hbm:s14], s21  }
0xa7: {  	_ =	swait.ge [sflag:s23], s21  }
0xa8: {  	s13 =	ssub.s32 $0x0, s21;
	[sflag:s23] =	ssyncset.done $0x0  }
0xa9: {  	[sflag:s23] =	ssyncadd.s32 s13;
	_ =	sdelay $0x1  }
0xaa: {  	s24 =	simm.s32 $0x1B8B  }
0xab: {  	_ =	swait.ge [sflag:s24], $0x1  }
0xac: {  	[sflag:s24] =	ssyncset.done $0x0  }
0xad: {  	s25 =	simm.s32 $0x1B8E;
	[sflag:s24] =	ssyncadd.s32 $0xFFFFFFFF  }
0xae: {  	s26 =	simm.s32 $execute0_lowered;
	[smem:$0x3FD2] =	sst s25  }
0xaf: {  	s13 =	sshll.u32 s26, $0x1;
	_ =	strace $0x80000046;
	[dreg:$0x1] =	wrdreg $0xFFFFFFFF  }
0xb0: {  	s28 =	simm.s32 $_size_execute0_lowered;
	s12 =	sadd.s32 s12, s13;
	[dreg:$0x0] =	wrdreg $0x0  }
0xb1: {  	s13 =	sshll.u32 s28, $0x1;
	[dreg:$0x2] =	wrdreg s12  }
0xb2: {  	[dreg:$0x3] =	wrdreg s13  }
0xb3: {  	[dreg:$0x4] =	wrdreg $0xC0  }
0xb4: {  	_ =	task [dreg:s16], $0x5FFFF  }
0xb5: {  	[dreg:$0x1] =	wrdreg $0xFFFFFFFF  }
0xb6: {  	[dreg:$0x0] =	wrdreg $0x60  }
0xb7: {  	[dreg:$0x2] =	wrdreg s2  }
0xb8: {  	[dreg:$0x3] =	wrdreg s19  }
0xb9: {  	[dreg:$0x4] =	wrdreg s4  }
0xba: {  	[dreg:$0x5] =	wrdreg s5  }
0xbb: {  	[dreg:$0x6] =	wrdreg s6  }
0xbc: {  	[dreg:$0x7] =	wrdreg s7  }
0xbd: {  	[dreg:$0x8] =	wrdreg s8  }
0xbe: {  	[dreg:$0x9] =	wrdreg s9  }
0xbf: {  	[dreg:$0xa] =	wrdreg s10  }
0xc0: {  	[dreg:$0xb] =	wrdreg s11  }
0xc1: {  	[dreg:$0xc] =	wrdreg $0x9  }
0xc2: {  	_ =	task.clear_ibuf [dreg:s16], $0xDFFFF;
	_ =	strace $0x90000046  }
0xc3: {  	s29 =	simm.s32 $0x9;
	_ =	strace $0x80000048  }
0xc4: {  	_ =	swait.ge [sflag:s29], $0x1  }
0xc5: {  	[sflag:s29] =	ssyncadd.s32 $0xFFFFFFFF  }
0xc6: {  	_ =	strace $0x90000048  }
0xc7: {  	_ =	sfence  }
0xc8: {  	s30 =	sld [smem:$0x0];
	_ =	sdelay $0x2  }
0xc9: {  	s31 =	sshll.u32 s1, $0xD;
	s1 =	sshrl.u32 s1, $0x2  }
0xca: {  	s3 =	sand.u32 $0x4000, s31;
	s1 =	sadd.s32 s1, s30  }
0xcb: {  	s0 =	sor.u32 s3, s0;
	s1 =	sshll.u32 s1, $0x11  }
0xcc: {  	s0 =	sor.u32 s1, s0  }
0xcd: {  	s0 =	sadd.s32 $0x8F2B, s0  }
0xce: {  	[sflag:s0] =	ssyncadd.remote.s32 $0x1  }
0xcf: {  	_ =	sfence.sel $0xFFFF  }
0xd0: {  	[dreg:$0x0] =	wrdreg $0xFFFFFFFF;
	(pc) =	sbr.abs _section_cstart, $3  }
0xd1: {  	[dreg:$0x1] =	wrdreg $0xFFFFFFFF  }
0xd2: {  	_ =	task.clear_ibuf [dreg:s16], $0x2FFFF;
	_ =	strace $0x9FFFFFFF  }
0xd3: {  	(tm) =	ssettm $0x7FFFFFFF  }
tec
execute0_lowered:
.L_overlay_start_1:
0x0: {  	(tag) =	ssettag $0x1  }
0x1: {  	s2 =	rddreg [dreg:$0x0]  }
0x2: {  	s3 =	rddreg [dreg:$0x1]  }
0x3: {  	s5 =	rddreg [dreg:$0x2]  }
0x4: {  	s6 =	rddreg [dreg:$0x3]  }
0x5: {  	s17 =	rddreg [dreg:$0x4]  }
0x6: {  	s18 =	rddreg [dreg:$0x5]  }
0x7: {  	s15 =	rddreg [dreg:$0x6]  }
0x8: {  	s16 =	rddreg [dreg:$0x7]  }
0x9: {  	s0 =	rddreg [dreg:$0x8];
	s1 =	srdreg.scid  }
0xa: {  	s10 =	rddreg [dreg:$0x9];
	s4 =	stileid.u32;
	s1 =	sand.u32 $0x1, s1  }
0xb: {  	s11 =	simm.s32 $0x0;
	s4 =	sshll.u32 s4, $0x6;
	s9 =	sshll.u32 s1, $0x5  }
0xc: {  	[smem:$0x7FF] =	sst s11;
	s1 =	ssub.s32 $0x2, s1;
	s12 =	sor.u32 s9, s4  }
0xd: {  	s13 =	sshrl.u32 s1, $0x1;
	s9 =	sshrl.u32 s12, $0x3;
	s14 =	sshll.u32 s12, $0x4  }
0xe: {  	s1 =	ssub.s32 s1, s13;
	s13 =	sadd.s32 s0, s9;
	s0 =	sadd.s32 s3, s14  }
0xf: {  	_ =	strace $0x80000047;
	s4 =	sadd.s32 s5, s14;
	[dreg:$0xb] =	wrdreg s0  }
0x10: {  	s9 =	sadd.s32 s6, s14;
	[dreg:$0xc] =	wrdreg s4  }
0x11: {  	s8 =	smov.u32 s17;
	s17 =	sadd.s32 s17, s14;
	[dreg:$0xd] =	wrdreg s9  }
0x12: {  	s5 =	smov.u32 s18;
	s18 =	sadd.s32 s18, s14;
	[dreg:$0xe] =	wrdreg s17  }
0x13: {  	s6 =	smov.u32 s15;
	s15 =	sadd.s32 s15, s14;
	[dreg:$0xf] =	wrdreg s18  }
0x14: {  	s7 =	smov.u32 s16;
	s16 =	sadd.s32 s16, s14;
	[dreg:$0x10] =	wrdreg s15  }
0x15: {  	s3 =	smov.u32 s2;
	s2 =	sadd.s32 s2, s14;
	[dreg:$0x11] =	wrdreg s16  }
0x16: {  	s19 =	sadd.s32 $0x10, s0;
	[dreg:$0x12] =	wrdreg s2  }
0x17: {  	s20 =	sadd.s32 $0x10, s4;
	[dreg:$0x13] =	wrdreg s19  }
0x18: {  	s21 =	sadd.s32 $0x10, s9;
	[dreg:$0x14] =	wrdreg s20  }
0x19: {  	s22 =	sadd.s32 $0x10, s17;
	[dreg:$0x15] =	wrdreg s21  }
0x1a: {  	s23 =	sadd.s32 $0x10, s18;
	[dreg:$0x16] =	wrdreg s22  }
0x1b: {  	s24 =	sadd.s32 $0x10, s15;
	[dreg:$0x17] =	wrdreg s23  }
0x1c: {  	s26 =	sadd.s32 $0x10, s16;
	[dreg:$0x18] =	wrdreg s24  }
0x1d: {  	s14 =	sadd.s32 $0x10, s2;
	[dreg:$0x19] =	wrdreg s26  }
0x1e: {  	[dreg:$0x1a] =	wrdreg s14;
	s19 =	sadd.s32 $0x20, s0  }
0x1f: {  	s20 =	sadd.s32 $0x20, s4;
	[dreg:$0x1b] =	wrdreg s19  }
0x20: {  	s21 =	sadd.s32 $0x20, s9;
	[dreg:$0x1c] =	wrdreg s20  }
0x21: {  	s22 =	sadd.s32 $0x20, s17;
	[dreg:$0x1d] =	wrdreg s21  }
0x22: {  	s23 =	sadd.s32 $0x20, s18;
	[dreg:$0x1e] =	wrdreg s22  }
0x23: {  	s24 =	sadd.s32 $0x20, s15;
	[dreg:$0x1f] =	wrdreg s23  }
0x24: {  	s26 =	sadd.s32 $0x20, s16;
	[smem:$0x7F3] =	sst s24  }
0x25: {  	s14 =	sadd.s32 $0x20, s2;
	[smem:$0x7F4] =	sst s26  }
0x26: {  	s0 =	sadd.s32 $0x30, s0;
	[smem:$0x7F5] =	sst s14  }
0x27: {  	s28 =	simm.s32 $0x11;
	[smem:$0x7F6] =	sst s0;
	s19 =	sadd.s32 $0x30, s4  }
0x28: {  	s29 =	simm.s32 $0x9;
	s20 =	sadd.s32 $0x30, s9;
	[smem:$0x7F7] =	sst s19  }
0x29: {  	s30 =	simm.s32 $0xA;
	s21 =	sadd.s32 $0x30, s17;
	[smem:$0x7F8] =	sst s20  }
0x2a: {  	s31 =	simm.s32 $0xB;
	s22 =	sadd.s32 $0x30, s18;
	[smem:$0x7F9] =	sst s21  }
.Ltmp0:
0x2b: {  	s23 =	sadd.s32 $0x30, s15;
	[smem:$0x7FA] =	sst s22;
	(pc) =	sbr.rel .LBB2_1-.Ltmp0, $4  }
0x2c: {  	s25 =	smax.u32 s1, $0x1;
	s24 =	sadd.s32 $0x30, s16;
	[smem:$0x7FB] =	sst s23  }
0x2d: {  	s26 =	sadd.s32 $0x30, s2;
	s4 =	simm.s32 $0xC;
	[smem:$0x7FC] =	sst s24  }
0x2e: {  	s9 =	simm.s32 $0xD;
	[smem:$0x7FD] =	sst s26;
	s22 =	simm.s32 $0xE  }
0x2f: {  	s23 =	simm.s32 $0xF;
	s24 =	simm.s32 $0x10;
	s26 =	simm.s32 $0x0  }
.LBB2_141:
0x30: {  	_ =	swait.ge [sflag:s29], $0x320  }
0x31: {  	[sflag:s29] =	ssyncset.done $0x0  }
0x32: {  	[sflag:s29] =	ssyncadd.s32 $0xFFFFFCE0  }
0x33: {  	_ =	swait.ge [sflag:s30], $0x320  }
0x34: {  	[sflag:s30] =	ssyncset.done $0x0  }
0x35: {  	[sflag:s30] =	ssyncadd.s32 $0xFFFFFCE0  }
0x36: {  	_ =	swait.ge [sflag:s31], $0x320  }
0x37: {  	[sflag:s31] =	ssyncset.done $0x0  }
0x38: {  	[sflag:s31] =	ssyncadd.s32 $0xFFFFFCE0  }
0x39: {  	_ =	swait.ge [sflag:s4], $0x320  }
0x3a: {  	[sflag:s4] =	ssyncset.done $0x0  }
0x3b: {  	[sflag:s4] =	ssyncadd.s32 $0xFFFFFCE0  }
0x3c: {  	_ =	swait.ge [sflag:s9], $0x320  }
0x3d: {  	[sflag:s9] =	ssyncset.done $0x0  }
0x3e: {  	[sflag:s9] =	ssyncadd.s32 $0xFFFFFCE0  }
0x3f: {  	_ =	swait.ge [sflag:s22], $0x320  }
0x40: {  	[sflag:s22] =	ssyncset.done $0x0  }
0x41: {  	s26 =	sadd.s32 $0x1, s26;
	[sflag:s22] =	ssyncadd.s32 $0xFFFFFCE0  }
0x42: {  	p0 =	sne.s32 s26, s25;
	_ =	swait.ge [sflag:s23], $0x320  }
.Ltmp1:
0x43: {  	[sflag:s23] =	ssyncset.done $0x0;
	(pc) =	sbr.rel @!p0 .LBB2_142-.Ltmp1, $4  }
0x44: {  	[sflag:s23] =	ssyncadd.s32 $0xFFFFFCE0  }
0x45: {  	_ =	swait.ge [sflag:s24], $0x320  }
0x46: {  	[sflag:s24] =	ssyncset.done $0x0  }
0x47: {  	[sflag:s24] =	ssyncadd.s32 $0xFFFFFCE0  }
.LBB2_1:
0x48: {  	[tilespmem:s11], [sflag:$0x11] =	stream.linear.gather [hbm4b:s13+s11], $0x20, $0x38;
	[tilespmem:$0xC880] =	vst v63  }
0x49: {  	_ =	swait.ge [sflag:s28], $0x20  }
0x4a: {  	[sflag:s28] =	ssyncset.done $0x0  }
0x4b: {  	[sflag:s28] =	ssyncadd.s32 $0xFFFFFFE0  }
0x4c: {  	v0 =	vld [tilespmem:$0x0];
	_ =	sdelay $0x4  }
0x4d: {  	(v2sf) =	vpush v0, $0x0;
	_ =	sdelay $0xe  }
0x4e: {  	s14 =	spop (v2sf)  }
0x4f: {  	p0 =	sgt.s32 s14, $0x3  }
.Ltmp2:
0x50: {  	_ = 	snop;
	(pc) =	sbr.rel @p0 .LBB2_11-.Ltmp2, $1  }
0x51: {  	_ =	sdelay $0x3  }
0x52: {  	p0 =	sgt.s32 s14, $0x1  }
.Ltmp3:
0x53: {  	_ = 	snop;
	(pc) =	sbr.rel @p0 .LBB2_7-.Ltmp3, $1  }
0x54: {  	_ =	sdelay $0x3  }
0x55: {  	p0 =	seq.s32 s14, $0x0  }
.Ltmp4:
0x56: {  	_ = 	snop;
	(pc) =	sbr.rel @p0 .LBB2_20-.Ltmp4, $1  }
0x57: {  	_ =	sdelay $0x3  }
0x58: {  	p0 =	seq.s32 s14, $0x1  }
.Ltmp5:
0x59: {  	_ = 	snop;
	(pc) =	sbr.rel @!p0 .LBB2_28-.Ltmp5, $1  }
0x5a: {  	_ =	sdelay $0x3  }
0x5b: {  	s0 =	simm.s32 $0x80;
	s14 =	rddreg [dreg:$0xb]  }
0x5c: {  	[tilespmem:s0], [sflag:$0x1] =	stream.linear.gather [hbm4b:s14+s11], $0x80, $0x38;
	[tilespmem:$0xC880] =	vst v63  }
0x5d: {  	s0 =	simm.s32 $0x1000  }
.LBB2_6:
0x5e: {  	p0 =	seq.s32 s0, $0x31000  }
.Ltmp6:
0x5f: {  	_ = 	snop;
	(pc) =	sbr.rel @!p0 .LBB2_6-.Ltmp6, $4  }
0x60: {  	_ = 	snop  }
0x61: {  	s1 =	sshra.s32 s0, $0x2;
	s0 =	sadd.s32 $0x1000, s0  }
0x62: {  	s14 =	sadd.s32 $0x4000, s14;
	s1 =	sadd.s32 $0x80, s1  }
0x63: {  	[tilespmem:s1], [sflag:$0x1] =	stream.linear.gather [hbm4b:s14+s11], $0x80, $0x38;
	[tilespmem:$0xC880] =	vst v63  }
.Ltmp7:
0x64: {  	_ = 	snop;
	(pc) =	sbr.rel .LBB2_28-.Ltmp7, $1  }
0x65: {  	_ =	sdelay $0x3  }
.LBB2_11:
0x66: {  	p0 =	sgt.s32 s14, $0x5  }
.Ltmp8:
0x67: {  	_ = 	snop;
	(pc) =	sbr.rel @p0 .LBB2_16-.Ltmp8, $1  }
0x68: {  	_ =	sdelay $0x3  }
0x69: {  	p0 =	seq.s32 s14, $0x4  }
.Ltmp9:
0x6a: {  	_ = 	snop;
	(pc) =	sbr.rel @p0 .LBB2_24-.Ltmp9, $1  }
0x6b: {  	_ =	sdelay $0x3  }
0x6c: {  	p0 =	seq.s32 s14, $0x5  }
.Ltmp10:
0x6d: {  	_ = 	snop;
	(pc) =	sbr.rel @!p0 .LBB2_28-.Ltmp10, $1  }
0x6e: {  	_ =	sdelay $0x3  }
0x6f: {  	s0 =	simm.s32 $0x80;
	s14 =	rddreg [dreg:$0xf]  }
0x70: {  	[tilespmem:s0], [sflag:$0x1] =	stream.linear.gather [hbm4b:s14+s11], $0x80, $0x38;
	[tilespmem:$0xC880] =	vst v63  }
0x71: {  	s0 =	simm.s32 $0x1000  }
.LBB2_15:
0x72: {  	p0 =	seq.s32 s0, $0x31000  }
.Ltmp11:
0x73: {  	_ = 	snop;
	(pc) =	sbr.rel @!p0 .LBB2_15-.Ltmp11, $4  }
0x74: {  	_ = 	snop  }
0x75: {  	s1 =	sshra.s32 s0, $0x2;
	s0 =	sadd.s32 $0x1000, s0  }
0x76: {  	s14 =	sadd.s32 $0x4000, s14;
	s1 =	sadd.s32 $0x80, s1  }
0x77: {  	[tilespmem:s1], [sflag:$0x1] =	stream.linear.gather [hbm4b:s14+s11], $0x80, $0x38;
	[tilespmem:$0xC880] =	vst v63  }
.Ltmp12:
0x78: {  	_ = 	snop;
	(pc) =	sbr.rel .LBB2_28-.Ltmp12, $1  }
0x79: {  	_ =	sdelay $0x3  }
.LBB2_7:
0x7a: {  	p0 =	seq.s32 s14, $0x2  }
.Ltmp13:
0x7b: {  	_ = 	snop;
	(pc) =	sbr.rel @p0 .LBB2_22-.Ltmp13, $1  }
0x7c: {  	_ =	sdelay $0x3  }
0x7d: {  	p0 =	seq.s32 s14, $0x3  }
.Ltmp14:
0x7e: {  	_ = 	snop;
	(pc) =	sbr.rel @!p0 .LBB2_28-.Ltmp14, $1  }
0x7f: {  	_ =	sdelay $0x3  }
0x80: {  	s0 =	simm.s32 $0x80;
	s14 =	rddreg [dreg:$0xd]  }
0x81: {  	[tilespmem:s0], [sflag:$0x1] =	stream.linear.gather [hbm4b:s14+s11], $0x80, $0x38;
	[tilespmem:$0xC880] =	vst v63  }
0x82: {  	s0 =	simm.s32 $0x1000  }
.LBB2_10:
0x83: {  	p0 =	seq.s32 s0, $0x31000  }
.Ltmp15:
0x84: {  	_ = 	snop;
	(pc) =	sbr.rel @!p0 .LBB2_10-.Ltmp15, $4  }
0x85: {  	_ = 	snop  }
0x86: {  	s1 =	sshra.s32 s0, $0x2;
	s0 =	sadd.s32 $0x1000, s0  }
0x87: {  	s14 =	sadd.s32 $0x4000, s14;
	s1 =	sadd.s32 $0x80, s1  }
0x88: {  	[tilespmem:s1], [sflag:$0x1] =	stream.linear.gather [hbm4b:s14+s11], $0x80, $0x38;
	[tilespmem:$0xC880] =	vst v63  }
.Ltmp16:
0x89: {  	_ = 	snop;
	(pc) =	sbr.rel .LBB2_28-.Ltmp16, $1  }
0x8a: {  	_ =	sdelay $0x3  }
.LBB2_16:
0x8b: {  	p0 =	seq.s32 s14, $0x6  }
.Ltmp17:
0x8c: {  	_ = 	snop;
	(pc) =	sbr.rel @p0 .LBB2_26-.Ltmp17, $1  }
0x8d: {  	_ =	sdelay $0x3  }
0x8e: {  	p0 =	seq.s32 s14, $0x7  }
.Ltmp18:
0x8f: {  	_ = 	snop;
	(pc) =	sbr.rel @!p0 .LBB2_28-.Ltmp18, $1  }
0x90: {  	_ =	sdelay $0x3  }
0x91: {  	s0 =	simm.s32 $0x80;
	s14 =	rddreg [dreg:$0x11]  }
0x92: {  	[tilespmem:s0], [sflag:$0x1] =	stream.linear.gather [hbm4b:s14+s11], $0x80, $0x38;
	[tilespmem:$0xC880] =	vst v63  }
0x93: {  	s0 =	simm.s32 $0x1000  }
.LBB2_19:
0x94: {  	p0 =	sne.s32 s0, $0x31000  }
.Ltmp19:
0x95: {  	_ = 	snop;
	(pc) =	sbr.rel @p0 .LBB2_19-.Ltmp19, $4  }
0x96: {  	_ = 	snop  }
0x97: {  	s1 =	sshra.s32 s0, $0x2;
	s0 =	sadd.s32 $0x1000, s0  }
0x98: {  	s14 =	sadd.s32 $0x4000, s14;
	s1 =	sadd.s32 $0x80, s1  }
0x99: {  	[tilespmem:s1], [sflag:$0x1] =	stream.linear.gather [hbm4b:s14+s11], $0x80, $0x38;
	[tilespmem:$0xC880] =	vst v63  }
.Ltmp20:
0x9a: {  	_ = 	snop;
	(pc) =	sbr.rel .LBB2_28-.Ltmp20, $1  }
0x9b: {  	_ =	sdelay $0x3  }
.LBB2_20:
0x9c: {  	s0 =	simm.s32 $0x80;
	s14 =	rddreg [dreg:$0x12]  }
0x9d: {  	[tilespmem:s0], [sflag:$0x1] =	stream.linear.gather [hbm4b:s14+s11], $0x80, $0x38;
	[tilespmem:$0xC880] =	vst v63  }
0x9e: {  	s0 =	simm.s32 $0x1000  }
.LBB2_21:
0x9f: {  	p0 =	seq.s32 s0, $0x31000  }
.Ltmp21:
0xa0: {  	_ = 	snop;
	(pc) =	sbr.rel @!p0 .LBB2_21-.Ltmp21, $4  }
0xa1: {  	_ = 	snop  }
0xa2: {  	s1 =	sshra.s32 s0, $0x2;
	s0 =	sadd.s32 $0x1000, s0  }
0xa3: {  	s14 =	sadd.s32 $0x4000, s14;
	s1 =	sadd.s32 $0x80, s1  }
0xa4: {  	[tilespmem:s1], [sflag:$0x1] =	stream.linear.gather [hbm4b:s14+s11], $0x80, $0x38;
	[tilespmem:$0xC880] =	vst v63  }
.Ltmp22:
0xa5: {  	_ = 	snop;
	(pc) =	sbr.rel .LBB2_28-.Ltmp22, $1  }
0xa6: {  	_ =	sdelay $0x3  }
.LBB2_24:
0xa7: {  	s0 =	simm.s32 $0x80;
	s14 =	rddreg [dreg:$0xe]  }
0xa8: {  	[tilespmem:s0], [sflag:$0x1] =	stream.linear.gather [hbm4b:s14+s11], $0x80, $0x38;
	[tilespmem:$0xC880] =	vst v63  }
0xa9: {  	s0 =	simm.s32 $0x1000  }
.LBB2_25:
0xaa: {  	p0 =	seq.s32 s0, $0x31000  }
.Ltmp23:
0xab: {  	_ = 	snop;
	(pc) =	sbr.rel @!p0 .LBB2_25-.Ltmp23, $4  }
0xac: {  	_ = 	snop  }
0xad: {  	s1 =	sshra.s32 s0, $0x2;
	s0 =	sadd.s32 $0x1000, s0  }
0xae: {  	s14 =	sadd.s32 $0x4000, s14;
	s1 =	sadd.s32 $0x80, s1  }
0xaf: {  	[tilespmem:s1], [sflag:$0x1] =	stream.linear.gather [hbm4b:s14+s11], $0x80, $0x38;
	[tilespmem:$0xC880] =	vst v63  }
.Ltmp24:
0xb0: {  	_ = 	snop;
	(pc) =	sbr.rel .LBB2_28-.Ltmp24, $1  }
0xb1: {  	_ =	sdelay $0x3  }
.LBB2_22:
0xb2: {  	s0 =	simm.s32 $0x80;
	s14 =	rddreg [dreg:$0xc]  }
0xb3: {  	[tilespmem:s0], [sflag:$0x1] =	stream.linear.gather [hbm4b:s14+s11], $0x80, $0x38;
	[tilespmem:$0xC880] =	vst v63  }
0xb4: {  	s0 =	simm.s32 $0x1000  }
.LBB2_23:
0xb5: {  	p0 =	seq.s32 s0, $0x31000  }
.Ltmp25:
0xb6: {  	_ = 	snop;
	(pc) =	sbr.rel @!p0 .LBB2_23-.Ltmp25, $4  }
0xb7: {  	_ = 	snop  }
0xb8: {  	s1 =	sshra.s32 s0, $0x2;
	s0 =	sadd.s32 $0x1000, s0  }
0xb9: {  	s14 =	sadd.s32 $0x4000, s14;
	s1 =	sadd.s32 $0x80, s1  }
0xba: {  	[tilespmem:s1], [sflag:$0x1] =	stream.linear.gather [hbm4b:s14+s11], $0x80, $0x38;
	[tilespmem:$0xC880] =	vst v63  }
.Ltmp26:
0xbb: {  	_ = 	snop;
	(pc) =	sbr.rel .LBB2_28-.Ltmp26, $1  }
0xbc: {  	_ =	sdelay $0x3  }
.LBB2_26:
0xbd: {  	s0 =	simm.s32 $0x80;
	s14 =	rddreg [dreg:$0x10]  }
0xbe: {  	[tilespmem:s0], [sflag:$0x1] =	stream.linear.gather [hbm4b:s14+s11], $0x80, $0x38;
	[tilespmem:$0xC880] =	vst v63  }
0xbf: {  	s0 =	simm.s32 $0x1000  }
.LBB2_27:
0xc0: {  	p0 =	seq.s32 s0, $0x31000  }
.Ltmp27:
0xc1: {  	_ = 	snop;
	(pc) =	sbr.rel @!p0 .LBB2_27-.Ltmp27, $4  }
0xc2: {  	_ = 	snop  }
0xc3: {  	s1 =	sshra.s32 s0, $0x2;
	s0 =	sadd.s32 $0x1000, s0  }
0xc4: {  	s14 =	sadd.s32 $0x4000, s14;
	s1 =	sadd.s32 $0x80, s1  }
0xc5: {  	[tilespmem:s1], [sflag:$0x1] =	stream.linear.gather [hbm4b:s14+s11], $0x80, $0x38;
	[tilespmem:$0xC880] =	vst v63  }
.LBB2_28:
0xc6: {  	v0 =	vld [tilespmem:$0x1];
	_ =	sdelay $0x4  }
0xc7: {  	(v2sf) =	vpush v0, $0x0;
	_ =	sdelay $0xe  }
0xc8: {  	s14 =	spop (v2sf)  }
0xc9: {  	p0 =	sgt.s32 s14, $0x3  }
.Ltmp28:
0xca: {  	_ = 	snop;
	(pc) =	sbr.rel @p0 .LBB2_38-.Ltmp28, $1  }
0xcb: {  	_ =	sdelay $0x3  }
0xcc: {  	p0 =	sgt.s32 s14, $0x1  }
.Ltmp29:
0xcd: {  	_ = 	snop;
	(pc) =	sbr.rel @p0 .LBB2_34-.Ltmp29, $1  }
0xce: {  	_ =	sdelay $0x3  }
0xcf: {  	p0 =	seq.s32 s14, $0x0  }
.Ltmp30:
0xd0: {  	_ = 	snop;
	(pc) =	sbr.rel @p0 .LBB2_47-.Ltmp30, $1  }
0xd1: {  	_ =	sdelay $0x3  }
0xd2: {  	p0 =	seq.s32 s14, $0x1  }
.Ltmp31:
0xd3: {  	_ = 	snop;
	(pc) =	sbr.rel @!p0 .LBB2_55-.Ltmp31, $1  }
0xd4: {  	_ =	sdelay $0x3  }
0xd5: {  	s0 =	simm.s32 $0x100;
	s14 =	rddreg [dreg:$0x13]  }
0xd6: {  	[tilespmem:s0], [sflag:$0x2] =	stream.linear.gather [hbm4b:s14+s11], $0x80, $0x38;
	[tilespmem:$0xC880] =	vst v63  }
0xd7: {  	s0 =	simm.s32 $0x1200  }
.LBB2_33:
0xd8: {  	p0 =	seq.s32 s0, $0x31200  }
.Ltmp32:
0xd9: {  	_ = 	snop;
	(pc) =	sbr.rel @!p0 .LBB2_33-.Ltmp32, $4  }
0xda: {  	_ = 	snop  }
0xdb: {  	s1 =	sshra.s32 s0, $0x2;
	s0 =	sadd.s32 $0x1000, s0  }
0xdc: {  	s14 =	sadd.s32 $0x4000, s14;
	s1 =	sadd.s32 $0x80, s1  }
0xdd: {  	[tilespmem:s1], [sflag:$0x2] =	stream.linear.gather [hbm4b:s14+s11], $0x80, $0x38;
	[tilespmem:$0xC880] =	vst v63  }
.Ltmp33:
0xde: {  	_ = 	snop;
	(pc) =	sbr.rel .LBB2_55-.Ltmp33, $1  }
0xdf: {  	_ =	sdelay $0x3  }
.LBB2_38:
0xe0: {  	p0 =	sgt.s32 s14, $0x5  }
.Ltmp34:
0xe1: {  	_ = 	snop;
	(pc) =	sbr.rel @p0 .LBB2_43-.Ltmp34, $1  }
0xe2: {  	_ =	sdelay $0x3  }
0xe3: {  	p0 =	seq.s32 s14, $0x4  }
.Ltmp35:
0xe4: {  	_ = 	snop;
	(pc) =	sbr.rel @p0 .LBB2_51-.Ltmp35, $1  }
0xe5: {  	_ =	sdelay $0x3  }
0xe6: {  	p0 =	seq.s32 s14, $0x5  }
.Ltmp36:
0xe7: {  	_ = 	snop;
	(pc) =	sbr.rel @!p0 .LBB2_55-.Ltmp36, $1  }
0xe8: {  	_ =	sdelay $0x3  }
0xe9: {  	s0 =	simm.s32 $0x100;
	s14 =	rddreg [dreg:$0x17]  }
0xea: {  	[tilespmem:s0], [sflag:$0x2] =	stream.linear.gather [hbm4b:s14+s11], $0x80, $0x38;
	[tilespmem:$0xC880] =	vst v63  }
0xeb: {  	s0 =	simm.s32 $0x1200  }
.LBB2_42:
0xec: {  	p0 =	seq.s32 s0, $0x31200  }
.Ltmp37:
0xed: {  	_ = 	snop;
	(pc) =	sbr.rel @!p0 .LBB2_42-.Ltmp37, $4  }
0xee: {  	_ = 	snop  }
0xef: {  	s1 =	sshra.s32 s0, $0x2;
	s0 =	sadd.s32 $0x1000, s0  }
0xf0: {  	s14 =	sadd.s32 $0x4000, s14;
	s1 =	sadd.s32 $0x80, s1  }
0xf1: {  	[tilespmem:s1], [sflag:$0x2] =	stream.linear.gather [hbm4b:s14+s11], $0x80, $0x38;
	[tilespmem:$0xC880] =	vst v63  }
.Ltmp38:
0xf2: {  	_ = 	snop;
	(pc) =	sbr.rel .LBB2_55-.Ltmp38, $1  }
0xf3: {  	_ =	sdelay $0x3  }
.LBB2_34:
0xf4: {  	p0 =	seq.s32 s14, $0x2  }
.Ltmp39:
0xf5: {  	_ = 	snop;
	(pc) =	sbr.rel @p0 .LBB2_49-.Ltmp39, $1  }
0xf6: {  	_ =	sdelay $0x3  }
0xf7: {  	p0 =	seq.s32 s14, $0x3  }
.Ltmp40:
0xf8: {  	_ = 	snop;
	(pc) =	sbr.rel @!p0 .LBB2_55-.Ltmp40, $1  }
0xf9: {  	_ =	sdelay $0x3  }
0xfa: {  	s0 =	simm.s32 $0x100;
	s14 =	rddreg [dreg:$0x15]  }
0xfb: {  	[tilespmem:s0], [sflag:$0x2] =	stream.linear.gather [hbm4b:s14+s11], $0x80, $0x38;
	[tilespmem:$0xC880] =	vst v63  }
0xfc: {  	s0 =	simm.s32 $0x1200  }
.LBB2_37:
0xfd: {  	p0 =	seq.s32 s0, $0x31200  }
.Ltmp41:
0xfe: {  	_ = 	snop;
	(pc) =	sbr.rel @!p0 .LBB2_37-.Ltmp41, $4  }
0xff: {  	_ = 	snop  }
0x100: {  	s1 =	sshra.s32 s0, $0x2;
	s0 =	sadd.s32 $0x1000, s0  }
0x101: {  	s14 =	sadd.s32 $0x4000, s14;
	s1 =	sadd.s32 $0x80, s1  }
0x102: {  	[tilespmem:s1], [sflag:$0x2] =	stream.linear.gather [hbm4b:s14+s11], $0x80, $0x38;
	[tilespmem:$0xC880] =	vst v63  }
.Ltmp42:
0x103: {  	_ = 	snop;
	(pc) =	sbr.rel .LBB2_55-.Ltmp42, $1  }
0x104: {  	_ =	sdelay $0x3  }
.LBB2_43:
0x105: {  	p0 =	seq.s32 s14, $0x6  }
.Ltmp43:
0x106: {  	_ = 	snop;
	(pc) =	sbr.rel @p0 .LBB2_53-.Ltmp43, $1  }
0x107: {  	_ =	sdelay $0x3  }
0x108: {  	p0 =	seq.s32 s14, $0x7  }
.Ltmp44:
0x109: {  	_ = 	snop;
	(pc) =	sbr.rel @!p0 .LBB2_55-.Ltmp44, $1  }
0x10a: {  	_ =	sdelay $0x3  }
0x10b: {  	s0 =	simm.s32 $0x100;
	s14 =	rddreg [dreg:$0x19]  }
0x10c: {  	[tilespmem:s0], [sflag:$0x2] =	stream.linear.gather [hbm4b:s14+s11], $0x80, $0x38;
	[tilespmem:$0xC880] =	vst v63  }
0x10d: {  	s0 =	simm.s32 $0x1200  }
.LBB2_46:
0x10e: {  	p0 =	sne.s32 s0, $0x31200  }
.Ltmp45:
0x10f: {  	_ = 	snop;
	(pc) =	sbr.rel @p0 .LBB2_46-.Ltmp45, $4  }
0x110: {  	_ = 	snop  }
0x111: {  	s1 =	sshra.s32 s0, $0x2;
	s0 =	sadd.s32 $0x1000, s0  }
0x112: {  	s14 =	sadd.s32 $0x4000, s14;
	s1 =	sadd.s32 $0x80, s1  }
0x113: {  	[tilespmem:s1], [sflag:$0x2] =	stream.linear.gather [hbm4b:s14+s11], $0x80, $0x38;
	[tilespmem:$0xC880] =	vst v63  }
.Ltmp46:
0x114: {  	_ = 	snop;
	(pc) =	sbr.rel .LBB2_55-.Ltmp46, $1  }
0x115: {  	_ =	sdelay $0x3  }
.LBB2_47:
0x116: {  	s0 =	simm.s32 $0x100;
	s14 =	rddreg [dreg:$0x1a]  }
0x117: {  	[tilespmem:s0], [sflag:$0x2] =	stream.linear.gather [hbm4b:s14+s11], $0x80, $0x38;
	[tilespmem:$0xC880] =	vst v63  }
0x118: {  	s0 =	simm.s32 $0x1200  }
.LBB2_48:
0x119: {  	p0 =	seq.s32 s0, $0x31200  }
.Ltmp47:
0x11a: {  	_ = 	snop;
	(pc) =	sbr.rel @!p0 .LBB2_48-.Ltmp47, $4  }
0x11b: {  	_ = 	snop  }
0x11c: {  	s1 =	sshra.s32 s0, $0x2;
	s0 =	sadd.s32 $0x1000, s0  }
0x11d: {  	s14 =	sadd.s32 $0x4000, s14;
	s1 =	sadd.s32 $0x80, s1  }
0x11e: {  	[tilespmem:s1], [sflag:$0x2] =	stream.linear.gather [hbm4b:s14+s11], $0x80, $0x38;
	[tilespmem:$0xC880] =	vst v63  }
.Ltmp48:
0x11f: {  	_ = 	snop;
	(pc) =	sbr.rel .LBB2_55-.Ltmp48, $1  }
0x120: {  	_ =	sdelay $0x3  }
.LBB2_51:
0x121: {  	s0 =	simm.s32 $0x100;
	s14 =	rddreg [dreg:$0x16]  }
0x122: {  	[tilespmem:s0], [sflag:$0x2] =	stream.linear.gather [hbm4b:s14+s11], $0x80, $0x38;
	[tilespmem:$0xC880] =	vst v63  }
0x123: {  	s0 =	simm.s32 $0x1200  }
.LBB2_52:
0x124: {  	p0 =	seq.s32 s0, $0x31200  }
.Ltmp49:
0x125: {  	_ = 	snop;
	(pc) =	sbr.rel @!p0 .LBB2_52-.Ltmp49, $4  }
0x126: {  	_ = 	snop  }
0x127: {  	s1 =	sshra.s32 s0, $0x2;
	s0 =	sadd.s32 $0x1000, s0  }
0x128: {  	s14 =	sadd.s32 $0x4000, s14;
	s1 =	sadd.s32 $0x80, s1  }
0x129: {  	[tilespmem:s1], [sflag:$0x2] =	stream.linear.gather [hbm4b:s14+s11], $0x80, $0x38;
	[tilespmem:$0xC880] =	vst v63  }
.Ltmp50:
0x12a: {  	_ = 	snop;
	(pc) =	sbr.rel .LBB2_55-.Ltmp50, $1  }
0x12b: {  	_ =	sdelay $0x3  }
.LBB2_49:
0x12c: {  	s0 =	simm.s32 $0x100;
	s14 =	rddreg [dreg:$0x14]  }
0x12d: {  	[tilespmem:s0], [sflag:$0x2] =	stream.linear.gather [hbm4b:s14+s11], $0x80, $0x38;
	[tilespmem:$0xC880] =	vst v63  }
0x12e: {  	s0 =	simm.s32 $0x1200  }
.LBB2_50:
0x12f: {  	p0 =	seq.s32 s0, $0x31200  }
.Ltmp51:
0x130: {  	_ = 	snop;
	(pc) =	sbr.rel @!p0 .LBB2_50-.Ltmp51, $4  }
0x131: {  	_ = 	snop  }
0x132: {  	s1 =	sshra.s32 s0, $0x2;
	s0 =	sadd.s32 $0x1000, s0  }
0x133: {  	s14 =	sadd.s32 $0x4000, s14;
	s1 =	sadd.s32 $0x80, s1  }
0x134: {  	[tilespmem:s1], [sflag:$0x2] =	stream.linear.gather [hbm4b:s14+s11], $0x80, $0x38;
	[tilespmem:$0xC880] =	vst v63  }
.Ltmp52:
0x135: {  	_ = 	snop;
	(pc) =	sbr.rel .LBB2_55-.Ltmp52, $1  }
0x136: {  	_ =	sdelay $0x3  }
.LBB2_53:
0x137: {  	s0 =	simm.s32 $0x100;
	s14 =	rddreg [dreg:$0x18]  }
0x138: {  	[tilespmem:s0], [sflag:$0x2] =	stream.linear.gather [hbm4b:s14+s11], $0x80, $0x38;
	[tilespmem:$0xC880] =	vst v63  }
0x139: {  	s0 =	simm.s32 $0x1200  }
.LBB2_54:
0x13a: {  	p0 =	seq.s32 s0, $0x31200  }
.Ltmp53:
0x13b: {  	_ = 	snop;
	(pc) =	sbr.rel @!p0 .LBB2_54-.Ltmp53, $4  }
0x13c: {  	_ = 	snop  }
0x13d: {  	s1 =	sshra.s32 s0, $0x2;
	s0 =	sadd.s32 $0x1000, s0  }
0x13e: {  	s14 =	sadd.s32 $0x4000, s14;
	s1 =	sadd.s32 $0x80, s1  }
0x13f: {  	[tilespmem:s1], [sflag:$0x2] =	stream.linear.gather [hbm4b:s14+s11], $0x80, $0x38;
	[tilespmem:$0xC880] =	vst v63  }
.LBB2_55:
0x140: {  	v0 =	vld [tilespmem:$0x2];
	_ =	sdelay $0x4  }
0x141: {  	(v2sf) =	vpush v0, $0x0;
	_ =	sdelay $0xe  }
0x142: {  	s14 =	spop (v2sf)  }
0x143: {  	p0 =	sgt.s32 s14, $0x3  }
.Ltmp54:
0x144: {  	_ = 	snop;
	(pc) =	sbr.rel @p0 .LBB2_65-.Ltmp54, $1  }
0x145: {  	_ =	sdelay $0x3  }
0x146: {  	p0 =	sgt.s32 s14, $0x1  }
.Ltmp55:
0x147: {  	_ = 	snop;
	(pc) =	sbr.rel @p0 .LBB2_61-.Ltmp55, $1  }
0x148: {  	_ =	sdelay $0x3  }
0x149: {  	p0 =	seq.s32 s14, $0x0  }
.Ltmp56:
0x14a: {  	_ = 	snop;
	(pc) =	sbr.rel @p0 .LBB2_74-.Ltmp56, $1  }
0x14b: {  	_ =	sdelay $0x3  }
0x14c: {  	p0 =	seq.s32 s14, $0x1  }
.Ltmp57:
0x14d: {  	_ = 	snop;
	(pc) =	sbr.rel @!p0 .LBB2_82-.Ltmp57, $1  }
0x14e: {  	_ =	sdelay $0x3  }
0x14f: {  	s0 =	simm.s32 $0x180;
	s14 =	rddreg [dreg:$0x1b]  }
0x150: {  	[tilespmem:s0], [sflag:$0x3] =	stream.linear.gather [hbm4b:s14+s11], $0x80, $0x38;
	[tilespmem:$0xC880] =	vst v63  }
0x151: {  	s0 =	simm.s32 $0x1400  }
.LBB2_60:
0x152: {  	p0 =	seq.s32 s0, $0x31400  }
.Ltmp58:
0x153: {  	_ = 	snop;
	(pc) =	sbr.rel @!p0 .LBB2_60-.Ltmp58, $4  }
0x154: {  	_ = 	snop  }
0x155: {  	s1 =	sshra.s32 s0, $0x2;
	s0 =	sadd.s32 $0x1000, s0  }
0x156: {  	s14 =	sadd.s32 $0x4000, s14;
	s1 =	sadd.s32 $0x80, s1  }
0x157: {  	[tilespmem:s1], [sflag:$0x3] =	stream.linear.gather [hbm4b:s14+s11], $0x80, $0x38;
	[tilespmem:$0xC880] =	vst v63  }
.Ltmp59:
0x158: {  	_ = 	snop;
	(pc) =	sbr.rel .LBB2_82-.Ltmp59, $1  }
0x159: {  	_ =	sdelay $0x3  }
.LBB2_65:
0x15a: {  	p0 =	sgt.s32 s14, $0x5  }
.Ltmp60:
0x15b: {  	_ = 	snop;
	(pc) =	sbr.rel @p0 .LBB2_70-.Ltmp60, $1  }
0x15c: {  	_ =	sdelay $0x3  }
0x15d: {  	p0 =	seq.s32 s14, $0x4  }
.Ltmp61:
0x15e: {  	_ = 	snop;
	(pc) =	sbr.rel @p0 .LBB2_78-.Ltmp61, $1  }
0x15f: {  	_ =	sdelay $0x3  }
0x160: {  	p0 =	seq.s32 s14, $0x5  }
.Ltmp62:
0x161: {  	_ = 	snop;
	(pc) =	sbr.rel @!p0 .LBB2_82-.Ltmp62, $1  }
0x162: {  	_ =	sdelay $0x3  }
0x163: {  	s0 =	simm.s32 $0x180;
	s14 =	rddreg [dreg:$0x1f]  }
0x164: {  	[tilespmem:s0], [sflag:$0x3] =	stream.linear.gather [hbm4b:s14+s11], $0x80, $0x38;
	[tilespmem:$0xC880] =	vst v63  }
0x165: {  	s0 =	simm.s32 $0x1400  }
.LBB2_69:
0x166: {  	p0 =	seq.s32 s0, $0x31400  }
.Ltmp63:
0x167: {  	_ = 	snop;
	(pc) =	sbr.rel @!p0 .LBB2_69-.Ltmp63, $4  }
0x168: {  	_ = 	snop  }
0x169: {  	s1 =	sshra.s32 s0, $0x2;
	s0 =	sadd.s32 $0x1000, s0  }
0x16a: {  	s14 =	sadd.s32 $0x4000, s14;
	s1 =	sadd.s32 $0x80, s1  }
0x16b: {  	[tilespmem:s1], [sflag:$0x3] =	stream.linear.gather [hbm4b:s14+s11], $0x80, $0x38;
	[tilespmem:$0xC880] =	vst v63  }
.Ltmp64:
0x16c: {  	_ = 	snop;
	(pc) =	sbr.rel .LBB2_82-.Ltmp64, $1  }
0x16d: {  	_ =	sdelay $0x3  }
.LBB2_61:
0x16e: {  	p0 =	seq.s32 s14, $0x2  }
.Ltmp65:
0x16f: {  	_ = 	snop;
	(pc) =	sbr.rel @p0 .LBB2_76-.Ltmp65, $1  }
0x170: {  	_ =	sdelay $0x3  }
0x171: {  	p0 =	seq.s32 s14, $0x3  }
.Ltmp66:
0x172: {  	_ = 	snop;
	(pc) =	sbr.rel @!p0 .LBB2_82-.Ltmp66, $1  }
0x173: {  	_ =	sdelay $0x3  }
0x174: {  	s0 =	simm.s32 $0x180;
	s14 =	rddreg [dreg:$0x1d]  }
0x175: {  	[tilespmem:s0], [sflag:$0x3] =	stream.linear.gather [hbm4b:s14+s11], $0x80, $0x38;
	[tilespmem:$0xC880] =	vst v63  }
0x176: {  	s0 =	simm.s32 $0x1400  }
.LBB2_64:
0x177: {  	p0 =	seq.s32 s0, $0x31400  }
.Ltmp67:
0x178: {  	_ = 	snop;
	(pc) =	sbr.rel @!p0 .LBB2_64-.Ltmp67, $4  }
0x179: {  	_ = 	snop  }
0x17a: {  	s1 =	sshra.s32 s0, $0x2;
	s0 =	sadd.s32 $0x1000, s0  }
0x17b: {  	s14 =	sadd.s32 $0x4000, s14;
	s1 =	sadd.s32 $0x80, s1  }
0x17c: {  	[tilespmem:s1], [sflag:$0x3] =	stream.linear.gather [hbm4b:s14+s11], $0x80, $0x38;
	[tilespmem:$0xC880] =	vst v63  }
.Ltmp68:
0x17d: {  	_ = 	snop;
	(pc) =	sbr.rel .LBB2_82-.Ltmp68, $1  }
0x17e: {  	_ =	sdelay $0x3  }
.LBB2_70:
0x17f: {  	p0 =	seq.s32 s14, $0x6  }
.Ltmp69:
0x180: {  	_ = 	snop;
	(pc) =	sbr.rel @p0 .LBB2_80-.Ltmp69, $1  }
0x181: {  	_ =	sdelay $0x3  }
0x182: {  	p0 =	seq.s32 s14, $0x7  }
.Ltmp70:
0x183: {  	_ = 	snop;
	(pc) =	sbr.rel @!p0 .LBB2_82-.Ltmp70, $1  }
0x184: {  	_ =	sdelay $0x3  }
0x185: {  	s14 =	sld [smem:$0x7F4];
	_ =	sdelay $0x1  }
0x186: {  	s0 =	simm.s32 $0x180  }
0x187: {  	[tilespmem:s0], [sflag:$0x3] =	stream.linear.gather [hbm4b:s14+s11], $0x80, $0x38;
	[tilespmem:$0xC880] =	vst v63  }
0x188: {  	s0 =	simm.s32 $0x1400  }
.LBB2_73:
0x189: {  	p0 =	sne.s32 s0, $0x31400  }
.Ltmp71:
0x18a: {  	_ = 	snop;
	(pc) =	sbr.rel @p0 .LBB2_73-.Ltmp71, $4  }
0x18b: {  	_ = 	snop  }
0x18c: {  	s1 =	sshra.s32 s0, $0x2;
	s0 =	sadd.s32 $0x1000, s0  }
0x18d: {  	s14 =	sadd.s32 $0x4000, s14;
	s1 =	sadd.s32 $0x80, s1  }
0x18e: {  	[tilespmem:s1], [sflag:$0x3] =	stream.linear.gather [hbm4b:s14+s11], $0x80, $0x38;
	[tilespmem:$0xC880] =	vst v63  }
.Ltmp72:
0x18f: {  	_ = 	snop;
	(pc) =	sbr.rel .LBB2_82-.Ltmp72, $1  }
0x190: {  	_ =	sdelay $0x3  }
.LBB2_74:
0x191: {  	s14 =	sld [smem:$0x7F5];
	_ =	sdelay $0x1  }
0x192: {  	s0 =	simm.s32 $0x180  }
0x193: {  	[tilespmem:s0], [sflag:$0x3] =	stream.linear.gather [hbm4b:s14+s11], $0x80, $0x38;
	[tilespmem:$0xC880] =	vst v63  }
0x194: {  	s0 =	simm.s32 $0x1400  }
.LBB2_75:
0x195: {  	p0 =	seq.s32 s0, $0x31400  }
.Ltmp73:
0x196: {  	_ = 	snop;
	(pc) =	sbr.rel @!p0 .LBB2_75-.Ltmp73, $4  }
0x197: {  	_ = 	snop  }
0x198: {  	s1 =	sshra.s32 s0, $0x2;
	s0 =	sadd.s32 $0x1000, s0  }
0x199: {  	s14 =	sadd.s32 $0x4000, s14;
	s1 =	sadd.s32 $0x80, s1  }
0x19a: {  	[tilespmem:s1], [sflag:$0x3] =	stream.linear.gather [hbm4b:s14+s11], $0x80, $0x38;
	[tilespmem:$0xC880] =	vst v63  }
.Ltmp74:
0x19b: {  	_ = 	snop;
	(pc) =	sbr.rel .LBB2_82-.Ltmp74, $1  }
0x19c: {  	_ =	sdelay $0x3  }
.LBB2_78:
0x19d: {  	s0 =	simm.s32 $0x180;
	s14 =	rddreg [dreg:$0x1e]  }
0x19e: {  	[tilespmem:s0], [sflag:$0x3] =	stream.linear.gather [hbm4b:s14+s11], $0x80, $0x38;
	[tilespmem:$0xC880] =	vst v63  }
0x19f: {  	s0 =	simm.s32 $0x1400  }
.LBB2_79:
0x1a0: {  	p0 =	seq.s32 s0, $0x31400  }
.Ltmp75:
0x1a1: {  	_ = 	snop;
	(pc) =	sbr.rel @!p0 .LBB2_79-.Ltmp75, $4  }
0x1a2: {  	_ = 	snop  }
0x1a3: {  	s1 =	sshra.s32 s0, $0x2;
	s0 =	sadd.s32 $0x1000, s0  }
0x1a4: {  	s14 =	sadd.s32 $0x4000, s14;
	s1 =	sadd.s32 $0x80, s1  }
0x1a5: {  	[tilespmem:s1], [sflag:$0x3] =	stream.linear.gather [hbm4b:s14+s11], $0x80, $0x38;
	[tilespmem:$0xC880] =	vst v63  }
.Ltmp76:
0x1a6: {  	_ = 	snop;
	(pc) =	sbr.rel .LBB2_82-.Ltmp76, $1  }
0x1a7: {  	_ =	sdelay $0x3  }
.LBB2_76:
0x1a8: {  	s0 =	simm.s32 $0x180;
	s14 =	rddreg [dreg:$0x1c]  }
0x1a9: {  	[tilespmem:s0], [sflag:$0x3] =	stream.linear.gather [hbm4b:s14+s11], $0x80, $0x38;
	[tilespmem:$0xC880] =	vst v63  }
0x1aa: {  	s0 =	simm.s32 $0x1400  }
.LBB2_77:
0x1ab: {  	p0 =	seq.s32 s0, $0x31400  }
.Ltmp77:
0x1ac: {  	_ = 	snop;
	(pc) =	sbr.rel @!p0 .LBB2_77-.Ltmp77, $4  }
0x1ad: {  	_ = 	snop  }
0x1ae: {  	s1 =	sshra.s32 s0, $0x2;
	s0 =	sadd.s32 $0x1000, s0  }
0x1af: {  	s14 =	sadd.s32 $0x4000, s14;
	s1 =	sadd.s32 $0x80, s1  }
0x1b0: {  	[tilespmem:s1], [sflag:$0x3] =	stream.linear.gather [hbm4b:s14+s11], $0x80, $0x38;
	[tilespmem:$0xC880] =	vst v63  }
.Ltmp78:
0x1b1: {  	_ = 	snop;
	(pc) =	sbr.rel .LBB2_82-.Ltmp78, $1  }
0x1b2: {  	_ =	sdelay $0x3  }
.LBB2_80:
0x1b3: {  	s14 =	sld [smem:$0x7F3];
	_ =	sdelay $0x1  }
0x1b4: {  	s0 =	simm.s32 $0x180  }
0x1b5: {  	[tilespmem:s0], [sflag:$0x3] =	stream.linear.gather [hbm4b:s14+s11], $0x80, $0x38;
	[tilespmem:$0xC880] =	vst v63  }
0x1b6: {  	s0 =	simm.s32 $0x1400  }
.LBB2_81:
0x1b7: {  	p0 =	seq.s32 s0, $0x31400  }
.Ltmp79:
0x1b8: {  	_ = 	snop;
	(pc) =	sbr.rel @!p0 .LBB2_81-.Ltmp79, $4  }
0x1b9: {  	_ = 	snop  }
0x1ba: {  	s1 =	sshra.s32 s0, $0x2;
	s0 =	sadd.s32 $0x1000, s0  }
0x1bb: {  	s14 =	sadd.s32 $0x4000, s14;
	s1 =	sadd.s32 $0x80, s1  }
0x1bc: {  	[tilespmem:s1], [sflag:$0x3] =	stream.linear.gather [hbm4b:s14+s11], $0x80, $0x38;
	[tilespmem:$0xC880] =	vst v63  }
.LBB2_82:
0x1bd: {  	v0 =	vld [tilespmem:$0x3];
	_ =	sdelay $0x4  }
0x1be: {  	(v2sf) =	vpush v0, $0x0;
	_ =	sdelay $0xe  }
0x1bf: {  	s14 =	spop (v2sf)  }
0x1c0: {  	p0 =	sgt.s32 s14, $0x3  }
.Ltmp80:
0x1c1: {  	_ = 	snop;
	(pc) =	sbr.rel @p0 .LBB2_92-.Ltmp80, $1  }
0x1c2: {  	_ =	sdelay $0x3  }
0x1c3: {  	p0 =	sgt.s32 s14, $0x1  }
.Ltmp81:
0x1c4: {  	_ = 	snop;
	(pc) =	sbr.rel @p0 .LBB2_88-.Ltmp81, $1  }
0x1c5: {  	_ =	sdelay $0x3  }
0x1c6: {  	p0 =	seq.s32 s14, $0x0  }
.Ltmp82:
0x1c7: {  	_ = 	snop;
	(pc) =	sbr.rel @p0 .LBB2_101-.Ltmp82, $1  }
0x1c8: {  	_ =	sdelay $0x3  }
0x1c9: {  	p0 =	seq.s32 s14, $0x1  }
.Ltmp83:
0x1ca: {  	_ = 	snop;
	(pc) =	sbr.rel @!p0 .LBB2_109-.Ltmp83, $1  }
0x1cb: {  	_ =	sdelay $0x3  }
0x1cc: {  	s14 =	sld [smem:$0x7F6];
	_ =	sdelay $0x1  }
0x1cd: {  	s0 =	simm.s32 $0x200  }
0x1ce: {  	[tilespmem:s0], [sflag:$0x4] =	stream.linear.gather [hbm4b:s14+s11], $0x80, $0x38;
	[tilespmem:$0xC880] =	vst v63  }
0x1cf: {  	s0 =	simm.s32 $0x1600  }
.LBB2_87:
0x1d0: {  	p0 =	seq.s32 s0, $0x31600  }
.Ltmp84:
0x1d1: {  	_ = 	snop;
	(pc) =	sbr.rel @!p0 .LBB2_87-.Ltmp84, $4  }
0x1d2: {  	_ = 	snop  }
0x1d3: {  	s1 =	sshra.s32 s0, $0x2;
	s0 =	sadd.s32 $0x1000, s0  }
0x1d4: {  	s14 =	sadd.s32 $0x4000, s14;
	s1 =	sadd.s32 $0x80, s1  }
0x1d5: {  	[tilespmem:s1], [sflag:$0x4] =	stream.linear.gather [hbm4b:s14+s11], $0x80, $0x38;
	[tilespmem:$0xC880] =	vst v63  }
.Ltmp85:
0x1d6: {  	_ = 	snop;
	(pc) =	sbr.rel .LBB2_109-.Ltmp85, $1  }
0x1d7: {  	_ =	sdelay $0x3  }
.LBB2_92:
0x1d8: {  	p0 =	sgt.s32 s14, $0x5  }
.Ltmp86:
0x1d9: {  	_ = 	snop;
	(pc) =	sbr.rel @p0 .LBB2_97-.Ltmp86, $1  }
0x1da: {  	_ =	sdelay $0x3  }
0x1db: {  	p0 =	seq.s32 s14, $0x4  }
.Ltmp87:
0x1dc: {  	_ = 	snop;
	(pc) =	sbr.rel @p0 .LBB2_105-.Ltmp87, $1  }
0x1dd: {  	_ =	sdelay $0x3  }
0x1de: {  	p0 =	seq.s32 s14, $0x5  }
.Ltmp88:
0x1df: {  	_ = 	snop;
	(pc) =	sbr.rel @!p0 .LBB2_109-.Ltmp88, $1  }
0x1e0: {  	_ =	sdelay $0x3  }
0x1e1: {  	s14 =	sld [smem:$0x7FA];
	_ =	sdelay $0x1  }
0x1e2: {  	s0 =	simm.s32 $0x200  }
0x1e3: {  	[tilespmem:s0], [sflag:$0x4] =	stream.linear.gather [hbm4b:s14+s11], $0x80, $0x38;
	[tilespmem:$0xC880] =	vst v63  }
0x1e4: {  	s0 =	simm.s32 $0x1600  }
.LBB2_96:
0x1e5: {  	p0 =	seq.s32 s0, $0x31600  }
.Ltmp89:
0x1e6: {  	_ = 	snop;
	(pc) =	sbr.rel @!p0 .LBB2_96-.Ltmp89, $4  }
0x1e7: {  	_ = 	snop  }
0x1e8: {  	s1 =	sshra.s32 s0, $0x2;
	s0 =	sadd.s32 $0x1000, s0  }
0x1e9: {  	s14 =	sadd.s32 $0x4000, s14;
	s1 =	sadd.s32 $0x80, s1  }
0x1ea: {  	[tilespmem:s1], [sflag:$0x4] =	stream.linear.gather [hbm4b:s14+s11], $0x80, $0x38;
	[tilespmem:$0xC880] =	vst v63  }
.Ltmp90:
0x1eb: {  	_ = 	snop;
	(pc) =	sbr.rel .LBB2_109-.Ltmp90, $1  }
0x1ec: {  	_ =	sdelay $0x3  }
.LBB2_88:
0x1ed: {  	p0 =	seq.s32 s14, $0x2  }
.Ltmp91:
0x1ee: {  	_ = 	snop;
	(pc) =	sbr.rel @p0 .LBB2_103-.Ltmp91, $1  }
0x1ef: {  	_ =	sdelay $0x3  }
0x1f0: {  	p0 =	seq.s32 s14, $0x3  }
.Ltmp92:
0x1f1: {  	_ = 	snop;
	(pc) =	sbr.rel @!p0 .LBB2_109-.Ltmp92, $1  }
0x1f2: {  	_ =	sdelay $0x3  }
0x1f3: {  	s14 =	sld [smem:$0x7F8];
	_ =	sdelay $0x1  }
0x1f4: {  	s0 =	simm.s32 $0x200  }
0x1f5: {  	[tilespmem:s0], [sflag:$0x4] =	stream.linear.gather [hbm4b:s14+s11], $0x80, $0x38;
	[tilespmem:$0xC880] =	vst v63  }
0x1f6: {  	s0 =	simm.s32 $0x1600  }
.LBB2_91:
0x1f7: {  	p0 =	seq.s32 s0, $0x31600  }
.Ltmp93:
0x1f8: {  	_ = 	snop;
	(pc) =	sbr.rel @!p0 .LBB2_91-.Ltmp93, $4  }
0x1f9: {  	_ = 	snop  }
0x1fa: {  	s1 =	sshra.s32 s0, $0x2;
	s0 =	sadd.s32 $0x1000, s0  }
0x1fb: {  	s14 =	sadd.s32 $0x4000, s14;
	s1 =	sadd.s32 $0x80, s1  }
0x1fc: {  	[tilespmem:s1], [sflag:$0x4] =	stream.linear.gather [hbm4b:s14+s11], $0x80, $0x38;
	[tilespmem:$0xC880] =	vst v63  }
.Ltmp94:
0x1fd: {  	_ = 	snop;
	(pc) =	sbr.rel .LBB2_109-.Ltmp94, $1  }
0x1fe: {  	_ =	sdelay $0x3  }
.LBB2_97:
0x1ff: {  	p0 =	seq.s32 s14, $0x6  }
.Ltmp95:
0x200: {  	_ = 	snop;
	(pc) =	sbr.rel @p0 .LBB2_107-.Ltmp95, $1  }
0x201: {  	_ =	sdelay $0x3  }
0x202: {  	p0 =	seq.s32 s14, $0x7  }
.Ltmp96:
0x203: {  	_ = 	snop;
	(pc) =	sbr.rel @!p0 .LBB2_109-.Ltmp96, $1  }
0x204: {  	_ =	sdelay $0x3  }
0x205: {  	s14 =	sld [smem:$0x7FC];
	_ =	sdelay $0x1  }
0x206: {  	s0 =	simm.s32 $0x200  }
0x207: {  	[tilespmem:s0], [sflag:$0x4] =	stream.linear.gather [hbm4b:s14+s11], $0x80, $0x38;
	[tilespmem:$0xC880] =	vst v63  }
0x208: {  	s0 =	simm.s32 $0x1600  }
.LBB2_100:
0x209: {  	p0 =	sne.s32 s0, $0x31600  }
.Ltmp97:
0x20a: {  	_ = 	snop;
	(pc) =	sbr.rel @p0 .LBB2_100-.Ltmp97, $4  }
0x20b: {  	_ = 	snop  }
0x20c: {  	s1 =	sshra.s32 s0, $0x2;
	s0 =	sadd.s32 $0x1000, s0  }
0x20d: {  	s14 =	sadd.s32 $0x4000, s14;
	s1 =	sadd.s32 $0x80, s1  }
0x20e: {  	[tilespmem:s1], [sflag:$0x4] =	stream.linear.gather [hbm4b:s14+s11], $0x80, $0x38;
	[tilespmem:$0xC880] =	vst v63  }
.Ltmp98:
0x20f: {  	_ = 	snop;
	(pc) =	sbr.rel .LBB2_109-.Ltmp98, $1  }
0x210: {  	_ =	sdelay $0x3  }
.LBB2_101:
0x211: {  	s14 =	sld [smem:$0x7FD];
	_ =	sdelay $0x1  }
0x212: {  	s0 =	simm.s32 $0x200  }
0x213: {  	[tilespmem:s0], [sflag:$0x4] =	stream.linear.gather [hbm4b:s14+s11], $0x80, $0x38;
	[tilespmem:$0xC880] =	vst v63  }
0x214: {  	s0 =	simm.s32 $0x1600  }
.LBB2_102:
0x215: {  	p0 =	seq.s32 s0, $0x31600  }
.Ltmp99:
0x216: {  	_ = 	snop;
	(pc) =	sbr.rel @!p0 .LBB2_102-.Ltmp99, $4  }
0x217: {  	_ = 	snop  }
0x218: {  	s1 =	sshra.s32 s0, $0x2;
	s0 =	sadd.s32 $0x1000, s0  }
0x219: {  	s14 =	sadd.s32 $0x4000, s14;
	s1 =	sadd.s32 $0x80, s1  }
0x21a: {  	[tilespmem:s1], [sflag:$0x4] =	stream.linear.gather [hbm4b:s14+s11], $0x80, $0x38;
	[tilespmem:$0xC880] =	vst v63  }
.Ltmp100:
0x21b: {  	_ = 	snop;
	(pc) =	sbr.rel .LBB2_109-.Ltmp100, $1  }
0x21c: {  	_ =	sdelay $0x3  }
.LBB2_105:
0x21d: {  	s14 =	sld [smem:$0x7F9];
	_ =	sdelay $0x1  }
0x21e: {  	s0 =	simm.s32 $0x200  }
0x21f: {  	[tilespmem:s0], [sflag:$0x4] =	stream.linear.gather [hbm4b:s14+s11], $0x80, $0x38;
	[tilespmem:$0xC880] =	vst v63  }
0x220: {  	s0 =	simm.s32 $0x1600  }
.LBB2_106:
0x221: {  	p0 =	seq.s32 s0, $0x31600  }
.Ltmp101:
0x222: {  	_ = 	snop;
	(pc) =	sbr.rel @!p0 .LBB2_106-.Ltmp101, $4  }
0x223: {  	_ = 	snop  }
0x224: {  	s1 =	sshra.s32 s0, $0x2;
	s0 =	sadd.s32 $0x1000, s0  }
0x225: {  	s14 =	sadd.s32 $0x4000, s14;
	s1 =	sadd.s32 $0x80, s1  }
0x226: {  	[tilespmem:s1], [sflag:$0x4] =	stream.linear.gather [hbm4b:s14+s11], $0x80, $0x38;
	[tilespmem:$0xC880] =	vst v63  }
.Ltmp102:
0x227: {  	_ = 	snop;
	(pc) =	sbr.rel .LBB2_109-.Ltmp102, $1  }
0x228: {  	_ =	sdelay $0x3  }
.LBB2_103:
0x229: {  	s14 =	sld [smem:$0x7F7];
	_ =	sdelay $0x1  }
0x22a: {  	s0 =	simm.s32 $0x200  }
0x22b: {  	[tilespmem:s0], [sflag:$0x4] =	stream.linear.gather [hbm4b:s14+s11], $0x80, $0x38;
	[tilespmem:$0xC880] =	vst v63  }
0x22c: {  	s0 =	simm.s32 $0x1600  }
.LBB2_104:
0x22d: {  	p0 =	seq.s32 s0, $0x31600  }
.Ltmp103:
0x22e: {  	_ = 	snop;
	(pc) =	sbr.rel @!p0 .LBB2_104-.Ltmp103, $4  }
0x22f: {  	_ = 	snop  }
0x230: {  	s1 =	sshra.s32 s0, $0x2;
	s0 =	sadd.s32 $0x1000, s0  }
0x231: {  	s14 =	sadd.s32 $0x4000, s14;
	s1 =	sadd.s32 $0x80, s1  }
0x232: {  	[tilespmem:s1], [sflag:$0x4] =	stream.linear.gather [hbm4b:s14+s11], $0x80, $0x38;
	[tilespmem:$0xC880] =	vst v63  }
.Ltmp104:
0x233: {  	_ = 	snop;
	(pc) =	sbr.rel .LBB2_109-.Ltmp104, $1  }
0x234: {  	_ =	sdelay $0x3  }
.LBB2_107:
0x235: {  	s14 =	sld [smem:$0x7FB];
	_ =	sdelay $0x1  }
0x236: {  	s0 =	simm.s32 $0x200  }
0x237: {  	[tilespmem:s0], [sflag:$0x4] =	stream.linear.gather [hbm4b:s14+s11], $0x80, $0x38;
	[tilespmem:$0xC880] =	vst v63  }
0x238: {  	s0 =	simm.s32 $0x1600  }
.LBB2_108:
0x239: {  	p0 =	seq.s32 s0, $0x31600  }
.Ltmp105:
0x23a: {  	_ = 	snop;
	(pc) =	sbr.rel @!p0 .LBB2_108-.Ltmp105, $4  }
0x23b: {  	_ = 	snop  }
0x23c: {  	s1 =	sshra.s32 s0, $0x2;
	s0 =	sadd.s32 $0x1000, s0  }
0x23d: {  	s14 =	sadd.s32 $0x4000, s14;
	s1 =	sadd.s32 $0x80, s1  }
0x23e: {  	[tilespmem:s1], [sflag:$0x4] =	stream.linear.gather [hbm4b:s14+s11], $0x80, $0x38;
	[tilespmem:$0xC880] =	vst v63  }
.LBB2_109:
.Ltmp106:
0x23f: {  	(pc) =	sbr.rel .LBB2_110-.Ltmp106, $2  }
0x240: {  	_ =	sdelay $0x2  }
0x241: {  	s14 =	simm.s32 $0x0;
	s15 =	simm.s32 $0x4;
	s16 =	simm.s32 $0x0  }
.LBB2_140:
0x242: {  	s16 =	sadd.s32 $0x1, s16  }
0x243: {  	p0 =	sne.s32 s16, $0x20  }
.Ltmp107:
0x244: {  	_ = 	snop;
	(pc) =	sbr.rel @!p0 .LBB2_141-.Ltmp107, $2  }
0x245: {  	_ =	sdelay $0x2  }
0x246: {  	s14 =	sadd.s32 $0x1, s14;
	s15 =	sadd.s32 $0x1, s15  }
.LBB2_110:
0x247: {  	s19 =	sadd.s32 $0x4, s16;
	s0 =	sadd.s32 $0xFFFFFFFC, s16;
	s1 =	sand.u32 $0x7, s15  }
0x248: {  	s17 =	sand.u32 $0x7, s14;
	s18 =	sand.u32 $0x7, s19;
	p0 =	sgt.u32 s0, $0x17  }
0x249: {  	s21 =	sand.u32 $0x7, s16;
	s2 =	sshll.u32 s16, $0x4;
	s0 =	sadd.s32 @!p0 $0x9, s18  }
0x24a: {  	s17 =	sshll.u32 s17, $0x7;
	s2 =	sand.u32 $0x70, s2;
	_ =	swait.ge @!p0 [sflag:s0], $0x320  }
0x24b: {  	s1 =	sshll.u32 s1, $0x7;
	s20 =	sadd.s32 $0x80, s17;
	[sflag:s0] =	ssyncset.done @!p0 $0x0  }
0x24c: {  	s17 =	sadd.s32 s12, s16;
	[sflag:s0] =	ssyncadd.s32 @!p0 $0xFFFFFCE0;
	s0 =	sadd.s32 $0x1, s21  }
0x24d: {  	s2 =	sadd.s32 s10, s2;
	s17 =	sshll.u32 s17, $0x4;
	_ =	swait.ge [sflag:s0], $0x1900  }
0x24e: {  	s17 =	sand.u32 $0x3F80, s17;
	s21 =	sadd.s32 $0x9, s21;
	[sflag:s0] =	ssyncset.done $0x0  }
0x24f: {  	[sflag:s0] =	ssyncadd.s32 $0xFFFFE700;
	s0 =	sadd.s32 s17, s2;
	s17 =	sadd.s32 $0x0, s20  }
0x250: {  	[hbm4b:s0+s11] =	stream.linear.scatter [tilespmem:s17], [sflag:s21], $0x80, $0x38;
	[tilespmem:$0xC880] =	vst v63  }
0x251: {  	s17 =	sadd.s32 $0x80, s1;
	s1 =	simm.s32 $0x1000  }
.LBB2_111:
0x252: {  	p0 =	sne.s32 s1, $0x31000  }
.Ltmp108:
0x253: {  	_ = 	snop;
	(pc) =	sbr.rel @p0 .LBB2_111-.Ltmp108, $4  }
0x254: {  	_ = 	snop  }
0x255: {  	s2 =	sshra.s32 s1, $0x2;
	s1 =	sadd.s32 $0x1000, s1  }
0x256: {  	s0 =	sadd.s32 $0x4000, s0;
	s2 =	sadd.s32 s2, s20  }
0x257: {  	[hbm4b:s0+s11] =	stream.linear.scatter [tilespmem:s2], [sflag:s21], $0x80, $0x38;
	[tilespmem:$0xC880] =	vst v63  }
0x258: {  	p0 =	sgt.u32 s16, $0x1B  }
.Ltmp109:
0x259: {  	_ = 	snop;
	(pc) =	sbr.rel @p0 .LBB2_140-.Ltmp109, $1  }
0x25a: {  	_ =	sdelay $0x3  }
0x25b: {  	v0 =	vld [tilespmem:s16+$0x4];
	_ =	sdelay $0x4  }
0x25c: {  	(v2sf) =	vpush v0, $0x0;
	_ =	sdelay $0xe  }
0x25d: {  	s20 =	spop (v2sf)  }
0x25e: {  	p0 =	sgt.s32 s20, $0x3  }
.Ltmp110:
0x25f: {  	_ = 	snop;
	(pc) =	sbr.rel @p0 .LBB2_123-.Ltmp110, $1  }
0x260: {  	_ =	sdelay $0x3  }
0x261: {  	p0 =	sgt.s32 s20, $0x1  }
.Ltmp111:
0x262: {  	_ = 	snop;
	(pc) =	sbr.rel @p0 .LBB2_119-.Ltmp111, $1  }
0x263: {  	_ =	sdelay $0x3  }
0x264: {  	p0 =	seq.s32 s20, $0x0  }
.Ltmp112:
0x265: {  	_ = 	snop;
	(pc) =	sbr.rel @p0 .LBB2_132-.Ltmp112, $1  }
0x266: {  	_ =	sdelay $0x3  }
0x267: {  	p0 =	seq.s32 s20, $0x1  }
.Ltmp113:
0x268: {  	_ = 	snop;
	(pc) =	sbr.rel @!p0 .LBB2_140-.Ltmp113, $1  }
0x269: {  	_ =	sdelay $0x3  }
0x26a: {  	s0 =	sadd.s32 s12, s19;
	s1 =	sshll.u32 s19, $0x4  }
0x26b: {  	s20 =	rddreg [dreg:$0x1];
	s0 =	sshll.u32 s0, $0x4;
	s1 =	sand.u32 $0x70, s1  }
0x26c: {  	s21 =	sadd.s32 $0x0, s17;
	s2 =	sand.u32 $0x7F80, s0;
	s1 =	sadd.s32 s20, s1  }
0x26d: {  	s0 =	sadd.s32 $0x1, s18;
	s18 =	sadd.s32 s2, s1;
	s1 =	simm.s32 $0x1000  }
0x26e: {  	[tilespmem:s21], [sflag:s0] =	stream.linear.gather [hbm4b:s18+s11], $0x80, $0x38;
	[tilespmem:$0xC880] =	vst v63  }
.LBB2_118:
0x26f: {  	p0 =	seq.s32 s1, $0x31000  }
.Ltmp114:
0x270: {  	_ = 	snop;
	(pc) =	sbr.rel @!p0 .LBB2_118-.Ltmp114, $4  }
0x271: {  	_ = 	snop  }
0x272: {  	s2 =	sshra.s32 s1, $0x2;
	s1 =	sadd.s32 $0x1000, s1  }
0x273: {  	s18 =	sadd.s32 $0x4000, s18;
	s2 =	sadd.s32 s2, s17  }
0x274: {  	[tilespmem:s2], [sflag:s0] =	stream.linear.gather [hbm4b:s18+s11], $0x80, $0x38;
	[tilespmem:$0xC880] =	vst v63  }
.Ltmp115:
0x275: {  	_ = 	snop;
	(pc) =	sbr.rel .LBB2_140-.Ltmp115, $1  }
0x276: {  	_ =	sdelay $0x3  }
.LBB2_123:
0x277: {  	p0 =	sgt.s32 s20, $0x5  }
.Ltmp116:
0x278: {  	_ = 	snop;
	(pc) =	sbr.rel @p0 .LBB2_128-.Ltmp116, $1  }
0x279: {  	_ =	sdelay $0x3  }
0x27a: {  	p0 =	seq.s32 s20, $0x4  }
.Ltmp117:
0x27b: {  	_ = 	snop;
	(pc) =	sbr.rel @p0 .LBB2_136-.Ltmp117, $1  }
0x27c: {  	_ =	sdelay $0x3  }
0x27d: {  	p0 =	seq.s32 s20, $0x5  }
.Ltmp118:
0x27e: {  	_ = 	snop;
	(pc) =	sbr.rel @!p0 .LBB2_140-.Ltmp118, $1  }
0x27f: {  	_ =	sdelay $0x3  }
0x280: {  	s0 =	sadd.s32 s12, s19;
	s1 =	sshll.u32 s19, $0x4  }
0x281: {  	s0 =	sshll.u32 s0, $0x4;
	s1 =	sand.u32 $0x70, s1  }
0x282: {  	s21 =	sadd.s32 $0x0, s17;
	s2 =	sand.u32 $0x7F80, s0;
	s1 =	sadd.s32 s5, s1  }
0x283: {  	s0 =	sadd.s32 $0x1, s18;
	s18 =	sadd.s32 s2, s1;
	s1 =	simm.s32 $0x1000  }
0x284: {  	[tilespmem:s21], [sflag:s0] =	stream.linear.gather [hbm4b:s18+s11], $0x80, $0x38;
	[tilespmem:$0xC880] =	vst v63  }
.LBB2_127:
0x285: {  	p0 =	seq.s32 s1, $0x31000  }
.Ltmp119:
0x286: {  	_ = 	snop;
	(pc) =	sbr.rel @!p0 .LBB2_127-.Ltmp119, $4  }
0x287: {  	_ = 	snop  }
0x288: {  	s2 =	sshra.s32 s1, $0x2;
	s1 =	sadd.s32 $0x1000, s1  }
0x289: {  	s18 =	sadd.s32 $0x4000, s18;
	s2 =	sadd.s32 s2, s17  }
0x28a: {  	[tilespmem:s2], [sflag:s0] =	stream.linear.gather [hbm4b:s18+s11], $0x80, $0x38;
	[tilespmem:$0xC880] =	vst v63  }
.Ltmp120:
0x28b: {  	_ = 	snop;
	(pc) =	sbr.rel .LBB2_140-.Ltmp120, $1  }
0x28c: {  	_ =	sdelay $0x3  }
.LBB2_119:
0x28d: {  	p0 =	seq.s32 s20, $0x2  }
.Ltmp121:
0x28e: {  	_ = 	snop;
	(pc) =	sbr.rel @p0 .LBB2_134-.Ltmp121, $1  }
0x28f: {  	_ =	sdelay $0x3  }
0x290: {  	p0 =	seq.s32 s20, $0x3  }
.Ltmp122:
0x291: {  	_ = 	snop;
	(pc) =	sbr.rel @!p0 .LBB2_140-.Ltmp122, $1  }
0x292: {  	_ =	sdelay $0x3  }
0x293: {  	s0 =	sadd.s32 s12, s19;
	s1 =	sshll.u32 s19, $0x4  }
0x294: {  	s20 =	rddreg [dreg:$0x3];
	s0 =	sshll.u32 s0, $0x4;
	s1 =	sand.u32 $0x70, s1  }
0x295: {  	s21 =	sadd.s32 $0x0, s17;
	s2 =	sand.u32 $0x7F80, s0;
	s1 =	sadd.s32 s20, s1  }
0x296: {  	s0 =	sadd.s32 $0x1, s18;
	s18 =	sadd.s32 s2, s1;
	s1 =	simm.s32 $0x1000  }
0x297: {  	[tilespmem:s21], [sflag:s0] =	stream.linear.gather [hbm4b:s18+s11], $0x80, $0x38;
	[tilespmem:$0xC880] =	vst v63  }
.LBB2_122:
0x298: {  	p0 =	seq.s32 s1, $0x31000  }
.Ltmp123:
0x299: {  	_ = 	snop;
	(pc) =	sbr.rel @!p0 .LBB2_122-.Ltmp123, $4  }
0x29a: {  	_ = 	snop  }
0x29b: {  	s2 =	sshra.s32 s1, $0x2;
	s1 =	sadd.s32 $0x1000, s1  }
0x29c: {  	s18 =	sadd.s32 $0x4000, s18;
	s2 =	sadd.s32 s2, s17  }
0x29d: {  	[tilespmem:s2], [sflag:s0] =	stream.linear.gather [hbm4b:s18+s11], $0x80, $0x38;
	[tilespmem:$0xC880] =	vst v63  }
.Ltmp124:
0x29e: {  	_ = 	snop;
	(pc) =	sbr.rel .LBB2_140-.Ltmp124, $1  }
0x29f: {  	_ =	sdelay $0x3  }
.LBB2_128:
0x2a0: {  	p0 =	seq.s32 s20, $0x6  }
.Ltmp125:
0x2a1: {  	_ = 	snop;
	(pc) =	sbr.rel @p0 .LBB2_138-.Ltmp125, $1  }
0x2a2: {  	_ =	sdelay $0x3  }
0x2a3: {  	p0 =	seq.s32 s20, $0x7  }
.Ltmp126:
0x2a4: {  	_ = 	snop;
	(pc) =	sbr.rel @!p0 .LBB2_140-.Ltmp126, $1  }
0x2a5: {  	_ =	sdelay $0x3  }
0x2a6: {  	s0 =	sadd.s32 s12, s19;
	s1 =	sshll.u32 s19, $0x4  }
0x2a7: {  	s0 =	sshll.u32 s0, $0x4;
	s1 =	sand.u32 $0x70, s1  }
0x2a8: {  	s21 =	sadd.s32 $0x0, s17;
	s2 =	sand.u32 $0x7F80, s0;
	s1 =	sadd.s32 s7, s1  }
0x2a9: {  	s0 =	sadd.s32 $0x1, s18;
	s18 =	sadd.s32 s2, s1;
	s1 =	simm.s32 $0x1000  }
0x2aa: {  	[tilespmem:s21], [sflag:s0] =	stream.linear.gather [hbm4b:s18+s11], $0x80, $0x38;
	[tilespmem:$0xC880] =	vst v63  }
.LBB2_131:
0x2ab: {  	p0 =	sne.s32 s1, $0x31000  }
.Ltmp127:
0x2ac: {  	_ = 	snop;
	(pc) =	sbr.rel @p0 .LBB2_131-.Ltmp127, $4  }
0x2ad: {  	_ = 	snop  }
0x2ae: {  	s2 =	sshra.s32 s1, $0x2;
	s1 =	sadd.s32 $0x1000, s1  }
0x2af: {  	s18 =	sadd.s32 $0x4000, s18;
	s2 =	sadd.s32 s2, s17  }
0x2b0: {  	[tilespmem:s2], [sflag:s0] =	stream.linear.gather [hbm4b:s18+s11], $0x80, $0x38;
	[tilespmem:$0xC880] =	vst v63  }
.Ltmp128:
0x2b1: {  	_ = 	snop;
	(pc) =	sbr.rel .LBB2_140-.Ltmp128, $1  }
0x2b2: {  	_ =	sdelay $0x3  }
.LBB2_132:
0x2b3: {  	s0 =	sadd.s32 s12, s19;
	s1 =	sshll.u32 s19, $0x4  }
0x2b4: {  	s0 =	sshll.u32 s0, $0x4;
	s1 =	sand.u32 $0x70, s1  }
0x2b5: {  	s21 =	sadd.s32 $0x0, s17;
	s2 =	sand.u32 $0x7F80, s0;
	s1 =	sadd.s32 s3, s1  }
0x2b6: {  	s0 =	sadd.s32 $0x1, s18;
	s18 =	sadd.s32 s2, s1;
	s1 =	simm.s32 $0x1000  }
0x2b7: {  	[tilespmem:s21], [sflag:s0] =	stream.linear.gather [hbm4b:s18+s11], $0x80, $0x38;
	[tilespmem:$0xC880] =	vst v63  }
.LBB2_133:
0x2b8: {  	p0 =	seq.s32 s1, $0x31000  }
.Ltmp129:
0x2b9: {  	_ = 	snop;
	(pc) =	sbr.rel @!p0 .LBB2_133-.Ltmp129, $4  }
0x2ba: {  	_ = 	snop  }
0x2bb: {  	s2 =	sshra.s32 s1, $0x2;
	s1 =	sadd.s32 $0x1000, s1  }
0x2bc: {  	s18 =	sadd.s32 $0x4000, s18;
	s2 =	sadd.s32 s2, s17  }
0x2bd: {  	[tilespmem:s2], [sflag:s0] =	stream.linear.gather [hbm4b:s18+s11], $0x80, $0x38;
	[tilespmem:$0xC880] =	vst v63  }
.Ltmp130:
0x2be: {  	_ = 	snop;
	(pc) =	sbr.rel .LBB2_140-.Ltmp130, $1  }
0x2bf: {  	_ =	sdelay $0x3  }
.LBB2_136:
0x2c0: {  	s0 =	sadd.s32 s12, s19;
	s1 =	sshll.u32 s19, $0x4  }
0x2c1: {  	s0 =	sshll.u32 s0, $0x4;
	s1 =	sand.u32 $0x70, s1  }
0x2c2: {  	s21 =	sadd.s32 $0x0, s17;
	s2 =	sand.u32 $0x7F80, s0;
	s1 =	sadd.s32 s8, s1  }
0x2c3: {  	s0 =	sadd.s32 $0x1, s18;
	s18 =	sadd.s32 s2, s1;
	s1 =	simm.s32 $0x1000  }
0x2c4: {  	[tilespmem:s21], [sflag:s0] =	stream.linear.gather [hbm4b:s18+s11], $0x80, $0x38;
	[tilespmem:$0xC880] =	vst v63  }
.LBB2_137:
0x2c5: {  	p0 =	seq.s32 s1, $0x31000  }
.Ltmp131:
0x2c6: {  	_ = 	snop;
	(pc) =	sbr.rel @!p0 .LBB2_137-.Ltmp131, $4  }
0x2c7: {  	_ = 	snop  }
0x2c8: {  	s2 =	sshra.s32 s1, $0x2;
	s1 =	sadd.s32 $0x1000, s1  }
0x2c9: {  	s18 =	sadd.s32 $0x4000, s18;
	s2 =	sadd.s32 s2, s17  }
0x2ca: {  	[tilespmem:s2], [sflag:s0] =	stream.linear.gather [hbm4b:s18+s11], $0x80, $0x38;
	[tilespmem:$0xC880] =	vst v63  }
.Ltmp132:
0x2cb: {  	_ = 	snop;
	(pc) =	sbr.rel .LBB2_140-.Ltmp132, $1  }
0x2cc: {  	_ =	sdelay $0x3  }
.LBB2_134:
0x2cd: {  	s0 =	sadd.s32 s12, s19;
	s1 =	sshll.u32 s19, $0x4  }
0x2ce: {  	s20 =	rddreg [dreg:$0x2];
	s0 =	sshll.u32 s0, $0x4;
	s1 =	sand.u32 $0x70, s1  }
0x2cf: {  	s21 =	sadd.s32 $0x0, s17;
	s2 =	sand.u32 $0x7F80, s0;
	s1 =	sadd.s32 s20, s1  }
0x2d0: {  	s0 =	sadd.s32 $0x1, s18;
	s18 =	sadd.s32 s2, s1;
	s1 =	simm.s32 $0x1000  }
0x2d1: {  	[tilespmem:s21], [sflag:s0] =	stream.linear.gather [hbm4b:s18+s11], $0x80, $0x38;
	[tilespmem:$0xC880] =	vst v63  }
.LBB2_135:
0x2d2: {  	p0 =	seq.s32 s1, $0x31000  }
.Ltmp133:
0x2d3: {  	_ = 	snop;
	(pc) =	sbr.rel @!p0 .LBB2_135-.Ltmp133, $4  }
0x2d4: {  	_ = 	snop  }
0x2d5: {  	s2 =	sshra.s32 s1, $0x2;
	s1 =	sadd.s32 $0x1000, s1  }
0x2d6: {  	s18 =	sadd.s32 $0x4000, s18;
	s2 =	sadd.s32 s2, s17  }
0x2d7: {  	[tilespmem:s2], [sflag:s0] =	stream.linear.gather [hbm4b:s18+s11], $0x80, $0x38;
	[tilespmem:$0xC880] =	vst v63  }
.Ltmp134:
0x2d8: {  	_ = 	snop;
	(pc) =	sbr.rel .LBB2_140-.Ltmp134, $1  }
0x2d9: {  	_ =	sdelay $0x3  }
.LBB2_138:
0x2da: {  	s0 =	sadd.s32 s12, s19;
	s1 =	sshll.u32 s19, $0x4  }
0x2db: {  	s0 =	sshll.u32 s0, $0x4;
	s1 =	sand.u32 $0x70, s1  }
0x2dc: {  	s21 =	sadd.s32 $0x0, s17;
	s2 =	sand.u32 $0x7F80, s0;
	s1 =	sadd.s32 s6, s1  }
0x2dd: {  	s0 =	sadd.s32 $0x1, s18;
	s18 =	sadd.s32 s2, s1;
	s1 =	simm.s32 $0x1000  }
0x2de: {  	[tilespmem:s21], [sflag:s0] =	stream.linear.gather [hbm4b:s18+s11], $0x80, $0x38;
	[tilespmem:$0xC880] =	vst v63  }
.LBB2_139:
0x2df: {  	p0 =	seq.s32 s1, $0x31000  }
.Ltmp135:
0x2e0: {  	_ = 	snop;
	(pc) =	sbr.rel @!p0 .LBB2_139-.Ltmp135, $4  }
0x2e1: {  	_ = 	snop  }
0x2e2: {  	s2 =	sshra.s32 s1, $0x2;
	s1 =	sadd.s32 $0x1000, s1  }
0x2e3: {  	s18 =	sadd.s32 $0x4000, s18;
	s2 =	sadd.s32 s2, s17  }
0x2e4: {  	[tilespmem:s2], [sflag:s0] =	stream.linear.gather [hbm4b:s18+s11], $0x80, $0x38;
	[tilespmem:$0xC880] =	vst v63  }
.Ltmp136:
0x2e5: {  	_ = 	snop;
	(pc) =	sbr.rel .LBB2_140-.Ltmp136, $1  }
0x2e6: {  	_ =	sdelay $0x3  }
.LBB2_142:
0x2e7: {  	_ =	sfence.sel $0x180000  }
0x2e8: {  	[bflag:$0x0] =	sbarrier.arrive $0xFFFF  }
0x2e9: {  	_ =	strace $0x90000047  }
0x2ea: {  	s0 =	stileid.u32;
	[bflag:$0x2] =	sbarrier.arrive $0xFFFF  }
0x2eb: {  	p0 =	sne.s32 s0, $0x0;
	s0 =	rddreg [dreg:$0xa]  }
0x2ec: {  	s0 =	sadd.s32 @!p0 $0x100000, s0  }
0x2ed: {  	[sflag:s0] =	ssyncadd.tile.s32 @!p0 $0x1;
	_ =	shalt  }
.Lfunc_end2:
_tile_overlayer_lowered:
.L_overlay_start_2:
0x2ee: {  	(tag) =	ssettag $0x2  }
0x2ef: {  	s0 =	rddreg [dreg:$0x0];
	s2 =	stileid.u32  }
0x2f0: {  	s1 =	rddreg [dreg:$0x1];
	p0 =	sne.s32 s2, $0x0  }
0x2f1: {  	s3 =	rddreg [dreg:$0x2];
	[bflag:$0x3] =	sbarrier.arrive $0xFFFF;
	s2 =	simm.s32 @!p0 $0x1C11  }
0x2f2: {  	[timem:s3], [sflag:s2] =	dma.local @!p0 [hbm:s0], s1  }
0x2f3: {  	s0 =	simm.s32 @!p0 $0x11  }
0x2f4: {  	_ =	swait.ge @!p0 [sflag:s0], s1  }
0x2f5: {  	s1 =	ssub.s32 @!p0 $0x0, s1;
	[sflag:s0] =	ssyncset.done @!p0 $0x0  }
0x2f6: {  	[sflag:s0] =	ssyncadd.s32 @!p0 s1  }
0x2f7: {  	[bflag:$0x3] =	sbarrier.arrive $0xFFFF  }
0x2f8: {  	_ =	shalt  }

</sc_bundles>
